<compile_context>
chip_gen: v7x
topology: tpu7x:2x2x1
jax: 0.10.2.dev20260603
libtpu: 0.0.44.dev20260713+nightly
codegen_flags: <defaults>
</compile_context>

<pallas_src>
import jax
import jax.numpy as jnp
from jax import lax
from jax.experimental import pallas as pl
from jax.experimental.pallas import tpu as pltpu
from jax.experimental.pallas import tpu_sc as plsc

_NF = 26
_VOC = 100001
_DIM = 16
_B = 16384
_NC = 2
_NS = 16
_NW = _NC * _NS
_BPW = _B // _NW
_LANES = 16
_GCH = 128
_HB = _BPW // 2

_RC = 1280
_LPB = _RC // 8
_NBLK = _VOC // _RC
_NLINE = _NBLK * _LPB
_TAIL0 = _NLINE * 8
_TROWS = 32
_ITS = 3


def _repack_body(tab_hbm, pk_hbm, s0, s1, o0, o1, sem_s0, sem_s1,
                 sem_w0, sem_w1):
    wid = lax.axis_index("s") * _NC + lax.axis_index("c")
    lanes = lax.iota(jnp.int32, _LANES)

    sbufs = (s0, s1)
    obufs = (o0, o1)
    sem_s = (sem_s0, sem_s1)
    sem_w = (sem_w0, sem_w1)

    def _params(it):
        bi = wid + it * _NW
        valid = bi < _NBLK
        rc = pl.multiple_of(jnp.where(valid, bi, 0) * _RC, 128)
        gd = pl.multiple_of(jnp.where(valid, bi * _LPB, _NLINE), 8)
        return rc, gd

    def _fbody(f, carry):
        def _fire_stage(it):
            rc, _ = _params(it)
            return pltpu.async_copy(
                tab_hbm.at[f, :, pl.ds(rc, _RC)],
                sbufs[it % 2].at[:, pl.ds(0, _RC)],
                sem_s[it % 2]
            )

        seven = jnp.full((_LANES,), 7, jnp.int32)

        def _extract(sb, ob):
            def _cchunk(ci, carry2, sb=sb, ob=ob):
                c16 = lanes + ci * _LANES
                rows16 = lax.shift_right_logical(c16, 3)
                colb = lax.shift_left(lax.bitwise_and(c16, seven), 4)
                for d in range(_DIM):
                    vals = sb[d, pl.ds(ci * _LANES, _LANES)]
                    plsc.store_scatter(ob, [rows16, colb + d], vals)
                return carry2

            lax.fori_loop(0, _RC // _LANES, _cchunk, 0)

        def _fire_write(it):
            _, gd = _params(it)
            return pltpu.async_copy(
                obufs[it % 2].at[:, pl.ds(0, 128)],
                pk_hbm.at[f, pl.ds(gd, _LPB), :],
                sem_w[it % 2]
            )

        cp0 = _fire_stage(0)
        cp1 = _fire_stage(1)
        cp0.wait()
        _extract(sbufs[0], obufs[0])
        w0 = _fire_write(0)
        cp2 = _fire_stage(2)
        cp1.wait()
        _extract(sbufs[1], obufs[1])
        w1 = _fire_write(1)
        cp2.wait()
        w0.wait()
        _extract(sbufs[0], obufs[0])
        w2 = _fire_write(2)
        w1.wait()
        w2.wait()
        return carry

    lax.fori_loop(0, _NF, _fbody, 0)


def _lookup_body(idx_hbm, pk_hbm, tail_hbm, out_hbm,
                 idx_v, g_v, gs_v, s_v, rows_v, acc_v, sem):
    wid = lax.axis_index("s") * _NC + lax.axis_index("c")
    base = wid * _BPW

    seven = jnp.full((_LANES,), 7, jnp.int32)
    gmax = jnp.full((_LANES,), _NLINE - 1, jnp.int32)
    nchunk = _BPW // _LANES
    hchunk = _HB // _LANES
    inv = jnp.full((_LANES,), 1.0 / _NF, jnp.float32)
    lanes = lax.iota(jnp.int32, _LANES)

    zero = jnp.full((_LANES,), 0.0, jnp.float32)

    def _zero(j, carry):
        for d in range(_DIM):
            acc_v[d, pl.ds(j * _LANES, _LANES)] = zero
        return carry

    lax.fori_loop(0, nchunk, _zero, 0)

    def _feature(f, carry):
        pltpu.sync_copy(idx_hbm.at[f, pl.ds(base, _BPW)], idx_v)
        pltpu.sync_copy(tail_hbm.at[f], rows_v.at[pl.ds(_HB, _TROWS)])

        def _split(j, carry2):
            s = pl.ds(j * _LANES, _LANES)
            v = idx_v[s]
            g = lax.shift_right_logical(v, 3)
            g_v[s] = g
            gs_v[s] = jnp.minimum(g, gmax)
            s_v[s] = lax.shift_left(lax.bitwise_and(v, seven), 4)
            return carry2

        lax.fori_loop(0, nchunk, _split, 0)

        for h in range(2):
            copies = [
                pltpu.async_copy(
                    pk_hbm.at[f].at[gs_v.at[pl.ds(h * _HB + c * _GCH, _GCH)]],
                    rows_v.at[pl.ds(c * _GCH, _GCH)],
                    sem,
                )
                for c in range(_HB // _GCH)
            ]
            for cp in copies:
                cp.wait()

            def _ext(j, carry2, h=h):
                sl = pl.ds(h * _HB + j * _LANES, _LANES)
                g16 = g_v[sl]
                rows16 = jnp.where(
                    g16 > gmax, g16 + (_HB - _NLINE), lanes + j * _LANES
                )
                cols = s_v[sl]
                for d in range(_DIM):
                    acc_v[d, sl] = acc_v[d, sl] + plsc.load_gather(
                        rows_v, [rows16, cols + d]
                    )
                return carry2

            lax.fori_loop(0, hchunk, _ext, 0)
        return carry

    lax.fori_loop(0, _NF, _feature, 0)

    def _scale(j, carry):
        for d in range(_DIM):
            sl = pl.ds(j * _LANES, _LANES)
            acc_v[d, sl] = acc_v[d, sl] * inv
        return carry

    lax.fori_loop(0, nchunk, _scale, 0)
    pltpu.sync_copy(acc_v, out_hbm.at[:, pl.ds(base, _BPW)])


def kernel(inputs, batch_size, tables):
    del batch_size
    idx_t = inputs.T
    tab_t = jnp.transpose(tables, (0, 2, 1))
    tab_tail = jnp.pad(
        lax.slice(tables, (0, _TAIL0, 0), (_NF, _VOC, _DIM)),
        ((0, 0), (0, _TROWS * 8 - (_VOC - _TAIL0)), (0, 0)),
    ).reshape(_NF, _TROWS, 128)

    repack = pl.kernel(
        _repack_body,
        out_type=jax.ShapeDtypeStruct((_NF, _NLINE + _LPB, 128), jnp.float32),
        mesh=plsc.VectorSubcoreMesh(core_axis_name="c", subcore_axis_name="s"),
        scratch_types=[
            pltpu.VMEM((_DIM, _RC + 1), jnp.float32),
            pltpu.VMEM((_DIM, _RC + 1), jnp.float32),
            pltpu.VMEM((_LPB, 129), jnp.float32),
            pltpu.VMEM((_LPB, 129), jnp.float32),
            pltpu.SemaphoreType.DMA,
            pltpu.SemaphoreType.DMA,
            pltpu.SemaphoreType.DMA,
            pltpu.SemaphoreType.DMA,
        ],
        compiler_params=pltpu.CompilerParams(
            use_tc_tiling_on_sc=True, needs_layout_passes=False
        ),
    )
    packed = repack(tab_t)

    lookup = pl.kernel(
        _lookup_body,
        out_type=jax.ShapeDtypeStruct((_DIM, _B), jnp.float32),
        mesh=plsc.VectorSubcoreMesh(core_axis_name="c", subcore_axis_name="s"),
        scratch_types=[
            pltpu.VMEM((_BPW,), jnp.int32),
            pltpu.VMEM((_BPW,), jnp.int32),
            pltpu.VMEM((_BPW,), jnp.int32),
            pltpu.VMEM((_BPW,), jnp.int32),
            pltpu.VMEM((_HB + _TROWS, 128), jnp.float32),
            pltpu.VMEM((_DIM, _BPW), jnp.float32),
            pltpu.SemaphoreType.DMA,
        ],
        compiler_params=pltpu.CompilerParams(
            use_tc_tiling_on_sc=True, needs_layout_passes=False
        ),
    )
    out_t = lookup(idx_t, packed, tab_tail)
    return out_t.T

# --- scband reference (transcript-rebuilt; emitter-appended) ---
"""Pipeline reference for scband-multi-embeddings-80753975099596 (READ-ONLY COPY).

The authoritative reference and input builder live on the scoring server;
editing this copy changes nothing except your own understanding.
"""

import jax, jax.numpy as jnp
import numpy as np

NUM_FEATURES = 26
VOCAB = 100000  # table rows = VOCAB + 1 (Embedding uses input_dim + 1)
DIM = 16
BATCH = 16384


def setup_inputs(seed: int = 0) -> dict:
    key = jax.random.key(seed)
    k_idx, k_tab = jax.random.split(key)
    # indices into each of the 26 feature vocabularies (valid range [0, VOCAB])
    inputs = jax.random.randint(k_idx, (BATCH, NUM_FEATURES), 0, VOCAB, dtype=jnp.int32)
    # one embedding table per feature, stacked: [num_features, vocab+1, dim]
    tables = jax.random.normal(k_tab, (NUM_FEATURES, VOCAB + 1, DIM), dtype=jnp.float32) * 0.05
    return {"inputs": inputs, "batch_size": BATCH, "tables": tables}


def reference(inputs, batch_size, tables):
    # Faithful translation of MultiEmbeddings.call with merge_type='average':
    # for each feature column i: slice inputs[:, i], squeeze, embed via table i,
    # then merge with tf.keras.layers.Average() (elementwise mean over the list).
    n = inputs.shape[0]
    row_start = batch_size - n
    outputs = []
    for i in range(NUM_FEATURES):
        idx = jax.lax.dynamic_slice(inputs, (row_start, i), (n, 1))  # tf.slice
        idx = jnp.squeeze(idx, axis=1)                                # tf.squeeze
        emb = jnp.take(tables[i], idx, axis=0)                        # Embedding lookup
        outputs.append(emb)
    merged = jnp.mean(jnp.stack(outputs, axis=0), axis=0)            # Average merge
    return merged

if __name__ == "__main__":
    import jax
    _d = setup_inputs()
    print(jax.jit(kernel)(*tuple(_d.values())))

</pallas_src>

<mosaic_0001>
#map = affine_map<(d0, d1) -> (0, 0, 0)>
module attributes {stable_mosaic.version = 14 : i64} {
  func.func @_repack_body(%arg0: i32, %arg1: i32, %arg2: memref<26x16x100001xf32, #tpu.memory_space<hbm>>, %arg3: memref<26x12640x128xf32, #tpu.memory_space<hbm>>, %arg4: memref<16x1281xf32, #tpu.memory_space<vmem>>, %arg5: memref<16x1281xf32, #tpu.memory_space<vmem>>, %arg6: memref<160x129xf32, #tpu.memory_space<vmem>>, %arg7: memref<160x129xf32, #tpu.memory_space<vmem>>, %arg8: memref<!tpu.dma_semaphore, #tpu.memory_space<semaphore_mem>>, %arg9: memref<!tpu.dma_semaphore, #tpu.memory_space<semaphore_mem>>, %arg10: memref<!tpu.dma_semaphore, #tpu.memory_space<semaphore_mem>>, %arg11: memref<!tpu.dma_semaphore, #tpu.memory_space<semaphore_mem>>) attributes {dimension_semantics = [#tpu.dimension_semantics<core_parallel>, #tpu.dimension_semantics<subcore_parallel>], iteration_bounds = array<i64: 2, 16>, scalar_prefetch = 0 : i64, scratch_operands = 8 : i64, tpu.core_type = #tpu.core_type<sc_vector_subcore>, window_params = [{transform_indices = #map}, {transform_indices = #map}]} {
    %mul3A = arith.constant 2 : i32
    %mul3A_0 = arith.muli %arg1, %mul3A : i32
    %add3A = arith.addi %mul3A_0, %arg0 : i32
    %iota3A = tpu.iota {dimensions = array<i32: 0>} : vector<16xi32>
    %scan3A = arith.constant 0 : i32
    %scan3A_1 = arith.constant 0 : i32
    %scan3A_2 = arith.constant 26 : i32
    %scan3A_3 = arith.addi %scan3A_1, %scan3A_2 : i32
    %scan3A_4 = arith.constant 1 : i32
    scf.for %scan3A_6 = %scan3A_1 to %scan3A_3 step %scan3A_4  : i32 {
      %broadcast_in_dim3A = arith.constant 7 : i32
      %broadcast_in_dim3A_7 = vector.broadcast %broadcast_in_dim3A : i32 to vector<16xi32>
      %add3A_8 = arith.constant 0 : i32
      %add3A_9 = arith.addi %add3A, %add3A_8 : i32
      %lt3A = arith.constant 78 : i32
      %lt3A_10 = arith.cmpi slt, %add3A_9, %lt3A : i32
      %jit3A = arith.constant 0 : i32
      %select_n3A = arith.select %lt3A_10, %add3A_9, %jit3A : i32
      %mul3A_11 = arith.constant 1280 : i32
      %mul3A_12 = arith.muli %select_n3A, %mul3A_11 : i32
      %multiple_of3A = tpu.assume_multiple %mul3A_12, 128 : i32
      %mul3A_13 = arith.constant 160 : i32
      %mul3A_14 = arith.muli %add3A_9, %mul3A_13 : i32
      %jit3A_15 = arith.constant 12480 : i32
      %select_n3A_16 = arith.select %lt3A_10, %mul3A_14, %jit3A_15 : i32
      %multiple_of3A_17 = tpu.assume_multiple %select_n3A_16, 8 : i32
      %dma_start3A = arith.constant 0 : i32
      %dma_start3A_18 = arith.constant 0 : i32
      %dma_start3A_19 = tpu.memref_slice %arg4[%dma_start3A, %dma_start3A_18] : memref<16x1281xf32, #tpu.memory_space<vmem>> -> memref<16x1280xf32, #tpu.memory_space<vmem>>
      %dma_start3A_20 = arith.constant 0 : i32
      %dma_start3A_21 = tpu.memref_slice %arg2[%scan3A_6, %dma_start3A_20, %multiple_of3A] : memref<26x16x100001xf32, #tpu.memory_space<hbm>> -> memref<1x16x1280xf32, #tpu.memory_space<hbm>>
      %dma_start3A_22 = tpu.memref_squeeze %dma_start3A_21 : memref<1x16x1280xf32, #tpu.memory_space<hbm>> -> memref<16x1280xf32, #tpu.memory_space<hbm>>
      %dma_start3A_23 = arith.constant 0 : i32
      %dma_start3A_24 = arith.constant 0 : i32
      %dma_start3A_25 = tpu.memref_slice %arg4[%dma_start3A_23, %dma_start3A_24] : memref<16x1281xf32, #tpu.memory_space<vmem>> -> memref<16x1280xf32, #tpu.memory_space<vmem>>
      %dma_start3A_26 = arith.constant 0 : i32
      %dma_start3A_27 = tpu.memref_slice %arg2[%scan3A_6, %dma_start3A_26, %multiple_of3A] : memref<26x16x100001xf32, #tpu.memory_space<hbm>> -> memref<1x16x1280xf32, #tpu.memory_space<hbm>>
      %dma_start3A_28 = tpu.memref_squeeze %dma_start3A_27 : memref<1x16x1280xf32, #tpu.memory_space<hbm>> -> memref<16x1280xf32, #tpu.memory_space<hbm>>
      tpu.enqueue_dma source(%dma_start3A_28 : memref<16x1280xf32, #tpu.memory_space<hbm>>) target(%dma_start3A_25 : memref<16x1280xf32, #tpu.memory_space<vmem>>) target_semaphore(%arg8 : memref<!tpu.dma_semaphore, #tpu.memory_space<semaphore_mem>>)
      %add3A_29 = arith.constant 32 : i32
      %add3A_30 = arith.addi %add3A, %add3A_29 : i32
      %lt3A_31 = arith.constant 78 : i32
      %lt3A_32 = arith.cmpi slt, %add3A_30, %lt3A_31 : i32
      %jit3A_33 = arith.constant 0 : i32
      %select_n3A_34 = arith.select %lt3A_32, %add3A_30, %jit3A_33 : i32
      %mul3A_35 = arith.constant 1280 : i32
      %mul3A_36 = arith.muli %select_n3A_34, %mul3A_35 : i32
      %multiple_of3A_37 = tpu.assume_multiple %mul3A_36, 128 : i32
      %mul3A_38 = arith.constant 160 : i32
      %mul3A_39 = arith.muli %add3A_30, %mul3A_38 : i32
      %jit3A_40 = arith.constant 12480 : i32
      %select_n3A_41 = arith.select %lt3A_32, %mul3A_39, %jit3A_40 : i32
      %multiple_of3A_42 = tpu.assume_multiple %select_n3A_41, 8 : i32
      %dma_start3A_43 = arith.constant 0 : i32
      %dma_start3A_44 = arith.constant 0 : i32
      %dma_start3A_45 = tpu.memref_slice %arg5[%dma_start3A_43, %dma_start3A_44] : memref<16x1281xf32, #tpu.memory_space<vmem>> -> memref<16x1280xf32, #tpu.memory_space<vmem>>
      %dma_start3A_46 = arith.constant 0 : i32
      %dma_start3A_47 = tpu.memref_slice %arg2[%scan3A_6, %dma_start3A_46, %multiple_of3A_37] : memref<26x16x100001xf32, #tpu.memory_space<hbm>> -> memref<1x16x1280xf32, #tpu.memory_space<hbm>>
      %dma_start3A_48 = tpu.memref_squeeze %dma_start3A_47 : memref<1x16x1280xf32, #tpu.memory_space<hbm>> -> memref<16x1280xf32, #tpu.memory_space<hbm>>
      %dma_start3A_49 = arith.constant 0 : i32
      %dma_start3A_50 = arith.constant 0 : i32
      %dma_start3A_51 = tpu.memref_slice %arg5[%dma_start3A_49, %dma_start3A_50] : memref<16x1281xf32, #tpu.memory_space<vmem>> -> memref<16x1280xf32, #tpu.memory_space<vmem>>
      %dma_start3A_52 = arith.constant 0 : i32
      %dma_start3A_53 = tpu.memref_slice %arg2[%scan3A_6, %dma_start3A_52, %multiple_of3A_37] : memref<26x16x100001xf32, #tpu.memory_space<hbm>> -> memref<1x16x1280xf32, #tpu.memory_space<hbm>>
      %dma_start3A_54 = tpu.memref_squeeze %dma_start3A_53 : memref<1x16x1280xf32, #tpu.memory_space<hbm>> -> memref<16x1280xf32, #tpu.memory_space<hbm>>
      tpu.enqueue_dma source(%dma_start3A_54 : memref<16x1280xf32, #tpu.memory_space<hbm>>) target(%dma_start3A_51 : memref<16x1280xf32, #tpu.memory_space<vmem>>) target_semaphore(%arg9 : memref<!tpu.dma_semaphore, #tpu.memory_space<semaphore_mem>>)
      %dma_wait3A = arith.constant 0 : i32
      %dma_wait3A_55 = arith.constant 0 : i32
      %dma_wait3A_56 = tpu.memref_slice %arg4[%dma_wait3A, %dma_wait3A_55] : memref<16x1281xf32, #tpu.memory_space<vmem>> -> memref<16x1280xf32, #tpu.memory_space<vmem>>
      %dma_wait3A_57 = arith.constant 0 : i32
      %dma_wait3A_58 = tpu.memref_slice %arg2[%scan3A_6, %dma_wait3A_57, %multiple_of3A] : memref<26x16x100001xf32, #tpu.memory_space<hbm>> -> memref<1x16x1280xf32, #tpu.memory_space<hbm>>
      %dma_wait3A_59 = tpu.memref_squeeze %dma_wait3A_58 : memref<1x16x1280xf32, #tpu.memory_space<hbm>> -> memref<16x1280xf32, #tpu.memory_space<hbm>>
      %dma_wait3A_60 = arith.constant 0 : i32
      %dma_wait3A_61 = arith.constant 0 : i32
      %dma_wait3A_62 = tpu.memref_slice %arg4[%dma_wait3A_60, %dma_wait3A_61] : memref<16x1281xf32, #tpu.memory_space<vmem>> -> memref<16x1280xf32, #tpu.memory_space<vmem>>
      %dma_wait3A_63 = arith.constant 0 : i32
      %dma_wait3A_64 = tpu.memref_slice %arg2[%scan3A_6, %dma_wait3A_63, %multiple_of3A] : memref<26x16x100001xf32, #tpu.memory_space<hbm>> -> memref<1x16x1280xf32, #tpu.memory_space<hbm>>
      %dma_wait3A_65 = tpu.memref_squeeze %dma_wait3A_64 : memref<1x16x1280xf32, #tpu.memory_space<hbm>> -> memref<16x1280xf32, #tpu.memory_space<hbm>>
      tpu.wait_dma2 semaphore(%arg8 : memref<!tpu.dma_semaphore, #tpu.memory_space<semaphore_mem>>) src(%dma_wait3A_65 : memref<16x1280xf32, #tpu.memory_space<hbm>>) dst(%dma_wait3A_62 : memref<16x1280xf32, #tpu.memory_space<vmem>>)
      %scan3A_66 = arith.constant 0 : i32
      %scan3A_67 = arith.constant 0 : i32
      %scan3A_68 = arith.constant 80 : i32
      %scan3A_69 = arith.addi %scan3A_67, %scan3A_68 : i32
      %scan3A_70 = arith.constant 1 : i32
      scf.for %scan3A_248 = %scan3A_67 to %scan3A_69 step %scan3A_70  : i32 {
        %mul3A_249 = arith.constant 16 : i32
        %mul3A_250 = arith.muli %scan3A_248, %mul3A_249 : i32
        %add3A_251 = vector.broadcast %mul3A_250 : i32 to vector<16xi32>
        %add3A_252 = arith.addi %iota3A, %add3A_251 : vector<16xi32>
        %shift_right_logical3A = arith.constant 3 : i32
        %shift_right_logical3A_253 = vector.broadcast %shift_right_logical3A : i32 to vector<16xi32>
        %shift_right_logical3A_254 = arith.shrui %add3A_252, %shift_right_logical3A_253 : vector<16xi32>
        %and3A = arith.andi %add3A_252, %broadcast_in_dim3A_7 : vector<16xi32>
        %shift_left3A = arith.constant 4 : i32
        %shift_left3A_255 = vector.broadcast %shift_left3A : i32 to vector<16xi32>
        %shift_left3A_256 = arith.shli %and3A, %shift_left3A_255 : vector<16xi32>
        %mul3A_257 = arith.constant 16 : i32
        %mul3A_258 = arith.muli %scan3A_248, %mul3A_257 : i32
        %get3A = arith.constant 0 : i32
        %get3A_259 = arith.index_cast %get3A : i32 to index
        %get3A_260 = arith.index_cast %mul3A_258 : i32 to index
        %get3A_261 = tpu.vector_load %arg4[%get3A_259, %get3A_260] {strides = array<i32>} : memref<16x1281xf32, #tpu.memory_space<vmem>>, vector<16xf32>,
        %add3A_262 = arith.constant 0 : i32
        %add3A_263 = vector.broadcast %add3A_262 : i32 to vector<16xi32>
        %add3A_264 = arith.addi %shift_left3A_256, %add3A_263 : vector<16xi32>
        tpu.vector_store_idx %arg6[%shift_right_logical3A_254, %add3A_264], %get3A_261 : memref<160x129xf32, #tpu.memory_space<vmem>>[vector<16xi32>, vector<16xi32>], vector<16xf32>,
        %mul3A_265 = arith.constant 16 : i32
        %mul3A_266 = arith.muli %scan3A_248, %mul3A_265 : i32
        %get3A_267 = arith.constant 1 : i32
        %get3A_268 = arith.index_cast %get3A_267 : i32 to index
        %get3A_269 = arith.index_cast %mul3A_266 : i32 to index
        %get3A_270 = tpu.vector_load %arg4[%get3A_268, %get3A_269] {strides = array<i32>} : memref<16x1281xf32, #tpu.memory_space<vmem>>, vector<16xf32>,
        %add3A_271 = arith.constant 1 : i32
        %add3A_272 = vector.broadcast %add3A_271 : i32 to vector<16xi32>
        %add3A_273 = arith.addi %shift_left3A_256, %add3A_272 : vector<16xi32>
        tpu.vector_store_idx %arg6[%shift_right_logical3A_254, %add3A_273], %get3A_270 : memref<160x129xf32, #tpu.memory_space<vmem>>[vector<16xi32>, vector<16xi32>], vector<16xf32>,
        %mul3A_274 = arith.constant 16 : i32
        %mul3A_275 = arith.muli %scan3A_248, %mul3A_274 : i32
        %get3A_276 = arith.constant 2 : i32
        %get3A_277 = arith.index_cast %get3A_276 : i32 to index
        %get3A_278 = arith.index_cast %mul3A_275 : i32 to index
        %get3A_279 = tpu.vector_load %arg4[%get3A_277, %get3A_278] {strides = array<i32>} : memref<16x1281xf32, #tpu.memory_space<vmem>>, vector<16xf32>,
        %add3A_280 = arith.constant 2 : i32
        %add3A_281 = vector.broadcast %add3A_280 : i32 to vector<16xi32>
        %add3A_282 = arith.addi %shift_left3A_256, %add3A_281 : vector<16xi32>
        tpu.vector_store_idx %arg6[%shift_right_logical3A_254, %add3A_282], %get3A_279 : memref<160x129xf32, #tpu.memory_space<vmem>>[vector<16xi32>, vector<16xi32>], vector<16xf32>,
        %mul3A_283 = arith.constant 16 : i32
        %mul3A_284 = arith.muli %scan3A_248, %mul3A_283 : i32
        %get3A_285 = arith.constant 3 : i32
        %get3A_286 = arith.index_cast %get3A_285 : i32 to index
        %get3A_287 = arith.index_cast %mul3A_284 : i32 to index
        %get3A_288 = tpu.vector_load %arg4[%get3A_286, %get3A_287] {strides = array<i32>} : memref<16x1281xf32, #tpu.memory_space<vmem>>, vector<16xf32>,
        %add3A_289 = arith.constant 3 : i32
        %add3A_290 = vector.broadcast %add3A_289 : i32 to vector<16xi32>
        %add3A_291 = arith.addi %shift_left3A_256, %add3A_290 : vector<16xi32>
        tpu.vector_store_idx %arg6[%shift_right_logical3A_254, %add3A_291], %get3A_288 : memref<160x129xf32, #tpu.memory_space<vmem>>[vector<16xi32>, vector<16xi32>], vector<16xf32>,
        %mul3A_292 = arith.constant 16 : i32
        %mul3A_293 = arith.muli %scan3A_248, %mul3A_292 : i32
        %get3A_294 = arith.constant 4 : i32
        %get3A_295 = arith.index_cast %get3A_294 : i32 to index
        %get3A_296 = arith.index_cast %mul3A_293 : i32 to index
        %get3A_297 = tpu.vector_load %arg4[%get3A_295, %get3A_296] {strides = array<i32>} : memref<16x1281xf32, #tpu.memory_space<vmem>>, vector<16xf32>,
        %add3A_298 = arith.constant 4 : i32
        %add3A_299 = vector.broadcast %add3A_298 : i32 to vector<16xi32>
        %add3A_300 = arith.addi %shift_left3A_256, %add3A_299 : vector<16xi32>
        tpu.vector_store_idx %arg6[%shift_right_logical3A_254, %add3A_300], %get3A_297 : memref<160x129xf32, #tpu.memory_space<vmem>>[vector<16xi32>, vector<16xi32>], vector<16xf32>,
        %mul3A_301 = arith.constant 16 : i32
        %mul3A_302 = arith.muli %scan3A_248, %mul3A_301 : i32
        %get3A_303 = arith.constant 5 : i32
        %get3A_304 = arith.index_cast %get3A_303 : i32 to index
        %get3A_305 = arith.index_cast %mul3A_302 : i32 to index
        %get3A_306 = tpu.vector_load %arg4[%get3A_304, %get3A_305] {strides = array<i32>} : memref<16x1281xf32, #tpu.memory_space<vmem>>, vector<16xf32>,
        %add3A_307 = arith.constant 5 : i32
        %add3A_308 = vector.broadcast %add3A_307 : i32 to vector<16xi32>
        %add3A_309 = arith.addi %shift_left3A_256, %add3A_308 : vector<16xi32>
        tpu.vector_store_idx %arg6[%shift_right_logical3A_254, %add3A_309], %get3A_306 : memref<160x129xf32, #tpu.memory_space<vmem>>[vector<16xi32>, vector<16xi32>], vector<16xf32>,
        %mul3A_310 = arith.constant 16 : i32
        %mul3A_311 = arith.muli %scan3A_248, %mul3A_310 : i32
        %get3A_312 = arith.constant 6 : i32
        %get3A_313 = arith.index_cast %get3A_312 : i32 to index
        %get3A_314 = arith.index_cast %mul3A_311 : i32 to index
        %get3A_315 = tpu.vector_load %arg4[%get3A_313, %get3A_314] {strides = array<i32>} : memref<16x1281xf32, #tpu.memory_space<vmem>>, vector<16xf32>,
        %add3A_316 = arith.constant 6 : i32
        %add3A_317 = vector.broadcast %add3A_316 : i32 to vector<16xi32>
        %add3A_318 = arith.addi %shift_left3A_256, %add3A_317 : vector<16xi32>
        tpu.vector_store_idx %arg6[%shift_right_logical3A_254, %add3A_318], %get3A_315 : memref<160x129xf32, #tpu.memory_space<vmem>>[vector<16xi32>, vector<16xi32>], vector<16xf32>,
        %mul3A_319 = arith.constant 16 : i32
        %mul3A_320 = arith.muli %scan3A_248, %mul3A_319 : i32
        %get3A_321 = arith.constant 7 : i32
        %get3A_322 = arith.index_cast %get3A_321 : i32 to index
        %get3A_323 = arith.index_cast %mul3A_320 : i32 to index
        %get3A_324 = tpu.vector_load %arg4[%get3A_322, %get3A_323] {strides = array<i32>} : memref<16x1281xf32, #tpu.memory_space<vmem>>, vector<16xf32>,
        %add3A_325 = arith.constant 7 : i32
        %add3A_326 = vector.broadcast %add3A_325 : i32 to vector<16xi32>
        %add3A_327 = arith.addi %shift_left3A_256, %add3A_326 : vector<16xi32>
        tpu.vector_store_idx %arg6[%shift_right_logical3A_254, %add3A_327], %get3A_324 : memref<160x129xf32, #tpu.memory_space<vmem>>[vector<16xi32>, vector<16xi32>], vector<16xf32>,
        %mul3A_328 = arith.constant 16 : i32
        %mul3A_329 = arith.muli %scan3A_248, %mul3A_328 : i32
        %get3A_330 = arith.constant 8 : i32
        %get3A_331 = arith.index_cast %get3A_330 : i32 to index
        %get3A_332 = arith.index_cast %mul3A_329 : i32 to index
        %get3A_333 = tpu.vector_load %arg4[%get3A_331, %get3A_332] {strides = array<i32>} : memref<16x1281xf32, #tpu.memory_space<vmem>>, vector<16xf32>,
        %add3A_334 = arith.constant 8 : i32
        %add3A_335 = vector.broadcast %add3A_334 : i32 to vector<16xi32>
        %add3A_336 = arith.addi %shift_left3A_256, %add3A_335 : vector<16xi32>
        tpu.vector_store_idx %arg6[%shift_right_logical3A_254, %add3A_336], %get3A_333 : memref<160x129xf32, #tpu.memory_space<vmem>>[vector<16xi32>, vector<16xi32>], vector<16xf32>,
        %mul3A_337 = arith.constant 16 : i32
        %mul3A_338 = arith.muli %scan3A_248, %mul3A_337 : i32
        %get3A_339 = arith.constant 9 : i32
        %get3A_340 = arith.index_cast %get3A_339 : i32 to index
        %get3A_341 = arith.index_cast %mul3A_338 : i32 to index
        %get3A_342 = tpu.vector_load %arg4[%get3A_340, %get3A_341] {strides = array<i32>} : memref<16x1281xf32, #tpu.memory_space<vmem>>, vector<16xf32>,
        %add3A_343 = arith.constant 9 : i32
        %add3A_344 = vector.broadcast %add3A_343 : i32 to vector<16xi32>
        %add3A_345 = arith.addi %shift_left3A_256, %add3A_344 : vector<16xi32>
        tpu.vector_store_idx %arg6[%shift_right_logical3A_254, %add3A_345], %get3A_342 : memref<160x129xf32, #tpu.memory_space<vmem>>[vector<16xi32>, vector<16xi32>], vector<16xf32>,
        %mul3A_346 = arith.constant 16 : i32
        %mul3A_347 = arith.muli %scan3A_248, %mul3A_346 : i32
        %get3A_348 = arith.constant 10 : i32
        %get3A_349 = arith.index_cast %get3A_348 : i32 to index
        %get3A_350 = arith.index_cast %mul3A_347 : i32 to index
        %get3A_351 = tpu.vector_load %arg4[%get3A_349, %get3A_350] {strides = array<i32>} : memref<16x1281xf32, #tpu.memory_space<vmem>>, vector<16xf32>,
        %add3A_352 = arith.constant 10 : i32
        %add3A_353 = vector.broadcast %add3A_352 : i32 to vector<16xi32>
        %add3A_354 = arith.addi %shift_left3A_256, %add3A_353 : vector<16xi32>
        tpu.vector_store_idx %arg6[%shift_right_logical3A_254, %add3A_354], %get3A_351 : memref<160x129xf32, #tpu.memory_space<vmem>>[vector<16xi32>, vector<16xi32>], vector<16xf32>,
        %mul3A_355 = arith.constant 16 : i32
        %mul3A_356 = arith.muli %scan3A_248, %mul3A_355 : i32
        %get3A_357 = arith.constant 11 : i32
        %get3A_358 = arith.index_cast %get3A_357 : i32 to index
        %get3A_359 = arith.index_cast %mul3A_356 : i32 to index
        %get3A_360 = tpu.vector_load %arg4[%get3A_358, %get3A_359] {strides = array<i32>} : memref<16x1281xf32, #tpu.memory_space<vmem>>, vector<16xf32>,
        %add3A_361 = arith.constant 11 : i32
        %add3A_362 = vector.broadcast %add3A_361 : i32 to vector<16xi32>
        %add3A_363 = arith.addi %shift_left3A_256, %add3A_362 : vector<16xi32>
        tpu.vector_store_idx %arg6[%shift_right_logical3A_254, %add3A_363], %get3A_360 : memref<160x129xf32, #tpu.memory_space<vmem>>[vector<16xi32>, vector<16xi32>], vector<16xf32>,
        %mul3A_364 = arith.constant 16 : i32
        %mul3A_365 = arith.muli %scan3A_248, %mul3A_364 : i32
        %get3A_366 = arith.constant 12 : i32
        %get3A_367 = arith.index_cast %get3A_366 : i32 to index
        %get3A_368 = arith.index_cast %mul3A_365 : i32 to index
        %get3A_369 = tpu.vector_load %arg4[%get3A_367, %get3A_368] {strides = array<i32>} : memref<16x1281xf32, #tpu.memory_space<vmem>>, vector<16xf32>,
        %add3A_370 = arith.constant 12 : i32
        %add3A_371 = vector.broadcast %add3A_370 : i32 to vector<16xi32>
        %add3A_372 = arith.addi %shift_left3A_256, %add3A_371 : vector<16xi32>
        tpu.vector_store_idx %arg6[%shift_right_logical3A_254, %add3A_372], %get3A_369 : memref<160x129xf32, #tpu.memory_space<vmem>>[vector<16xi32>, vector<16xi32>], vector<16xf32>,
        %mul3A_373 = arith.constant 16 : i32
        %mul3A_374 = arith.muli %scan3A_248, %mul3A_373 : i32
        %get3A_375 = arith.constant 13 : i32
        %get3A_376 = arith.index_cast %get3A_375 : i32 to index
        %get3A_377 = arith.index_cast %mul3A_374 : i32 to index
        %get3A_378 = tpu.vector_load %arg4[%get3A_376, %get3A_377] {strides = array<i32>} : memref<16x1281xf32, #tpu.memory_space<vmem>>, vector<16xf32>,
        %add3A_379 = arith.constant 13 : i32
        %add3A_380 = vector.broadcast %add3A_379 : i32 to vector<16xi32>
        %add3A_381 = arith.addi %shift_left3A_256, %add3A_380 : vector<16xi32>
        tpu.vector_store_idx %arg6[%shift_right_logical3A_254, %add3A_381], %get3A_378 : memref<160x129xf32, #tpu.memory_space<vmem>>[vector<16xi32>, vector<16xi32>], vector<16xf32>,
        %mul3A_382 = arith.constant 16 : i32
        %mul3A_383 = arith.muli %scan3A_248, %mul3A_382 : i32
        %get3A_384 = arith.constant 14 : i32
        %get3A_385 = arith.index_cast %get3A_384 : i32 to index
        %get3A_386 = arith.index_cast %mul3A_383 : i32 to index
        %get3A_387 = tpu.vector_load %arg4[%get3A_385, %get3A_386] {strides = array<i32>} : memref<16x1281xf32, #tpu.memory_space<vmem>>, vector<16xf32>,
        %add3A_388 = arith.constant 14 : i32
        %add3A_389 = vector.broadcast %add3A_388 : i32 to vector<16xi32>
        %add3A_390 = arith.addi %shift_left3A_256, %add3A_389 : vector<16xi32>
        tpu.vector_store_idx %arg6[%shift_right_logical3A_254, %add3A_390], %get3A_387 : memref<160x129xf32, #tpu.memory_space<vmem>>[vector<16xi32>, vector<16xi32>], vector<16xf32>,
        %mul3A_391 = arith.constant 16 : i32
        %mul3A_392 = arith.muli %scan3A_248, %mul3A_391 : i32
        %get3A_393 = arith.constant 15 : i32
        %get3A_394 = arith.index_cast %get3A_393 : i32 to index
        %get3A_395 = arith.index_cast %mul3A_392 : i32 to index
        %get3A_396 = tpu.vector_load %arg4[%get3A_394, %get3A_395] {strides = array<i32>} : memref<16x1281xf32, #tpu.memory_space<vmem>>, vector<16xf32>,
        %add3A_397 = arith.constant 15 : i32
        %add3A_398 = vector.broadcast %add3A_397 : i32 to vector<16xi32>
        %add3A_399 = arith.addi %shift_left3A_256, %add3A_398 : vector<16xi32>
        tpu.vector_store_idx %arg6[%shift_right_logical3A_254, %add3A_399], %get3A_396 : memref<160x129xf32, #tpu.memory_space<vmem>>[vector<16xi32>, vector<16xi32>], vector<16xf32>,
      }
      %scan3A_71 = arith.constant 80 : i32
      %add3A_72 = arith.constant 0 : i32
      %add3A_73 = arith.addi %add3A, %add3A_72 : i32
      %lt3A_74 = arith.constant 78 : i32
      %lt3A_75 = arith.cmpi slt, %add3A_73, %lt3A_74 : i32
      %jit3A_76 = arith.constant 0 : i32
      %select_n3A_77 = arith.select %lt3A_75, %add3A_73, %jit3A_76 : i32
      %mul3A_78 = arith.constant 1280 : i32
      %mul3A_79 = arith.muli %select_n3A_77, %mul3A_78 : i32
      %multiple_of3A_80 = tpu.assume_multiple %mul3A_79, 128 : i32
      %mul3A_81 = arith.constant 160 : i32
      %mul3A_82 = arith.muli %add3A_73, %mul3A_81 : i32
      %jit3A_83 = arith.constant 12480 : i32
      %select_n3A_84 = arith.select %lt3A_75, %mul3A_82, %jit3A_83 : i32
      %multiple_of3A_85 = tpu.assume_multiple %select_n3A_84, 8 : i32
      %dma_start3A_86 = arith.constant 0 : i32
      %dma_start3A_87 = arith.constant 0 : i32
      %dma_start3A_88 = tpu.memref_slice %arg6[%dma_start3A_86, %dma_start3A_87] : memref<160x129xf32, #tpu.memory_space<vmem>> -> memref<160x128xf32, #tpu.memory_space<vmem>>
      %dma_start3A_89 = arith.constant 0 : i32
      %dma_start3A_90 = tpu.memref_slice %arg3[%scan3A_6, %multiple_of3A_85, %dma_start3A_89] : memref<26x12640x128xf32, #tpu.memory_space<hbm>> -> memref<1x160x128xf32, #tpu.memory_space<hbm>>
      %dma_start3A_91 = tpu.memref_squeeze %dma_start3A_90 : memref<1x160x128xf32, #tpu.memory_space<hbm>> -> memref<160x128xf32, #tpu.memory_space<hbm>>
      %dma_start3A_92 = arith.constant 0 : i32
      %dma_start3A_93 = tpu.memref_slice %arg3[%scan3A_6, %multiple_of3A_85, %dma_start3A_92] : memref<26x12640x128xf32, #tpu.memory_space<hbm>> -> memref<1x160x128xf32, #tpu.memory_space<hbm>>
      %dma_start3A_94 = tpu.memref_squeeze %dma_start3A_93 : memref<1x160x128xf32, #tpu.memory_space<hbm>> -> memref<160x128xf32, #tpu.memory_space<hbm>>
      %dma_start3A_95 = arith.constant 0 : i32
      %dma_start3A_96 = arith.constant 0 : i32
      %dma_start3A_97 = tpu.memref_slice %arg6[%dma_start3A_95, %dma_start3A_96] : memref<160x129xf32, #tpu.memory_space<vmem>> -> memref<160x128xf32, #tpu.memory_space<vmem>>
      tpu.enqueue_dma source(%dma_start3A_97 : memref<160x128xf32, #tpu.memory_space<vmem>>) target(%dma_start3A_94 : memref<160x128xf32, #tpu.memory_space<hbm>>) target_semaphore(%arg10 : memref<!tpu.dma_semaphore, #tpu.memory_space<semaphore_mem>>)
      %add3A_98 = arith.constant 64 : i32
      %add3A_99 = arith.addi %add3A, %add3A_98 : i32
      %lt3A_100 = arith.constant 78 : i32
      %lt3A_101 = arith.cmpi slt, %add3A_99, %lt3A_100 : i32
      %jit3A_102 = arith.constant 0 : i32
      %select_n3A_103 = arith.select %lt3A_101, %add3A_99, %jit3A_102 : i32
      %mul3A_104 = arith.constant 1280 : i32
      %mul3A_105 = arith.muli %select_n3A_103, %mul3A_104 : i32
      %multiple_of3A_106 = tpu.assume_multiple %mul3A_105, 128 : i32
      %mul3A_107 = arith.constant 160 : i32
      %mul3A_108 = arith.muli %add3A_99, %mul3A_107 : i32
      %jit3A_109 = arith.constant 12480 : i32
      %select_n3A_110 = arith.select %lt3A_101, %mul3A_108, %jit3A_109 : i32
      %multiple_of3A_111 = tpu.assume_multiple %select_n3A_110, 8 : i32
      %dma_start3A_112 = arith.constant 0 : i32
      %dma_start3A_113 = arith.constant 0 : i32
      %dma_start3A_114 = tpu.memref_slice %arg4[%dma_start3A_112, %dma_start3A_113] : memref<16x1281xf32, #tpu.memory_space<vmem>> -> memref<16x1280xf32, #tpu.memory_space<vmem>>
      %dma_start3A_115 = arith.constant 0 : i32
      %dma_start3A_116 = tpu.memref_slice %arg2[%scan3A_6, %dma_start3A_115, %multiple_of3A_106] : memref<26x16x100001xf32, #tpu.memory_space<hbm>> -> memref<1x16x1280xf32, #tpu.memory_space<hbm>>
      %dma_start3A_117 = tpu.memref_squeeze %dma_start3A_116 : memref<1x16x1280xf32, #tpu.memory_space<hbm>> -> memref<16x1280xf32, #tpu.memory_space<hbm>>
      %dma_start3A_118 = arith.constant 0 : i32
      %dma_start3A_119 = arith.constant 0 : i32
      %dma_start3A_120 = tpu.memref_slice %arg4[%dma_start3A_118, %dma_start3A_119] : memref<16x1281xf32, #tpu.memory_space<vmem>> -> memref<16x1280xf32, #tpu.memory_space<vmem>>
      %dma_start3A_121 = arith.constant 0 : i32
      %dma_start3A_122 = tpu.memref_slice %arg2[%scan3A_6, %dma_start3A_121, %multiple_of3A_106] : memref<26x16x100001xf32, #tpu.memory_space<hbm>> -> memref<1x16x1280xf32, #tpu.memory_space<hbm>>
      %dma_start3A_123 = tpu.memref_squeeze %dma_start3A_122 : memref<1x16x1280xf32, #tpu.memory_space<hbm>> -> memref<16x1280xf32, #tpu.memory_space<hbm>>
      tpu.enqueue_dma source(%dma_start3A_123 : memref<16x1280xf32, #tpu.memory_space<hbm>>) target(%dma_start3A_120 : memref<16x1280xf32, #tpu.memory_space<vmem>>) target_semaphore(%arg8 : memref<!tpu.dma_semaphore, #tpu.memory_space<semaphore_mem>>)
      %dma_wait3A_124 = arith.constant 0 : i32
      %dma_wait3A_125 = arith.constant 0 : i32
      %dma_wait3A_126 = tpu.memref_slice %arg5[%dma_wait3A_124, %dma_wait3A_125] : memref<16x1281xf32, #tpu.memory_space<vmem>> -> memref<16x1280xf32, #tpu.memory_space<vmem>>
      %dma_wait3A_127 = arith.constant 0 : i32
      %dma_wait3A_128 = tpu.memref_slice %arg2[%scan3A_6, %dma_wait3A_127, %multiple_of3A_37] : memref<26x16x100001xf32, #tpu.memory_space<hbm>> -> memref<1x16x1280xf32, #tpu.memory_space<hbm>>
      %dma_wait3A_129 = tpu.memref_squeeze %dma_wait3A_128 : memref<1x16x1280xf32, #tpu.memory_space<hbm>> -> memref<16x1280xf32, #tpu.memory_space<hbm>>
      %dma_wait3A_130 = arith.constant 0 : i32
      %dma_wait3A_131 = arith.constant 0 : i32
      %dma_wait3A_132 = tpu.memref_slice %arg5[%dma_wait3A_130, %dma_wait3A_131] : memref<16x1281xf32, #tpu.memory_space<vmem>> -> memref<16x1280xf32, #tpu.memory_space<vmem>>
      %dma_wait3A_133 = arith.constant 0 : i32
      %dma_wait3A_134 = tpu.memref_slice %arg2[%scan3A_6, %dma_wait3A_133, %multiple_of3A_37] : memref<26x16x100001xf32, #tpu.memory_space<hbm>> -> memref<1x16x1280xf32, #tpu.memory_space<hbm>>
      %dma_wait3A_135 = tpu.memref_squeeze %dma_wait3A_134 : memref<1x16x1280xf32, #tpu.memory_space<hbm>> -> memref<16x1280xf32, #tpu.memory_space<hbm>>
      tpu.wait_dma2 semaphore(%arg9 : memref<!tpu.dma_semaphore, #tpu.memory_space<semaphore_mem>>) src(%dma_wait3A_135 : memref<16x1280xf32, #tpu.memory_space<hbm>>) dst(%dma_wait3A_132 : memref<16x1280xf32, #tpu.memory_space<vmem>>)
      %scan3A_136 = arith.constant 0 : i32
      %scan3A_137 = arith.constant 0 : i32
      %scan3A_138 = arith.constant 80 : i32
      %scan3A_139 = arith.addi %scan3A_137, %scan3A_138 : i32
      %scan3A_140 = arith.constant 1 : i32
      scf.for %scan3A_248 = %scan3A_137 to %scan3A_139 step %scan3A_140  : i32 {
        %mul3A_249 = arith.constant 16 : i32
        %mul3A_250 = arith.muli %scan3A_248, %mul3A_249 : i32
        %add3A_251 = vector.broadcast %mul3A_250 : i32 to vector<16xi32>
        %add3A_252 = arith.addi %iota3A, %add3A_251 : vector<16xi32>
        %shift_right_logical3A = arith.constant 3 : i32
        %shift_right_logical3A_253 = vector.broadcast %shift_right_logical3A : i32 to vector<16xi32>
        %shift_right_logical3A_254 = arith.shrui %add3A_252, %shift_right_logical3A_253 : vector<16xi32>
        %and3A = arith.andi %add3A_252, %broadcast_in_dim3A_7 : vector<16xi32>
        %shift_left3A = arith.constant 4 : i32
        %shift_left3A_255 = vector.broadcast %shift_left3A : i32 to vector<16xi32>
        %shift_left3A_256 = arith.shli %and3A, %shift_left3A_255 : vector<16xi32>
        %mul3A_257 = arith.constant 16 : i32
        %mul3A_258 = arith.muli %scan3A_248, %mul3A_257 : i32
        %get3A = arith.constant 0 : i32
        %get3A_259 = arith.index_cast %get3A : i32 to index
        %get3A_260 = arith.index_cast %mul3A_258 : i32 to index
        %get3A_261 = tpu.vector_load %arg5[%get3A_259, %get3A_260] {strides = array<i32>} : memref<16x1281xf32, #tpu.memory_space<vmem>>, vector<16xf32>,
        %add3A_262 = arith.constant 0 : i32
        %add3A_263 = vector.broadcast %add3A_262 : i32 to vector<16xi32>
        %add3A_264 = arith.addi %shift_left3A_256, %add3A_263 : vector<16xi32>
        tpu.vector_store_idx %arg7[%shift_right_logical3A_254, %add3A_264], %get3A_261 : memref<160x129xf32, #tpu.memory_space<vmem>>[vector<16xi32>, vector<16xi32>], vector<16xf32>,
        %mul3A_265 = arith.constant 16 : i32
        %mul3A_266 = arith.muli %scan3A_248, %mul3A_265 : i32
        %get3A_267 = arith.constant 1 : i32
        %get3A_268 = arith.index_cast %get3A_267 : i32 to index
        %get3A_269 = arith.index_cast %mul3A_266 : i32 to index
        %get3A_270 = tpu.vector_load %arg5[%get3A_268, %get3A_269] {strides = array<i32>} : memref<16x1281xf32, #tpu.memory_space<vmem>>, vector<16xf32>,
        %add3A_271 = arith.constant 1 : i32
        %add3A_272 = vector.broadcast %add3A_271 : i32 to vector<16xi32>
        %add3A_273 = arith.addi %shift_left3A_256, %add3A_272 : vector<16xi32>
        tpu.vector_store_idx %arg7[%shift_right_logical3A_254, %add3A_273], %get3A_270 : memref<160x129xf32, #tpu.memory_space<vmem>>[vector<16xi32>, vector<16xi32>], vector<16xf32>,
        %mul3A_274 = arith.constant 16 : i32
        %mul3A_275 = arith.muli %scan3A_248, %mul3A_274 : i32
        %get3A_276 = arith.constant 2 : i32
        %get3A_277 = arith.index_cast %get3A_276 : i32 to index
        %get3A_278 = arith.index_cast %mul3A_275 : i32 to index
        %get3A_279 = tpu.vector_load %arg5[%get3A_277, %get3A_278] {strides = array<i32>} : memref<16x1281xf32, #tpu.memory_space<vmem>>, vector<16xf32>,
        %add3A_280 = arith.constant 2 : i32
        %add3A_281 = vector.broadcast %add3A_280 : i32 to vector<16xi32>
        %add3A_282 = arith.addi %shift_left3A_256, %add3A_281 : vector<16xi32>
        tpu.vector_store_idx %arg7[%shift_right_logical3A_254, %add3A_282], %get3A_279 : memref<160x129xf32, #tpu.memory_space<vmem>>[vector<16xi32>, vector<16xi32>], vector<16xf32>,
        %mul3A_283 = arith.constant 16 : i32
        %mul3A_284 = arith.muli %scan3A_248, %mul3A_283 : i32
        %get3A_285 = arith.constant 3 : i32
        %get3A_286 = arith.index_cast %get3A_285 : i32 to index
        %get3A_287 = arith.index_cast %mul3A_284 : i32 to index
        %get3A_288 = tpu.vector_load %arg5[%get3A_286, %get3A_287] {strides = array<i32>} : memref<16x1281xf32, #tpu.memory_space<vmem>>, vector<16xf32>,
        %add3A_289 = arith.constant 3 : i32
        %add3A_290 = vector.broadcast %add3A_289 : i32 to vector<16xi32>
        %add3A_291 = arith.addi %shift_left3A_256, %add3A_290 : vector<16xi32>
        tpu.vector_store_idx %arg7[%shift_right_logical3A_254, %add3A_291], %get3A_288 : memref<160x129xf32, #tpu.memory_space<vmem>>[vector<16xi32>, vector<16xi32>], vector<16xf32>,
        %mul3A_292 = arith.constant 16 : i32
        %mul3A_293 = arith.muli %scan3A_248, %mul3A_292 : i32
        %get3A_294 = arith.constant 4 : i32
        %get3A_295 = arith.index_cast %get3A_294 : i32 to index
        %get3A_296 = arith.index_cast %mul3A_293 : i32 to index
        %get3A_297 = tpu.vector_load %arg5[%get3A_295, %get3A_296] {strides = array<i32>} : memref<16x1281xf32, #tpu.memory_space<vmem>>, vector<16xf32>,
        %add3A_298 = arith.constant 4 : i32
        %add3A_299 = vector.broadcast %add3A_298 : i32 to vector<16xi32>
        %add3A_300 = arith.addi %shift_left3A_256, %add3A_299 : vector<16xi32>
        tpu.vector_store_idx %arg7[%shift_right_logical3A_254, %add3A_300], %get3A_297 : memref<160x129xf32, #tpu.memory_space<vmem>>[vector<16xi32>, vector<16xi32>], vector<16xf32>,
        %mul3A_301 = arith.constant 16 : i32
        %mul3A_302 = arith.muli %scan3A_248, %mul3A_301 : i32
        %get3A_303 = arith.constant 5 : i32
        %get3A_304 = arith.index_cast %get3A_303 : i32 to index
        %get3A_305 = arith.index_cast %mul3A_302 : i32 to index
        %get3A_306 = tpu.vector_load %arg5[%get3A_304, %get3A_305] {strides = array<i32>} : memref<16x1281xf32, #tpu.memory_space<vmem>>, vector<16xf32>,
        %add3A_307 = arith.constant 5 : i32
        %add3A_308 = vector.broadcast %add3A_307 : i32 to vector<16xi32>
        %add3A_309 = arith.addi %shift_left3A_256, %add3A_308 : vector<16xi32>
        tpu.vector_store_idx %arg7[%shift_right_logical3A_254, %add3A_309], %get3A_306 : memref<160x129xf32, #tpu.memory_space<vmem>>[vector<16xi32>, vector<16xi32>], vector<16xf32>,
        %mul3A_310 = arith.constant 16 : i32
        %mul3A_311 = arith.muli %scan3A_248, %mul3A_310 : i32
        %get3A_312 = arith.constant 6 : i32
        %get3A_313 = arith.index_cast %get3A_312 : i32 to index
        %get3A_314 = arith.index_cast %mul3A_311 : i32 to index
        %get3A_315 = tpu.vector_load %arg5[%get3A_313, %get3A_314] {strides = array<i32>} : memref<16x1281xf32, #tpu.memory_space<vmem>>, vector<16xf32>,
        %add3A_316 = arith.constant 6 : i32
        %add3A_317 = vector.broadcast %add3A_316 : i32 to vector<16xi32>
        %add3A_318 = arith.addi %shift_left3A_256, %add3A_317 : vector<16xi32>
        tpu.vector_store_idx %arg7[%shift_right_logical3A_254, %add3A_318], %get3A_315 : memref<160x129xf32, #tpu.memory_space<vmem>>[vector<16xi32>, vector<16xi32>], vector<16xf32>,
        %mul3A_319 = arith.constant 16 : i32
        %mul3A_320 = arith.muli %scan3A_248, %mul3A_319 : i32
        %get3A_321 = arith.constant 7 : i32
        %get3A_322 = arith.index_cast %get3A_321 : i32 to index
        %get3A_323 = arith.index_cast %mul3A_320 : i32 to index
        %get3A_324 = tpu.vector_load %arg5[%get3A_322, %get3A_323] {strides = array<i32>} : memref<16x1281xf32, #tpu.memory_space<vmem>>, vector<16xf32>,
        %add3A_325 = arith.constant 7 : i32
        %add3A_326 = vector.broadcast %add3A_325 : i32 to vector<16xi32>
        %add3A_327 = arith.addi %shift_left3A_256, %add3A_326 : vector<16xi32>
        tpu.vector_store_idx %arg7[%shift_right_logical3A_254, %add3A_327], %get3A_324 : memref<160x129xf32, #tpu.memory_space<vmem>>[vector<16xi32>, vector<16xi32>], vector<16xf32>,
        %mul3A_328 = arith.constant 16 : i32
        %mul3A_329 = arith.muli %scan3A_248, %mul3A_328 : i32
        %get3A_330 = arith.constant 8 : i32
        %get3A_331 = arith.index_cast %get3A_330 : i32 to index
        %get3A_332 = arith.index_cast %mul3A_329 : i32 to index
        %get3A_333 = tpu.vector_load %arg5[%get3A_331, %get3A_332] {strides = array<i32>} : memref<16x1281xf32, #tpu.memory_space<vmem>>, vector<16xf32>,
        %add3A_334 = arith.constant 8 : i32
        %add3A_335 = vector.broadcast %add3A_334 : i32 to vector<16xi32>
        %add3A_336 = arith.addi %shift_left3A_256, %add3A_335 : vector<16xi32>
        tpu.vector_store_idx %arg7[%shift_right_logical3A_254, %add3A_336], %get3A_333 : memref<160x129xf32, #tpu.memory_space<vmem>>[vector<16xi32>, vector<16xi32>], vector<16xf32>,
        %mul3A_337 = arith.constant 16 : i32
        %mul3A_338 = arith.muli %scan3A_248, %mul3A_337 : i32
        %get3A_339 = arith.constant 9 : i32
        %get3A_340 = arith.index_cast %get3A_339 : i32 to index
        %get3A_341 = arith.index_cast %mul3A_338 : i32 to index
        %get3A_342 = tpu.vector_load %arg5[%get3A_340, %get3A_341] {strides = array<i32>} : memref<16x1281xf32, #tpu.memory_space<vmem>>, vector<16xf32>,
        %add3A_343 = arith.constant 9 : i32
        %add3A_344 = vector.broadcast %add3A_343 : i32 to vector<16xi32>
        %add3A_345 = arith.addi %shift_left3A_256, %add3A_344 : vector<16xi32>
        tpu.vector_store_idx %arg7[%shift_right_logical3A_254, %add3A_345], %get3A_342 : memref<160x129xf32, #tpu.memory_space<vmem>>[vector<16xi32>, vector<16xi32>], vector<16xf32>,
        %mul3A_346 = arith.constant 16 : i32
        %mul3A_347 = arith.muli %scan3A_248, %mul3A_346 : i32
        %get3A_348 = arith.constant 10 : i32
        %get3A_349 = arith.index_cast %get3A_348 : i32 to index
        %get3A_350 = arith.index_cast %mul3A_347 : i32 to index
        %get3A_351 = tpu.vector_load %arg5[%get3A_349, %get3A_350] {strides = array<i32>} : memref<16x1281xf32, #tpu.memory_space<vmem>>, vector<16xf32>,
        %add3A_352 = arith.constant 10 : i32
        %add3A_353 = vector.broadcast %add3A_352 : i32 to vector<16xi32>
        %add3A_354 = arith.addi %shift_left3A_256, %add3A_353 : vector<16xi32>
        tpu.vector_store_idx %arg7[%shift_right_logical3A_254, %add3A_354], %get3A_351 : memref<160x129xf32, #tpu.memory_space<vmem>>[vector<16xi32>, vector<16xi32>], vector<16xf32>,
        %mul3A_355 = arith.constant 16 : i32
        %mul3A_356 = arith.muli %scan3A_248, %mul3A_355 : i32
        %get3A_357 = arith.constant 11 : i32
        %get3A_358 = arith.index_cast %get3A_357 : i32 to index
        %get3A_359 = arith.index_cast %mul3A_356 : i32 to index
        %get3A_360 = tpu.vector_load %arg5[%get3A_358, %get3A_359] {strides = array<i32>} : memref<16x1281xf32, #tpu.memory_space<vmem>>, vector<16xf32>,
        %add3A_361 = arith.constant 11 : i32
        %add3A_362 = vector.broadcast %add3A_361 : i32 to vector<16xi32>
        %add3A_363 = arith.addi %shift_left3A_256, %add3A_362 : vector<16xi32>
        tpu.vector_store_idx %arg7[%shift_right_logical3A_254, %add3A_363], %get3A_360 : memref<160x129xf32, #tpu.memory_space<vmem>>[vector<16xi32>, vector<16xi32>], vector<16xf32>,
        %mul3A_364 = arith.constant 16 : i32
        %mul3A_365 = arith.muli %scan3A_248, %mul3A_364 : i32
        %get3A_366 = arith.constant 12 : i32
        %get3A_367 = arith.index_cast %get3A_366 : i32 to index
        %get3A_368 = arith.index_cast %mul3A_365 : i32 to index
        %get3A_369 = tpu.vector_load %arg5[%get3A_367, %get3A_368] {strides = array<i32>} : memref<16x1281xf32, #tpu.memory_space<vmem>>, vector<16xf32>,
        %add3A_370 = arith.constant 12 : i32
        %add3A_371 = vector.broadcast %add3A_370 : i32 to vector<16xi32>
        %add3A_372 = arith.addi %shift_left3A_256, %add3A_371 : vector<16xi32>
        tpu.vector_store_idx %arg7[%shift_right_logical3A_254, %add3A_372], %get3A_369 : memref<160x129xf32, #tpu.memory_space<vmem>>[vector<16xi32>, vector<16xi32>], vector<16xf32>,
        %mul3A_373 = arith.constant 16 : i32
        %mul3A_374 = arith.muli %scan3A_248, %mul3A_373 : i32
        %get3A_375 = arith.constant 13 : i32
        %get3A_376 = arith.index_cast %get3A_375 : i32 to index
        %get3A_377 = arith.index_cast %mul3A_374 : i32 to index
        %get3A_378 = tpu.vector_load %arg5[%get3A_376, %get3A_377] {strides = array<i32>} : memref<16x1281xf32, #tpu.memory_space<vmem>>, vector<16xf32>,
        %add3A_379 = arith.constant 13 : i32
        %add3A_380 = vector.broadcast %add3A_379 : i32 to vector<16xi32>
        %add3A_381 = arith.addi %shift_left3A_256, %add3A_380 : vector<16xi32>
        tpu.vector_store_idx %arg7[%shift_right_logical3A_254, %add3A_381], %get3A_378 : memref<160x129xf32, #tpu.memory_space<vmem>>[vector<16xi32>, vector<16xi32>], vector<16xf32>,
        %mul3A_382 = arith.constant 16 : i32
        %mul3A_383 = arith.muli %scan3A_248, %mul3A_382 : i32
        %get3A_384 = arith.constant 14 : i32
        %get3A_385 = arith.index_cast %get3A_384 : i32 to index
        %get3A_386 = arith.index_cast %mul3A_383 : i32 to index
        %get3A_387 = tpu.vector_load %arg5[%get3A_385, %get3A_386] {strides = array<i32>} : memref<16x1281xf32, #tpu.memory_space<vmem>>, vector<16xf32>,
        %add3A_388 = arith.constant 14 : i32
        %add3A_389 = vector.broadcast %add3A_388 : i32 to vector<16xi32>
        %add3A_390 = arith.addi %shift_left3A_256, %add3A_389 : vector<16xi32>
        tpu.vector_store_idx %arg7[%shift_right_logical3A_254, %add3A_390], %get3A_387 : memref<160x129xf32, #tpu.memory_space<vmem>>[vector<16xi32>, vector<16xi32>], vector<16xf32>,
        %mul3A_391 = arith.constant 16 : i32
        %mul3A_392 = arith.muli %scan3A_248, %mul3A_391 : i32
        %get3A_393 = arith.constant 15 : i32
        %get3A_394 = arith.index_cast %get3A_393 : i32 to index
        %get3A_395 = arith.index_cast %mul3A_392 : i32 to index
        %get3A_396 = tpu.vector_load %arg5[%get3A_394, %get3A_395] {strides = array<i32>} : memref<16x1281xf32, #tpu.memory_space<vmem>>, vector<16xf32>,
        %add3A_397 = arith.constant 15 : i32
        %add3A_398 = vector.broadcast %add3A_397 : i32 to vector<16xi32>
        %add3A_399 = arith.addi %shift_left3A_256, %add3A_398 : vector<16xi32>
        tpu.vector_store_idx %arg7[%shift_right_logical3A_254, %add3A_399], %get3A_396 : memref<160x129xf32, #tpu.memory_space<vmem>>[vector<16xi32>, vector<16xi32>], vector<16xf32>,
      }
      %scan3A_141 = arith.constant 80 : i32
      %add3A_142 = arith.constant 32 : i32
      %add3A_143 = arith.addi %add3A, %add3A_142 : i32
      %lt3A_144 = arith.constant 78 : i32
      %lt3A_145 = arith.cmpi slt, %add3A_143, %lt3A_144 : i32
      %jit3A_146 = arith.constant 0 : i32
      %select_n3A_147 = arith.select %lt3A_145, %add3A_143, %jit3A_146 : i32
      %mul3A_148 = arith.constant 1280 : i32
      %mul3A_149 = arith.muli %select_n3A_147, %mul3A_148 : i32
      %multiple_of3A_150 = tpu.assume_multiple %mul3A_149, 128 : i32
      %mul3A_151 = arith.constant 160 : i32
      %mul3A_152 = arith.muli %add3A_143, %mul3A_151 : i32
      %jit3A_153 = arith.constant 12480 : i32
      %select_n3A_154 = arith.select %lt3A_145, %mul3A_152, %jit3A_153 : i32
      %multiple_of3A_155 = tpu.assume_multiple %select_n3A_154, 8 : i32
      %dma_start3A_156 = arith.constant 0 : i32
      %dma_start3A_157 = arith.constant 0 : i32
      %dma_start3A_158 = tpu.memref_slice %arg7[%dma_start3A_156, %dma_start3A_157] : memref<160x129xf32, #tpu.memory_space<vmem>> -> memref<160x128xf32, #tpu.memory_space<vmem>>
      %dma_start3A_159 = arith.constant 0 : i32
      %dma_start3A_160 = tpu.memref_slice %arg3[%scan3A_6, %multiple_of3A_155, %dma_start3A_159] : memref<26x12640x128xf32, #tpu.memory_space<hbm>> -> memref<1x160x128xf32, #tpu.memory_space<hbm>>
      %dma_start3A_161 = tpu.memref_squeeze %dma_start3A_160 : memref<1x160x128xf32, #tpu.memory_space<hbm>> -> memref<160x128xf32, #tpu.memory_space<hbm>>
      %dma_start3A_162 = arith.constant 0 : i32
      %dma_start3A_163 = tpu.memref_slice %arg3[%scan3A_6, %multiple_of3A_155, %dma_start3A_162] : memref<26x12640x128xf32, #tpu.memory_space<hbm>> -> memref<1x160x128xf32, #tpu.memory_space<hbm>>
      %dma_start3A_164 = tpu.memref_squeeze %dma_start3A_163 : memref<1x160x128xf32, #tpu.memory_space<hbm>> -> memref<160x128xf32, #tpu.memory_space<hbm>>
      %dma_start3A_165 = arith.constant 0 : i32
      %dma_start3A_166 = arith.constant 0 : i32
      %dma_start3A_167 = tpu.memref_slice %arg7[%dma_start3A_165, %dma_start3A_166] : memref<160x129xf32, #tpu.memory_space<vmem>> -> memref<160x128xf32, #tpu.memory_space<vmem>>
      tpu.enqueue_dma source(%dma_start3A_167 : memref<160x128xf32, #tpu.memory_space<vmem>>) target(%dma_start3A_164 : memref<160x128xf32, #tpu.memory_space<hbm>>) target_semaphore(%arg11 : memref<!tpu.dma_semaphore, #tpu.memory_space<semaphore_mem>>)
      %dma_wait3A_168 = arith.constant 0 : i32
      %dma_wait3A_169 = arith.constant 0 : i32
      %dma_wait3A_170 = tpu.memref_slice %arg4[%dma_wait3A_168, %dma_wait3A_169] : memref<16x1281xf32, #tpu.memory_space<vmem>> -> memref<16x1280xf32, #tpu.memory_space<vmem>>
      %dma_wait3A_171 = arith.constant 0 : i32
      %dma_wait3A_172 = tpu.memref_slice %arg2[%scan3A_6, %dma_wait3A_171, %multiple_of3A_106] : memref<26x16x100001xf32, #tpu.memory_space<hbm>> -> memref<1x16x1280xf32, #tpu.memory_space<hbm>>
      %dma_wait3A_173 = tpu.memref_squeeze %dma_wait3A_172 : memref<1x16x1280xf32, #tpu.memory_space<hbm>> -> memref<16x1280xf32, #tpu.memory_space<hbm>>
      %dma_wait3A_174 = arith.constant 0 : i32
      %dma_wait3A_175 = arith.constant 0 : i32
      %dma_wait3A_176 = tpu.memref_slice %arg4[%dma_wait3A_174, %dma_wait3A_175] : memref<16x1281xf32, #tpu.memory_space<vmem>> -> memref<16x1280xf32, #tpu.memory_space<vmem>>
      %dma_wait3A_177 = arith.constant 0 : i32
      %dma_wait3A_178 = tpu.memref_slice %arg2[%scan3A_6, %dma_wait3A_177, %multiple_of3A_106] : memref<26x16x100001xf32, #tpu.memory_space<hbm>> -> memref<1x16x1280xf32, #tpu.memory_space<hbm>>
      %dma_wait3A_179 = tpu.memref_squeeze %dma_wait3A_178 : memref<1x16x1280xf32, #tpu.memory_space<hbm>> -> memref<16x1280xf32, #tpu.memory_space<hbm>>
      tpu.wait_dma2 semaphore(%arg8 : memref<!tpu.dma_semaphore, #tpu.memory_space<semaphore_mem>>) src(%dma_wait3A_179 : memref<16x1280xf32, #tpu.memory_space<hbm>>) dst(%dma_wait3A_176 : memref<16x1280xf32, #tpu.memory_space<vmem>>)
      %dma_wait3A_180 = arith.constant 0 : i32
      %dma_wait3A_181 = arith.constant 0 : i32
      %dma_wait3A_182 = tpu.memref_slice %arg6[%dma_wait3A_180, %dma_wait3A_181] : memref<160x129xf32, #tpu.memory_space<vmem>> -> memref<160x128xf32, #tpu.memory_space<vmem>>
      %dma_wait3A_183 = arith.constant 0 : i32
      %dma_wait3A_184 = tpu.memref_slice %arg3[%scan3A_6, %multiple_of3A_85, %dma_wait3A_183] : memref<26x12640x128xf32, #tpu.memory_space<hbm>> -> memref<1x160x128xf32, #tpu.memory_space<hbm>>
      %dma_wait3A_185 = tpu.memref_squeeze %dma_wait3A_184 : memref<1x160x128xf32, #tpu.memory_space<hbm>> -> memref<160x128xf32, #tpu.memory_space<hbm>>
      %dma_wait3A_186 = arith.constant 0 : i32
      %dma_wait3A_187 = tpu.memref_slice %arg3[%scan3A_6, %multiple_of3A_85, %dma_wait3A_186] : memref<26x12640x128xf32, #tpu.memory_space<hbm>> -> memref<1x160x128xf32, #tpu.memory_space<hbm>>
      %dma_wait3A_188 = tpu.memref_squeeze %dma_wait3A_187 : memref<1x160x128xf32, #tpu.memory_space<hbm>> -> memref<160x128xf32, #tpu.memory_space<hbm>>
      %dma_wait3A_189 = arith.constant 0 : i32
      %dma_wait3A_190 = arith.constant 0 : i32
      %dma_wait3A_191 = tpu.memref_slice %arg6[%dma_wait3A_189, %dma_wait3A_190] : memref<160x129xf32, #tpu.memory_space<vmem>> -> memref<160x128xf32, #tpu.memory_space<vmem>>
      tpu.wait_dma2 semaphore(%arg10 : memref<!tpu.dma_semaphore, #tpu.memory_space<semaphore_mem>>) src(%dma_wait3A_191 : memref<160x128xf32, #tpu.memory_space<vmem>>) dst(%dma_wait3A_188 : memref<160x128xf32, #tpu.memory_space<hbm>>)
      %scan3A_192 = arith.constant 0 : i32
      %scan3A_193 = arith.constant 0 : i32
      %scan3A_194 = arith.constant 80 : i32
      %scan3A_195 = arith.addi %scan3A_193, %scan3A_194 : i32
      %scan3A_196 = arith.constant 1 : i32
      scf.for %scan3A_248 = %scan3A_193 to %scan3A_195 step %scan3A_196  : i32 {
        %mul3A_249 = arith.constant 16 : i32
        %mul3A_250 = arith.muli %scan3A_248, %mul3A_249 : i32
        %add3A_251 = vector.broadcast %mul3A_250 : i32 to vector<16xi32>
        %add3A_252 = arith.addi %iota3A, %add3A_251 : vector<16xi32>
        %shift_right_logical3A = arith.constant 3 : i32
        %shift_right_logical3A_253 = vector.broadcast %shift_right_logical3A : i32 to vector<16xi32>
        %shift_right_logical3A_254 = arith.shrui %add3A_252, %shift_right_logical3A_253 : vector<16xi32>
        %and3A = arith.andi %add3A_252, %broadcast_in_dim3A_7 : vector<16xi32>
        %shift_left3A = arith.constant 4 : i32
        %shift_left3A_255 = vector.broadcast %shift_left3A : i32 to vector<16xi32>
        %shift_left3A_256 = arith.shli %and3A, %shift_left3A_255 : vector<16xi32>
        %mul3A_257 = arith.constant 16 : i32
        %mul3A_258 = arith.muli %scan3A_248, %mul3A_257 : i32
        %get3A = arith.constant 0 : i32
        %get3A_259 = arith.index_cast %get3A : i32 to index
        %get3A_260 = arith.index_cast %mul3A_258 : i32 to index
        %get3A_261 = tpu.vector_load %arg4[%get3A_259, %get3A_260] {strides = array<i32>} : memref<16x1281xf32, #tpu.memory_space<vmem>>, vector<16xf32>,
        %add3A_262 = arith.constant 0 : i32
        %add3A_263 = vector.broadcast %add3A_262 : i32 to vector<16xi32>
        %add3A_264 = arith.addi %shift_left3A_256, %add3A_263 : vector<16xi32>
        tpu.vector_store_idx %arg6[%shift_right_logical3A_254, %add3A_264], %get3A_261 : memref<160x129xf32, #tpu.memory_space<vmem>>[vector<16xi32>, vector<16xi32>], vector<16xf32>,
        %mul3A_265 = arith.constant 16 : i32
        %mul3A_266 = arith.muli %scan3A_248, %mul3A_265 : i32
        %get3A_267 = arith.constant 1 : i32
        %get3A_268 = arith.index_cast %get3A_267 : i32 to index
        %get3A_269 = arith.index_cast %mul3A_266 : i32 to index
        %get3A_270 = tpu.vector_load %arg4[%get3A_268, %get3A_269] {strides = array<i32>} : memref<16x1281xf32, #tpu.memory_space<vmem>>, vector<16xf32>,
        %add3A_271 = arith.constant 1 : i32
        %add3A_272 = vector.broadcast %add3A_271 : i32 to vector<16xi32>
        %add3A_273 = arith.addi %shift_left3A_256, %add3A_272 : vector<16xi32>
        tpu.vector_store_idx %arg6[%shift_right_logical3A_254, %add3A_273], %get3A_270 : memref<160x129xf32, #tpu.memory_space<vmem>>[vector<16xi32>, vector<16xi32>], vector<16xf32>,
        %mul3A_274 = arith.constant 16 : i32
        %mul3A_275 = arith.muli %scan3A_248, %mul3A_274 : i32
        %get3A_276 = arith.constant 2 : i32
        %get3A_277 = arith.index_cast %get3A_276 : i32 to index
        %get3A_278 = arith.index_cast %mul3A_275 : i32 to index
        %get3A_279 = tpu.vector_load %arg4[%get3A_277, %get3A_278] {strides = array<i32>} : memref<16x1281xf32, #tpu.memory_space<vmem>>, vector<16xf32>,
        %add3A_280 = arith.constant 2 : i32
        %add3A_281 = vector.broadcast %add3A_280 : i32 to vector<16xi32>
        %add3A_282 = arith.addi %shift_left3A_256, %add3A_281 : vector<16xi32>
        tpu.vector_store_idx %arg6[%shift_right_logical3A_254, %add3A_282], %get3A_279 : memref<160x129xf32, #tpu.memory_space<vmem>>[vector<16xi32>, vector<16xi32>], vector<16xf32>,
        %mul3A_283 = arith.constant 16 : i32
        %mul3A_284 = arith.muli %scan3A_248, %mul3A_283 : i32
        %get3A_285 = arith.constant 3 : i32
        %get3A_286 = arith.index_cast %get3A_285 : i32 to index
        %get3A_287 = arith.index_cast %mul3A_284 : i32 to index
        %get3A_288 = tpu.vector_load %arg4[%get3A_286, %get3A_287] {strides = array<i32>} : memref<16x1281xf32, #tpu.memory_space<vmem>>, vector<16xf32>,
        %add3A_289 = arith.constant 3 : i32
        %add3A_290 = vector.broadcast %add3A_289 : i32 to vector<16xi32>
        %add3A_291 = arith.addi %shift_left3A_256, %add3A_290 : vector<16xi32>
        tpu.vector_store_idx %arg6[%shift_right_logical3A_254, %add3A_291], %get3A_288 : memref<160x129xf32, #tpu.memory_space<vmem>>[vector<16xi32>, vector<16xi32>], vector<16xf32>,
        %mul3A_292 = arith.constant 16 : i32
        %mul3A_293 = arith.muli %scan3A_248, %mul3A_292 : i32
        %get3A_294 = arith.constant 4 : i32
        %get3A_295 = arith.index_cast %get3A_294 : i32 to index
        %get3A_296 = arith.index_cast %mul3A_293 : i32 to index
        %get3A_297 = tpu.vector_load %arg4[%get3A_295, %get3A_296] {strides = array<i32>} : memref<16x1281xf32, #tpu.memory_space<vmem>>, vector<16xf32>,
        %add3A_298 = arith.constant 4 : i32
        %add3A_299 = vector.broadcast %add3A_298 : i32 to vector<16xi32>
        %add3A_300 = arith.addi %shift_left3A_256, %add3A_299 : vector<16xi32>
        tpu.vector_store_idx %arg6[%shift_right_logical3A_254, %add3A_300], %get3A_297 : memref<160x129xf32, #tpu.memory_space<vmem>>[vector<16xi32>, vector<16xi32>], vector<16xf32>,
        %mul3A_301 = arith.constant 16 : i32
        %mul3A_302 = arith.muli %scan3A_248, %mul3A_301 : i32
        %get3A_303 = arith.constant 5 : i32
        %get3A_304 = arith.index_cast %get3A_303 : i32 to index
        %get3A_305 = arith.index_cast %mul3A_302 : i32 to index
        %get3A_306 = tpu.vector_load %arg4[%get3A_304, %get3A_305] {strides = array<i32>} : memref<16x1281xf32, #tpu.memory_space<vmem>>, vector<16xf32>,
        %add3A_307 = arith.constant 5 : i32
        %add3A_308 = vector.broadcast %add3A_307 : i32 to vector<16xi32>
        %add3A_309 = arith.addi %shift_left3A_256, %add3A_308 : vector<16xi32>
        tpu.vector_store_idx %arg6[%shift_right_logical3A_254, %add3A_309], %get3A_306 : memref<160x129xf32, #tpu.memory_space<vmem>>[vector<16xi32>, vector<16xi32>], vector<16xf32>,
        %mul3A_310 = arith.constant 16 : i32
        %mul3A_311 = arith.muli %scan3A_248, %mul3A_310 : i32
        %get3A_312 = arith.constant 6 : i32
        %get3A_313 = arith.index_cast %get3A_312 : i32 to index
        %get3A_314 = arith.index_cast %mul3A_311 : i32 to index
        %get3A_315 = tpu.vector_load %arg4[%get3A_313, %get3A_314] {strides = array<i32>} : memref<16x1281xf32, #tpu.memory_space<vmem>>, vector<16xf32>,
        %add3A_316 = arith.constant 6 : i32
        %add3A_317 = vector.broadcast %add3A_316 : i32 to vector<16xi32>
        %add3A_318 = arith.addi %shift_left3A_256, %add3A_317 : vector<16xi32>
        tpu.vector_store_idx %arg6[%shift_right_logical3A_254, %add3A_318], %get3A_315 : memref<160x129xf32, #tpu.memory_space<vmem>>[vector<16xi32>, vector<16xi32>], vector<16xf32>,
        %mul3A_319 = arith.constant 16 : i32
        %mul3A_320 = arith.muli %scan3A_248, %mul3A_319 : i32
        %get3A_321 = arith.constant 7 : i32
        %get3A_322 = arith.index_cast %get3A_321 : i32 to index
        %get3A_323 = arith.index_cast %mul3A_320 : i32 to index
        %get3A_324 = tpu.vector_load %arg4[%get3A_322, %get3A_323] {strides = array<i32>} : memref<16x1281xf32, #tpu.memory_space<vmem>>, vector<16xf32>,
        %add3A_325 = arith.constant 7 : i32
        %add3A_326 = vector.broadcast %add3A_325 : i32 to vector<16xi32>
        %add3A_327 = arith.addi %shift_left3A_256, %add3A_326 : vector<16xi32>
        tpu.vector_store_idx %arg6[%shift_right_logical3A_254, %add3A_327], %get3A_324 : memref<160x129xf32, #tpu.memory_space<vmem>>[vector<16xi32>, vector<16xi32>], vector<16xf32>,
        %mul3A_328 = arith.constant 16 : i32
        %mul3A_329 = arith.muli %scan3A_248, %mul3A_328 : i32
        %get3A_330 = arith.constant 8 : i32
        %get3A_331 = arith.index_cast %get3A_330 : i32 to index
        %get3A_332 = arith.index_cast %mul3A_329 : i32 to index
        %get3A_333 = tpu.vector_load %arg4[%get3A_331, %get3A_332] {strides = array<i32>} : memref<16x1281xf32, #tpu.memory_space<vmem>>, vector<16xf32>,
        %add3A_334 = arith.constant 8 : i32
        %add3A_335 = vector.broadcast %add3A_334 : i32 to vector<16xi32>
        %add3A_336 = arith.addi %shift_left3A_256, %add3A_335 : vector<16xi32>
        tpu.vector_store_idx %arg6[%shift_right_logical3A_254, %add3A_336], %get3A_333 : memref<160x129xf32, #tpu.memory_space<vmem>>[vector<16xi32>, vector<16xi32>], vector<16xf32>,
        %mul3A_337 = arith.constant 16 : i32
        %mul3A_338 = arith.muli %scan3A_248, %mul3A_337 : i32
        %get3A_339 = arith.constant 9 : i32
        %get3A_340 = arith.index_cast %get3A_339 : i32 to index
        %get3A_341 = arith.index_cast %mul3A_338 : i32 to index
        %get3A_342 = tpu.vector_load %arg4[%get3A_340, %get3A_341] {strides = array<i32>} : memref<16x1281xf32, #tpu.memory_space<vmem>>, vector<16xf32>,
        %add3A_343 = arith.constant 9 : i32
        %add3A_344 = vector.broadcast %add3A_343 : i32 to vector<16xi32>
        %add3A_345 = arith.addi %shift_left3A_256, %add3A_344 : vector<16xi32>
        tpu.vector_store_idx %arg6[%shift_right_logical3A_254, %add3A_345], %get3A_342 : memref<160x129xf32, #tpu.memory_space<vmem>>[vector<16xi32>, vector<16xi32>], vector<16xf32>,
        %mul3A_346 = arith.constant 16 : i32
        %mul3A_347 = arith.muli %scan3A_248, %mul3A_346 : i32
        %get3A_348 = arith.constant 10 : i32
        %get3A_349 = arith.index_cast %get3A_348 : i32 to index
        %get3A_350 = arith.index_cast %mul3A_347 : i32 to index
        %get3A_351 = tpu.vector_load %arg4[%get3A_349, %get3A_350] {strides = array<i32>} : memref<16x1281xf32, #tpu.memory_space<vmem>>, vector<16xf32>,
        %add3A_352 = arith.constant 10 : i32
        %add3A_353 = vector.broadcast %add3A_352 : i32 to vector<16xi32>
        %add3A_354 = arith.addi %shift_left3A_256, %add3A_353 : vector<16xi32>
        tpu.vector_store_idx %arg6[%shift_right_logical3A_254, %add3A_354], %get3A_351 : memref<160x129xf32, #tpu.memory_space<vmem>>[vector<16xi32>, vector<16xi32>], vector<16xf32>,
        %mul3A_355 = arith.constant 16 : i32
        %mul3A_356 = arith.muli %scan3A_248, %mul3A_355 : i32
        %get3A_357 = arith.constant 11 : i32
        %get3A_358 = arith.index_cast %get3A_357 : i32 to index
        %get3A_359 = arith.index_cast %mul3A_356 : i32 to index
        %get3A_360 = tpu.vector_load %arg4[%get3A_358, %get3A_359] {strides = array<i32>} : memref<16x1281xf32, #tpu.memory_space<vmem>>, vector<16xf32>,
        %add3A_361 = arith.constant 11 : i32
        %add3A_362 = vector.broadcast %add3A_361 : i32 to vector<16xi32>
        %add3A_363 = arith.addi %shift_left3A_256, %add3A_362 : vector<16xi32>
        tpu.vector_store_idx %arg6[%shift_right_logical3A_254, %add3A_363], %get3A_360 : memref<160x129xf32, #tpu.memory_space<vmem>>[vector<16xi32>, vector<16xi32>], vector<16xf32>,
        %mul3A_364 = arith.constant 16 : i32
        %mul3A_365 = arith.muli %scan3A_248, %mul3A_364 : i32
        %get3A_366 = arith.constant 12 : i32
        %get3A_367 = arith.index_cast %get3A_366 : i32 to index
        %get3A_368 = arith.index_cast %mul3A_365 : i32 to index
        %get3A_369 = tpu.vector_load %arg4[%get3A_367, %get3A_368] {strides = array<i32>} : memref<16x1281xf32, #tpu.memory_space<vmem>>, vector<16xf32>,
        %add3A_370 = arith.constant 12 : i32
        %add3A_371 = vector.broadcast %add3A_370 : i32 to vector<16xi32>
        %add3A_372 = arith.addi %shift_left3A_256, %add3A_371 : vector<16xi32>
        tpu.vector_store_idx %arg6[%shift_right_logical3A_254, %add3A_372], %get3A_369 : memref<160x129xf32, #tpu.memory_space<vmem>>[vector<16xi32>, vector<16xi32>], vector<16xf32>,
        %mul3A_373 = arith.constant 16 : i32
        %mul3A_374 = arith.muli %scan3A_248, %mul3A_373 : i32
        %get3A_375 = arith.constant 13 : i32
        %get3A_376 = arith.index_cast %get3A_375 : i32 to index
        %get3A_377 = arith.index_cast %mul3A_374 : i32 to index
        %get3A_378 = tpu.vector_load %arg4[%get3A_376, %get3A_377] {strides = array<i32>} : memref<16x1281xf32, #tpu.memory_space<vmem>>, vector<16xf32>,
        %add3A_379 = arith.constant 13 : i32
        %add3A_380 = vector.broadcast %add3A_379 : i32 to vector<16xi32>
        %add3A_381 = arith.addi %shift_left3A_256, %add3A_380 : vector<16xi32>
        tpu.vector_store_idx %arg6[%shift_right_logical3A_254, %add3A_381], %get3A_378 : memref<160x129xf32, #tpu.memory_space<vmem>>[vector<16xi32>, vector<16xi32>], vector<16xf32>,
        %mul3A_382 = arith.constant 16 : i32
        %mul3A_383 = arith.muli %scan3A_248, %mul3A_382 : i32
        %get3A_384 = arith.constant 14 : i32
        %get3A_385 = arith.index_cast %get3A_384 : i32 to index
        %get3A_386 = arith.index_cast %mul3A_383 : i32 to index
        %get3A_387 = tpu.vector_load %arg4[%get3A_385, %get3A_386] {strides = array<i32>} : memref<16x1281xf32, #tpu.memory_space<vmem>>, vector<16xf32>,
        %add3A_388 = arith.constant 14 : i32
        %add3A_389 = vector.broadcast %add3A_388 : i32 to vector<16xi32>
        %add3A_390 = arith.addi %shift_left3A_256, %add3A_389 : vector<16xi32>
        tpu.vector_store_idx %arg6[%shift_right_logical3A_254, %add3A_390], %get3A_387 : memref<160x129xf32, #tpu.memory_space<vmem>>[vector<16xi32>, vector<16xi32>], vector<16xf32>,
        %mul3A_391 = arith.constant 16 : i32
        %mul3A_392 = arith.muli %scan3A_248, %mul3A_391 : i32
        %get3A_393 = arith.constant 15 : i32
        %get3A_394 = arith.index_cast %get3A_393 : i32 to index
        %get3A_395 = arith.index_cast %mul3A_392 : i32 to index
        %get3A_396 = tpu.vector_load %arg4[%get3A_394, %get3A_395] {strides = array<i32>} : memref<16x1281xf32, #tpu.memory_space<vmem>>, vector<16xf32>,
        %add3A_397 = arith.constant 15 : i32
        %add3A_398 = vector.broadcast %add3A_397 : i32 to vector<16xi32>
        %add3A_399 = arith.addi %shift_left3A_256, %add3A_398 : vector<16xi32>
        tpu.vector_store_idx %arg6[%shift_right_logical3A_254, %add3A_399], %get3A_396 : memref<160x129xf32, #tpu.memory_space<vmem>>[vector<16xi32>, vector<16xi32>], vector<16xf32>,
      }
      %scan3A_197 = arith.constant 80 : i32
      %add3A_198 = arith.constant 64 : i32
      %add3A_199 = arith.addi %add3A, %add3A_198 : i32
      %lt3A_200 = arith.constant 78 : i32
      %lt3A_201 = arith.cmpi slt, %add3A_199, %lt3A_200 : i32
      %jit3A_202 = arith.constant 0 : i32
      %select_n3A_203 = arith.select %lt3A_201, %add3A_199, %jit3A_202 : i32
      %mul3A_204 = arith.constant 1280 : i32
      %mul3A_205 = arith.muli %select_n3A_203, %mul3A_204 : i32
      %multiple_of3A_206 = tpu.assume_multiple %mul3A_205, 128 : i32
      %mul3A_207 = arith.constant 160 : i32
      %mul3A_208 = arith.muli %add3A_199, %mul3A_207 : i32
      %jit3A_209 = arith.constant 12480 : i32
      %select_n3A_210 = arith.select %lt3A_201, %mul3A_208, %jit3A_209 : i32
      %multiple_of3A_211 = tpu.assume_multiple %select_n3A_210, 8 : i32
      %dma_start3A_212 = arith.constant 0 : i32
      %dma_start3A_213 = arith.constant 0 : i32
      %dma_start3A_214 = tpu.memref_slice %arg6[%dma_start3A_212, %dma_start3A_213] : memref<160x129xf32, #tpu.memory_space<vmem>> -> memref<160x128xf32, #tpu.memory_space<vmem>>
      %dma_start3A_215 = arith.constant 0 : i32
      %dma_start3A_216 = tpu.memref_slice %arg3[%scan3A_6, %multiple_of3A_211, %dma_start3A_215] : memref<26x12640x128xf32, #tpu.memory_space<hbm>> -> memref<1x160x128xf32, #tpu.memory_space<hbm>>
      %dma_start3A_217 = tpu.memref_squeeze %dma_start3A_216 : memref<1x160x128xf32, #tpu.memory_space<hbm>> -> memref<160x128xf32, #tpu.memory_space<hbm>>
      %dma_start3A_218 = arith.constant 0 : i32
      %dma_start3A_219 = tpu.memref_slice %arg3[%scan3A_6, %multiple_of3A_211, %dma_start3A_218] : memref<26x12640x128xf32, #tpu.memory_space<hbm>> -> memref<1x160x128xf32, #tpu.memory_space<hbm>>
      %dma_start3A_220 = tpu.memref_squeeze %dma_start3A_219 : memref<1x160x128xf32, #tpu.memory_space<hbm>> -> memref<160x128xf32, #tpu.memory_space<hbm>>
      %dma_start3A_221 = arith.constant 0 : i32
      %dma_start3A_222 = arith.constant 0 : i32
      %dma_start3A_223 = tpu.memref_slice %arg6[%dma_start3A_221, %dma_start3A_222] : memref<160x129xf32, #tpu.memory_space<vmem>> -> memref<160x128xf32, #tpu.memory_space<vmem>>
      tpu.enqueue_dma source(%dma_start3A_223 : memref<160x128xf32, #tpu.memory_space<vmem>>) target(%dma_start3A_220 : memref<160x128xf32, #tpu.memory_space<hbm>>) target_semaphore(%arg10 : memref<!tpu.dma_semaphore, #tpu.memory_space<semaphore_mem>>)
      %dma_wait3A_224 = arith.constant 0 : i32
      %dma_wait3A_225 = arith.constant 0 : i32
      %dma_wait3A_226 = tpu.memref_slice %arg7[%dma_wait3A_224, %dma_wait3A_225] : memref<160x129xf32, #tpu.memory_space<vmem>> -> memref<160x128xf32, #tpu.memory_space<vmem>>
      %dma_wait3A_227 = arith.constant 0 : i32
      %dma_wait3A_228 = tpu.memref_slice %arg3[%scan3A_6, %multiple_of3A_155, %dma_wait3A_227] : memref<26x12640x128xf32, #tpu.memory_space<hbm>> -> memref<1x160x128xf32, #tpu.memory_space<hbm>>
      %dma_wait3A_229 = tpu.memref_squeeze %dma_wait3A_228 : memref<1x160x128xf32, #tpu.memory_space<hbm>> -> memref<160x128xf32, #tpu.memory_space<hbm>>
      %dma_wait3A_230 = arith.constant 0 : i32
      %dma_wait3A_231 = tpu.memref_slice %arg3[%scan3A_6, %multiple_of3A_155, %dma_wait3A_230] : memref<26x12640x128xf32, #tpu.memory_space<hbm>> -> memref<1x160x128xf32, #tpu.memory_space<hbm>>
      %dma_wait3A_232 = tpu.memref_squeeze %dma_wait3A_231 : memref<1x160x128xf32, #tpu.memory_space<hbm>> -> memref<160x128xf32, #tpu.memory_space<hbm>>
      %dma_wait3A_233 = arith.constant 0 : i32
      %dma_wait3A_234 = arith.constant 0 : i32
      %dma_wait3A_235 = tpu.memref_slice %arg7[%dma_wait3A_233, %dma_wait3A_234] : memref<160x129xf32, #tpu.memory_space<vmem>> -> memref<160x128xf32, #tpu.memory_space<vmem>>
      tpu.wait_dma2 semaphore(%arg11 : memref<!tpu.dma_semaphore, #tpu.memory_space<semaphore_mem>>) src(%dma_wait3A_235 : memref<160x128xf32, #tpu.memory_space<vmem>>) dst(%dma_wait3A_232 : memref<160x128xf32, #tpu.memory_space<hbm>>)
      %dma_wait3A_236 = arith.constant 0 : i32
      %dma_wait3A_237 = arith.constant 0 : i32
      %dma_wait3A_238 = tpu.memref_slice %arg6[%dma_wait3A_236, %dma_wait3A_237] : memref<160x129xf32, #tpu.memory_space<vmem>> -> memref<160x128xf32, #tpu.memory_space<vmem>>
      %dma_wait3A_239 = arith.constant 0 : i32
      %dma_wait3A_240 = tpu.memref_slice %arg3[%scan3A_6, %multiple_of3A_211, %dma_wait3A_239] : memref<26x12640x128xf32, #tpu.memory_space<hbm>> -> memref<1x160x128xf32, #tpu.memory_space<hbm>>
      %dma_wait3A_241 = tpu.memref_squeeze %dma_wait3A_240 : memref<1x160x128xf32, #tpu.memory_space<hbm>> -> memref<160x128xf32, #tpu.memory_space<hbm>>
      %dma_wait3A_242 = arith.constant 0 : i32
      %dma_wait3A_243 = tpu.memref_slice %arg3[%scan3A_6, %multiple_of3A_211, %dma_wait3A_242] : memref<26x12640x128xf32, #tpu.memory_space<hbm>> -> memref<1x160x128xf32, #tpu.memory_space<hbm>>
      %dma_wait3A_244 = tpu.memref_squeeze %dma_wait3A_243 : memref<1x160x128xf32, #tpu.memory_space<hbm>> -> memref<160x128xf32, #tpu.memory_space<hbm>>
      %dma_wait3A_245 = arith.constant 0 : i32
      %dma_wait3A_246 = arith.constant 0 : i32
      %dma_wait3A_247 = tpu.memref_slice %arg6[%dma_wait3A_245, %dma_wait3A_246] : memref<160x129xf32, #tpu.memory_space<vmem>> -> memref<160x128xf32, #tpu.memory_space<vmem>>
      tpu.wait_dma2 semaphore(%arg10 : memref<!tpu.dma_semaphore, #tpu.memory_space<semaphore_mem>>) src(%dma_wait3A_247 : memref<160x128xf32, #tpu.memory_space<vmem>>) dst(%dma_wait3A_244 : memref<160x128xf32, #tpu.memory_space<hbm>>)
    }
    %scan3A_5 = arith.constant 26 : i32
    return
  }
}

#map = affine_map<(d0, d1) -> (0, 0)>
#map1 = affine_map<(d0, d1) -> (0, 0, 0)>
module attributes {stable_mosaic.version = 14 : i64} {
  func.func @_lookup_body(%arg0: i32, %arg1: i32, %arg2: memref<26x16384xi32, #tpu.memory_space<hbm>>, %arg3: memref<26x12640x128xf32, #tpu.memory_space<hbm>>, %arg4: memref<26x32x128xf32, #tpu.memory_space<hbm>>, %arg5: memref<16x16384xf32, #tpu.memory_space<hbm>>, %arg6: memref<512xi32, #tpu.memory_space<vmem>>, %arg7: memref<512xi32, #tpu.memory_space<vmem>>, %arg8: memref<512xi32, #tpu.memory_space<vmem>>, %arg9: memref<512xi32, #tpu.memory_space<vmem>>, %arg10: memref<288x128xf32, #tpu.memory_space<vmem>>, %arg11: memref<16x512xf32, #tpu.memory_space<vmem>>, %arg12: memref<!tpu.dma_semaphore, #tpu.memory_space<semaphore_mem>>) attributes {dimension_semantics = [#tpu.dimension_semantics<core_parallel>, #tpu.dimension_semantics<subcore_parallel>], iteration_bounds = array<i64: 2, 16>, scalar_prefetch = 0 : i64, scratch_operands = 7 : i64, tpu.core_type = #tpu.core_type<sc_vector_subcore>, window_params = [{transform_indices = #map}, {transform_indices = #map1}, {transform_indices = #map1}, {transform_indices = #map}]} {
    %mul3A = arith.constant 2 : i32
    %mul3A_0 = arith.muli %arg1, %mul3A : i32
    %add3A = arith.addi %mul3A_0, %arg0 : i32
    %mul3A_1 = arith.constant 512 : i32
    %mul3A_2 = arith.muli %add3A, %mul3A_1 : i32
    %broadcast_in_dim3A = arith.constant 7 : i32
    %broadcast_in_dim3A_3 = vector.broadcast %broadcast_in_dim3A : i32 to vector<16xi32>
    %broadcast_in_dim3A_4 = arith.constant 12479 : i32
    %broadcast_in_dim3A_5 = vector.broadcast %broadcast_in_dim3A_4 : i32 to vector<16xi32>
    %broadcast_in_dim3A_6 = arith.constant 0.0384615399 : f32
    %broadcast_in_dim3A_7 = vector.broadcast %broadcast_in_dim3A_6 : f32 to vector<16xf32>
    %iota3A = tpu.iota {dimensions = array<i32: 0>} : vector<16xi32>
    %broadcast_in_dim3A_8 = arith.constant 0.000000e+00 : f32
    %broadcast_in_dim3A_9 = vector.broadcast %broadcast_in_dim3A_8 : f32 to vector<16xf32>
    %scan3A = arith.constant 0 : i32
    %scan3A_10 = arith.constant 0 : i32
    %scan3A_11 = arith.constant 32 : i32
    %scan3A_12 = arith.addi %scan3A_10, %scan3A_11 : i32
    %scan3A_13 = arith.constant 1 : i32
    scf.for %scan3A_27 = %scan3A_10 to %scan3A_12 step %scan3A_13  : i32 {
      %mul3A_28 = arith.constant 16 : i32
      %mul3A_29 = arith.muli %scan3A_27, %mul3A_28 : i32
      %swap3A = arith.constant 0 : i32
      %swap3A_30 = arith.index_cast %swap3A : i32 to index
      %swap3A_31 = arith.index_cast %mul3A_29 : i32 to index
      %swap3A_32 = tpu.vector_load %arg11[%swap3A_30, %swap3A_31] {strides = array<i32>} : memref<16x512xf32, #tpu.memory_space<vmem>>, vector<16xf32>,
      tpu.vector_store %arg11[%swap3A_30, %swap3A_31], %broadcast_in_dim3A_9 {strides = array<i32>} : memref<16x512xf32, #tpu.memory_space<vmem>>, vector<16xf32>,
      %mul3A_33 = arith.constant 16 : i32
      %mul3A_34 = arith.muli %scan3A_27, %mul3A_33 : i32
      %swap3A_35 = arith.constant 1 : i32
      %swap3A_36 = arith.index_cast %swap3A_35 : i32 to index
      %swap3A_37 = arith.index_cast %mul3A_34 : i32 to index
      %swap3A_38 = tpu.vector_load %arg11[%swap3A_36, %swap3A_37] {strides = array<i32>} : memref<16x512xf32, #tpu.memory_space<vmem>>, vector<16xf32>,
      tpu.vector_store %arg11[%swap3A_36, %swap3A_37], %broadcast_in_dim3A_9 {strides = array<i32>} : memref<16x512xf32, #tpu.memory_space<vmem>>, vector<16xf32>,
      %mul3A_39 = arith.constant 16 : i32
      %mul3A_40 = arith.muli %scan3A_27, %mul3A_39 : i32
      %swap3A_41 = arith.constant 2 : i32
      %swap3A_42 = arith.index_cast %swap3A_41 : i32 to index
      %swap3A_43 = arith.index_cast %mul3A_40 : i32 to index
      %swap3A_44 = tpu.vector_load %arg11[%swap3A_42, %swap3A_43] {strides = array<i32>} : memref<16x512xf32, #tpu.memory_space<vmem>>, vector<16xf32>,
      tpu.vector_store %arg11[%swap3A_42, %swap3A_43], %broadcast_in_dim3A_9 {strides = array<i32>} : memref<16x512xf32, #tpu.memory_space<vmem>>, vector<16xf32>,
      %mul3A_45 = arith.constant 16 : i32
      %mul3A_46 = arith.muli %scan3A_27, %mul3A_45 : i32
      %swap3A_47 = arith.constant 3 : i32
      %swap3A_48 = arith.index_cast %swap3A_47 : i32 to index
      %swap3A_49 = arith.index_cast %mul3A_46 : i32 to index
      %swap3A_50 = tpu.vector_load %arg11[%swap3A_48, %swap3A_49] {strides = array<i32>} : memref<16x512xf32, #tpu.memory_space<vmem>>, vector<16xf32>,
      tpu.vector_store %arg11[%swap3A_48, %swap3A_49], %broadcast_in_dim3A_9 {strides = array<i32>} : memref<16x512xf32, #tpu.memory_space<vmem>>, vector<16xf32>,
      %mul3A_51 = arith.constant 16 : i32
      %mul3A_52 = arith.muli %scan3A_27, %mul3A_51 : i32
      %swap3A_53 = arith.constant 4 : i32
      %swap3A_54 = arith.index_cast %swap3A_53 : i32 to index
      %swap3A_55 = arith.index_cast %mul3A_52 : i32 to index
      %swap3A_56 = tpu.vector_load %arg11[%swap3A_54, %swap3A_55] {strides = array<i32>} : memref<16x512xf32, #tpu.memory_space<vmem>>, vector<16xf32>,
      tpu.vector_store %arg11[%swap3A_54, %swap3A_55], %broadcast_in_dim3A_9 {strides = array<i32>} : memref<16x512xf32, #tpu.memory_space<vmem>>, vector<16xf32>,
      %mul3A_57 = arith.constant 16 : i32
      %mul3A_58 = arith.muli %scan3A_27, %mul3A_57 : i32
      %swap3A_59 = arith.constant 5 : i32
      %swap3A_60 = arith.index_cast %swap3A_59 : i32 to index
      %swap3A_61 = arith.index_cast %mul3A_58 : i32 to index
      %swap3A_62 = tpu.vector_load %arg11[%swap3A_60, %swap3A_61] {strides = array<i32>} : memref<16x512xf32, #tpu.memory_space<vmem>>, vector<16xf32>,
      tpu.vector_store %arg11[%swap3A_60, %swap3A_61], %broadcast_in_dim3A_9 {strides = array<i32>} : memref<16x512xf32, #tpu.memory_space<vmem>>, vector<16xf32>,
      %mul3A_63 = arith.constant 16 : i32
      %mul3A_64 = arith.muli %scan3A_27, %mul3A_63 : i32
      %swap3A_65 = arith.constant 6 : i32
      %swap3A_66 = arith.index_cast %swap3A_65 : i32 to index
      %swap3A_67 = arith.index_cast %mul3A_64 : i32 to index
      %swap3A_68 = tpu.vector_load %arg11[%swap3A_66, %swap3A_67] {strides = array<i32>} : memref<16x512xf32, #tpu.memory_space<vmem>>, vector<16xf32>,
      tpu.vector_store %arg11[%swap3A_66, %swap3A_67], %broadcast_in_dim3A_9 {strides = array<i32>} : memref<16x512xf32, #tpu.memory_space<vmem>>, vector<16xf32>,
      %mul3A_69 = arith.constant 16 : i32
      %mul3A_70 = arith.muli %scan3A_27, %mul3A_69 : i32
      %swap3A_71 = arith.constant 7 : i32
      %swap3A_72 = arith.index_cast %swap3A_71 : i32 to index
      %swap3A_73 = arith.index_cast %mul3A_70 : i32 to index
      %swap3A_74 = tpu.vector_load %arg11[%swap3A_72, %swap3A_73] {strides = array<i32>} : memref<16x512xf32, #tpu.memory_space<vmem>>, vector<16xf32>,
      tpu.vector_store %arg11[%swap3A_72, %swap3A_73], %broadcast_in_dim3A_9 {strides = array<i32>} : memref<16x512xf32, #tpu.memory_space<vmem>>, vector<16xf32>,
      %mul3A_75 = arith.constant 16 : i32
      %mul3A_76 = arith.muli %scan3A_27, %mul3A_75 : i32
      %swap3A_77 = arith.constant 8 : i32
      %swap3A_78 = arith.index_cast %swap3A_77 : i32 to index
      %swap3A_79 = arith.index_cast %mul3A_76 : i32 to index
      %swap3A_80 = tpu.vector_load %arg11[%swap3A_78, %swap3A_79] {strides = array<i32>} : memref<16x512xf32, #tpu.memory_space<vmem>>, vector<16xf32>,
      tpu.vector_store %arg11[%swap3A_78, %swap3A_79], %broadcast_in_dim3A_9 {strides = array<i32>} : memref<16x512xf32, #tpu.memory_space<vmem>>, vector<16xf32>,
      %mul3A_81 = arith.constant 16 : i32
      %mul3A_82 = arith.muli %scan3A_27, %mul3A_81 : i32
      %swap3A_83 = arith.constant 9 : i32
      %swap3A_84 = arith.index_cast %swap3A_83 : i32 to index
      %swap3A_85 = arith.index_cast %mul3A_82 : i32 to index
      %swap3A_86 = tpu.vector_load %arg11[%swap3A_84, %swap3A_85] {strides = array<i32>} : memref<16x512xf32, #tpu.memory_space<vmem>>, vector<16xf32>,
      tpu.vector_store %arg11[%swap3A_84, %swap3A_85], %broadcast_in_dim3A_9 {strides = array<i32>} : memref<16x512xf32, #tpu.memory_space<vmem>>, vector<16xf32>,
      %mul3A_87 = arith.constant 16 : i32
      %mul3A_88 = arith.muli %scan3A_27, %mul3A_87 : i32
      %swap3A_89 = arith.constant 10 : i32
      %swap3A_90 = arith.index_cast %swap3A_89 : i32 to index
      %swap3A_91 = arith.index_cast %mul3A_88 : i32 to index
      %swap3A_92 = tpu.vector_load %arg11[%swap3A_90, %swap3A_91] {strides = array<i32>} : memref<16x512xf32, #tpu.memory_space<vmem>>, vector<16xf32>,
      tpu.vector_store %arg11[%swap3A_90, %swap3A_91], %broadcast_in_dim3A_9 {strides = array<i32>} : memref<16x512xf32, #tpu.memory_space<vmem>>, vector<16xf32>,
      %mul3A_93 = arith.constant 16 : i32
      %mul3A_94 = arith.muli %scan3A_27, %mul3A_93 : i32
      %swap3A_95 = arith.constant 11 : i32
      %swap3A_96 = arith.index_cast %swap3A_95 : i32 to index
      %swap3A_97 = arith.index_cast %mul3A_94 : i32 to index
      %swap3A_98 = tpu.vector_load %arg11[%swap3A_96, %swap3A_97] {strides = array<i32>} : memref<16x512xf32, #tpu.memory_space<vmem>>, vector<16xf32>,
      tpu.vector_store %arg11[%swap3A_96, %swap3A_97], %broadcast_in_dim3A_9 {strides = array<i32>} : memref<16x512xf32, #tpu.memory_space<vmem>>, vector<16xf32>,
      %mul3A_99 = arith.constant 16 : i32
      %mul3A_100 = arith.muli %scan3A_27, %mul3A_99 : i32
      %swap3A_101 = arith.constant 12 : i32
      %swap3A_102 = arith.index_cast %swap3A_101 : i32 to index
      %swap3A_103 = arith.index_cast %mul3A_100 : i32 to index
      %swap3A_104 = tpu.vector_load %arg11[%swap3A_102, %swap3A_103] {strides = array<i32>} : memref<16x512xf32, #tpu.memory_space<vmem>>, vector<16xf32>,
      tpu.vector_store %arg11[%swap3A_102, %swap3A_103], %broadcast_in_dim3A_9 {strides = array<i32>} : memref<16x512xf32, #tpu.memory_space<vmem>>, vector<16xf32>,
      %mul3A_105 = arith.constant 16 : i32
      %mul3A_106 = arith.muli %scan3A_27, %mul3A_105 : i32
      %swap3A_107 = arith.constant 13 : i32
      %swap3A_108 = arith.index_cast %swap3A_107 : i32 to index
      %swap3A_109 = arith.index_cast %mul3A_106 : i32 to index
      %swap3A_110 = tpu.vector_load %arg11[%swap3A_108, %swap3A_109] {strides = array<i32>} : memref<16x512xf32, #tpu.memory_space<vmem>>, vector<16xf32>,
      tpu.vector_store %arg11[%swap3A_108, %swap3A_109], %broadcast_in_dim3A_9 {strides = array<i32>} : memref<16x512xf32, #tpu.memory_space<vmem>>, vector<16xf32>,
      %mul3A_111 = arith.constant 16 : i32
      %mul3A_112 = arith.muli %scan3A_27, %mul3A_111 : i32
      %swap3A_113 = arith.constant 14 : i32
      %swap3A_114 = arith.index_cast %swap3A_113 : i32 to index
      %swap3A_115 = arith.index_cast %mul3A_112 : i32 to index
      %swap3A_116 = tpu.vector_load %arg11[%swap3A_114, %swap3A_115] {strides = array<i32>} : memref<16x512xf32, #tpu.memory_space<vmem>>, vector<16xf32>,
      tpu.vector_store %arg11[%swap3A_114, %swap3A_115], %broadcast_in_dim3A_9 {strides = array<i32>} : memref<16x512xf32, #tpu.memory_space<vmem>>, vector<16xf32>,
      %mul3A_117 = arith.constant 16 : i32
      %mul3A_118 = arith.muli %scan3A_27, %mul3A_117 : i32
      %swap3A_119 = arith.constant 15 : i32
      %swap3A_120 = arith.index_cast %swap3A_119 : i32 to index
      %swap3A_121 = arith.index_cast %mul3A_118 : i32 to index
      %swap3A_122 = tpu.vector_load %arg11[%swap3A_120, %swap3A_121] {strides = array<i32>} : memref<16x512xf32, #tpu.memory_space<vmem>>, vector<16xf32>,
      tpu.vector_store %arg11[%swap3A_120, %swap3A_121], %broadcast_in_dim3A_9 {strides = array<i32>} : memref<16x512xf32, #tpu.memory_space<vmem>>, vector<16xf32>,
    }
    %scan3A_14 = arith.constant 32 : i32
    %scan3A_15 = arith.constant 0 : i32
    %scan3A_16 = arith.constant 0 : i32
    %scan3A_17 = arith.constant 26 : i32
    %scan3A_18 = arith.addi %scan3A_16, %scan3A_17 : i32
    %scan3A_19 = arith.constant 1 : i32
    scf.for %scan3A_27 = %scan3A_16 to %scan3A_18 step %scan3A_19  : i32 {
      "tpu.region"() ({
        %run_scoped3A = tpu.sem_alloc : memref<!tpu.dma_semaphore, #tpu.memory_space<semaphore_mem>>
        %dma_start3A_140 = tpu.memref_slice %arg2[%scan3A_27, %mul3A_2] : memref<26x16384xi32, #tpu.memory_space<hbm>> -> memref<1x512xi32, #tpu.memory_space<hbm>>
        %dma_start3A_141 = tpu.memref_squeeze %dma_start3A_140 : memref<1x512xi32, #tpu.memory_space<hbm>> -> memref<512xi32, #tpu.memory_space<hbm>>
        %dma_start3A_142 = tpu.memref_slice %arg2[%scan3A_27, %mul3A_2] : memref<26x16384xi32, #tpu.memory_space<hbm>> -> memref<1x512xi32, #tpu.memory_space<hbm>>
        %dma_start3A_143 = tpu.memref_squeeze %dma_start3A_142 : memref<1x512xi32, #tpu.memory_space<hbm>> -> memref<512xi32, #tpu.memory_space<hbm>>
        tpu.enqueue_dma source(%dma_start3A_143 : memref<512xi32, #tpu.memory_space<hbm>>) target(%arg6 : memref<512xi32, #tpu.memory_space<vmem>>) target_semaphore(%run_scoped3A : memref<!tpu.dma_semaphore, #tpu.memory_space<semaphore_mem>>)
        %dma_wait3A_144 = tpu.memref_slice %arg2[%scan3A_27, %mul3A_2] : memref<26x16384xi32, #tpu.memory_space<hbm>> -> memref<1x512xi32, #tpu.memory_space<hbm>>
        %dma_wait3A_145 = tpu.memref_squeeze %dma_wait3A_144 : memref<1x512xi32, #tpu.memory_space<hbm>> -> memref<512xi32, #tpu.memory_space<hbm>>
        %dma_wait3A_146 = tpu.memref_slice %arg2[%scan3A_27, %mul3A_2] : memref<26x16384xi32, #tpu.memory_space<hbm>> -> memref<1x512xi32, #tpu.memory_space<hbm>>
        %dma_wait3A_147 = tpu.memref_squeeze %dma_wait3A_146 : memref<1x512xi32, #tpu.memory_space<hbm>> -> memref<512xi32, #tpu.memory_space<hbm>>
        tpu.wait_dma2 semaphore(%run_scoped3A : memref<!tpu.dma_semaphore, #tpu.memory_space<semaphore_mem>>) src(%dma_wait3A_147 : memref<512xi32, #tpu.memory_space<hbm>>) dst(%arg6 : memref<512xi32, #tpu.memory_space<vmem>>)
        tpu.yield
      }) : () -> ()
      "tpu.region"() ({
        %run_scoped3A = tpu.sem_alloc : memref<!tpu.dma_semaphore, #tpu.memory_space<semaphore_mem>>
        %dma_start3A_140 = arith.constant 256 : i32
        %dma_start3A_141 = arith.constant 0 : i32
        %dma_start3A_142 = tpu.memref_slice %arg10[%dma_start3A_140, %dma_start3A_141] : memref<288x128xf32, #tpu.memory_space<vmem>> -> memref<32x128xf32, #tpu.memory_space<vmem>>
        %dma_start3A_143 = arith.constant 0 : i32
        %dma_start3A_144 = arith.constant 0 : i32
        %dma_start3A_145 = tpu.memref_slice %arg4[%scan3A_27, %dma_start3A_143, %dma_start3A_144] : memref<26x32x128xf32, #tpu.memory_space<hbm>> -> memref<1x32x128xf32, #tpu.memory_space<hbm>>
        %dma_start3A_146 = tpu.memref_squeeze %dma_start3A_145 : memref<1x32x128xf32, #tpu.memory_space<hbm>> -> memref<32x128xf32, #tpu.memory_space<hbm>>
        %dma_start3A_147 = arith.constant 256 : i32
        %dma_start3A_148 = arith.constant 0 : i32
        %dma_start3A_149 = tpu.memref_slice %arg10[%dma_start3A_147, %dma_start3A_148] : memref<288x128xf32, #tpu.memory_space<vmem>> -> memref<32x128xf32, #tpu.memory_space<vmem>>
        %dma_start3A_150 = arith.constant 0 : i32
        %dma_start3A_151 = arith.constant 0 : i32
        %dma_start3A_152 = tpu.memref_slice %arg4[%scan3A_27, %dma_start3A_150, %dma_start3A_151] : memref<26x32x128xf32, #tpu.memory_space<hbm>> -> memref<1x32x128xf32, #tpu.memory_space<hbm>>
        %dma_start3A_153 = tpu.memref_squeeze %dma_start3A_152 : memref<1x32x128xf32, #tpu.memory_space<hbm>> -> memref<32x128xf32, #tpu.memory_space<hbm>>
        tpu.enqueue_dma source(%dma_start3A_153 : memref<32x128xf32, #tpu.memory_space<hbm>>) target(%dma_start3A_149 : memref<32x128xf32, #tpu.memory_space<vmem>>) target_semaphore(%run_scoped3A : memref<!tpu.dma_semaphore, #tpu.memory_space<semaphore_mem>>)
        %dma_wait3A_154 = arith.constant 256 : i32
        %dma_wait3A_155 = arith.constant 0 : i32
        %dma_wait3A_156 = tpu.memref_slice %arg10[%dma_wait3A_154, %dma_wait3A_155] : memref<288x128xf32, #tpu.memory_space<vmem>> -> memref<32x128xf32, #tpu.memory_space<vmem>>
        %dma_wait3A_157 = arith.constant 0 : i32
        %dma_wait3A_158 = arith.constant 0 : i32
        %dma_wait3A_159 = tpu.memref_slice %arg4[%scan3A_27, %dma_wait3A_157, %dma_wait3A_158] : memref<26x32x128xf32, #tpu.memory_space<hbm>> -> memref<1x32x128xf32, #tpu.memory_space<hbm>>
        %dma_wait3A_160 = tpu.memref_squeeze %dma_wait3A_159 : memref<1x32x128xf32, #tpu.memory_space<hbm>> -> memref<32x128xf32, #tpu.memory_space<hbm>>
        %dma_wait3A_161 = arith.constant 256 : i32
        %dma_wait3A_162 = arith.constant 0 : i32
        %dma_wait3A_163 = tpu.memref_slice %arg10[%dma_wait3A_161, %dma_wait3A_162] : memref<288x128xf32, #tpu.memory_space<vmem>> -> memref<32x128xf32, #tpu.memory_space<vmem>>
        %dma_wait3A_164 = arith.constant 0 : i32
        %dma_wait3A_165 = arith.constant 0 : i32
        %dma_wait3A_166 = tpu.memref_slice %arg4[%scan3A_27, %dma_wait3A_164, %dma_wait3A_165] : memref<26x32x128xf32, #tpu.memory_space<hbm>> -> memref<1x32x128xf32, #tpu.memory_space<hbm>>
        %dma_wait3A_167 = tpu.memref_squeeze %dma_wait3A_166 : memref<1x32x128xf32, #tpu.memory_space<hbm>> -> memref<32x128xf32, #tpu.memory_space<hbm>>
        tpu.wait_dma2 semaphore(%run_scoped3A : memref<!tpu.dma_semaphore, #tpu.memory_space<semaphore_mem>>) src(%dma_wait3A_167 : memref<32x128xf32, #tpu.memory_space<hbm>>) dst(%dma_wait3A_163 : memref<32x128xf32, #tpu.memory_space<vmem>>)
        tpu.yield
      }) : () -> ()
      %scan3A_28 = arith.constant 0 : i32
      %scan3A_29 = arith.constant 0 : i32
      %scan3A_30 = arith.constant 32 : i32
      %scan3A_31 = arith.addi %scan3A_29, %scan3A_30 : i32
      %scan3A_32 = arith.constant 1 : i32
      scf.for %scan3A_140 = %scan3A_29 to %scan3A_31 step %scan3A_32  : i32 {
        %mul3A_141 = arith.constant 16 : i32
        %mul3A_142 = arith.muli %scan3A_140, %mul3A_141 : i32
        %get3A = arith.index_cast %mul3A_142 : i32 to index
        %get3A_143 = tpu.vector_load %arg6[%get3A] {strides = array<i32>} : memref<512xi32, #tpu.memory_space<vmem>>, vector<16xi32>,
        %shift_right_logical3A = arith.constant 3 : i32
        %shift_right_logical3A_144 = vector.broadcast %shift_right_logical3A : i32 to vector<16xi32>
        %shift_right_logical3A_145 = arith.shrui %get3A_143, %shift_right_logical3A_144 : vector<16xi32>
        %swap3A = arith.index_cast %mul3A_142 : i32 to index
        %swap3A_146 = tpu.vector_load %arg7[%swap3A] {strides = array<i32>} : memref<512xi32, #tpu.memory_space<vmem>>, vector<16xi32>,
        tpu.vector_store %arg7[%swap3A], %shift_right_logical3A_145 {strides = array<i32>} : memref<512xi32, #tpu.memory_space<vmem>>, vector<16xi32>,
        %min3A = arith.minsi %shift_right_logical3A_145, %broadcast_in_dim3A_5 : vector<16xi32>
        %swap3A_147 = arith.index_cast %mul3A_142 : i32 to index
        %swap3A_148 = tpu.vector_load %arg8[%swap3A_147] {strides = array<i32>} : memref<512xi32, #tpu.memory_space<vmem>>, vector<16xi32>,
        tpu.vector_store %arg8[%swap3A_147], %min3A {strides = array<i32>} : memref<512xi32, #tpu.memory_space<vmem>>, vector<16xi32>,
        %and3A = arith.andi %get3A_143, %broadcast_in_dim3A_3 : vector<16xi32>
        %shift_left3A = arith.constant 4 : i32
        %shift_left3A_149 = vector.broadcast %shift_left3A : i32 to vector<16xi32>
        %shift_left3A_150 = arith.shli %and3A, %shift_left3A_149 : vector<16xi32>
        %swap3A_151 = arith.index_cast %mul3A_142 : i32 to index
        %swap3A_152 = tpu.vector_load %arg9[%swap3A_151] {strides = array<i32>} : memref<512xi32, #tpu.memory_space<vmem>>, vector<16xi32>,
        tpu.vector_store %arg9[%swap3A_151], %shift_left3A_150 {strides = array<i32>} : memref<512xi32, #tpu.memory_space<vmem>>, vector<16xi32>,
      }
      %scan3A_33 = arith.constant 32 : i32
      %dma_start3A = arith.constant 0 : i32
      %dma_start3A_34 = arith.constant 0 : i32
      %dma_start3A_35 = tpu.memref_slice %arg10[%dma_start3A, %dma_start3A_34] : memref<288x128xf32, #tpu.memory_space<vmem>> -> memref<128x128xf32, #tpu.memory_space<vmem>>
      %dma_start3A_36 = arith.constant 0 : i32
      %dma_start3A_37 = tpu.memref_slice %arg8[%dma_start3A_36] : memref<512xi32, #tpu.memory_space<vmem>> -> memref<128xi32, #tpu.memory_space<vmem>>
      %dma_start3A_38 = arith.constant 0 : i32
      %dma_start3A_39 = arith.constant 0 : i32
      %dma_start3A_40 = tpu.memref_slice %arg3[%scan3A_27, %dma_start3A_38, %dma_start3A_39] : memref<26x12640x128xf32, #tpu.memory_space<hbm>> -> memref<1x12640x128xf32, #tpu.memory_space<hbm>>
      %dma_start3A_41 = tpu.memref_squeeze %dma_start3A_40 : memref<1x12640x128xf32, #tpu.memory_space<hbm>> -> memref<12640x128xf32, #tpu.memory_space<hbm>>
      %dma_start3A_42 = arith.constant 0 : i32
      %dma_start3A_43 = arith.constant 0 : i32
      %dma_start3A_44 = tpu.memref_slice %dma_start3A_41[%dma_start3A_42, %dma_start3A_43] : memref<12640x128xf32, #tpu.memory_space<hbm>> -> memref<12640x128xf32, #tpu.memory_space<hbm>>
      tpu.enqueue_indirect_dma source(%dma_start3A_44 : memref<12640x128xf32, #tpu.memory_space<hbm>>) target(%dma_start3A_35 : memref<128x128xf32, #tpu.memory_space<vmem>>) offsets(%dma_start3A_37 : memref<128xi32, #tpu.memory_space<vmem>>) semaphore(%arg12 : memref<!tpu.dma_semaphore, #tpu.memory_space<semaphore_mem>>)
      %dma_start3A_45 = arith.constant 128 : i32
      %dma_start3A_46 = arith.constant 0 : i32
      %dma_start3A_47 = tpu.memref_slice %arg10[%dma_start3A_45, %dma_start3A_46] : memref<288x128xf32, #tpu.memory_space<vmem>> -> memref<128x128xf32, #tpu.memory_space<vmem>>
      %dma_start3A_48 = arith.constant 128 : i32
      %dma_start3A_49 = tpu.memref_slice %arg8[%dma_start3A_48] : memref<512xi32, #tpu.memory_space<vmem>> -> memref<128xi32, #tpu.memory_space<vmem>>
      %dma_start3A_50 = arith.constant 0 : i32
      %dma_start3A_51 = arith.constant 0 : i32
      %dma_start3A_52 = tpu.memref_slice %arg3[%scan3A_27, %dma_start3A_50, %dma_start3A_51] : memref<26x12640x128xf32, #tpu.memory_space<hbm>> -> memref<1x12640x128xf32, #tpu.memory_space<hbm>>
      %dma_start3A_53 = tpu.memref_squeeze %dma_start3A_52 : memref<1x12640x128xf32, #tpu.memory_space<hbm>> -> memref<12640x128xf32, #tpu.memory_space<hbm>>
      %dma_start3A_54 = arith.constant 0 : i32
      %dma_start3A_55 = arith.constant 0 : i32
      %dma_start3A_56 = tpu.memref_slice %dma_start3A_53[%dma_start3A_54, %dma_start3A_55] : memref<12640x128xf32, #tpu.memory_space<hbm>> -> memref<12640x128xf32, #tpu.memory_space<hbm>>
      tpu.enqueue_indirect_dma source(%dma_start3A_56 : memref<12640x128xf32, #tpu.memory_space<hbm>>) target(%dma_start3A_47 : memref<128x128xf32, #tpu.memory_space<vmem>>) offsets(%dma_start3A_49 : memref<128xi32, #tpu.memory_space<vmem>>) semaphore(%arg12 : memref<!tpu.dma_semaphore, #tpu.memory_space<semaphore_mem>>)
      %dma_wait3A = arith.constant 0 : i32
      %dma_wait3A_57 = arith.constant 0 : i32
      %dma_wait3A_58 = tpu.memref_slice %arg10[%dma_wait3A, %dma_wait3A_57] : memref<288x128xf32, #tpu.memory_space<vmem>> -> memref<128x128xf32, #tpu.memory_space<vmem>>
      %dma_wait3A_59 = arith.constant 0 : i32
      %dma_wait3A_60 = tpu.memref_slice %arg8[%dma_wait3A_59] : memref<512xi32, #tpu.memory_space<vmem>> -> memref<128xi32, #tpu.memory_space<vmem>>
      %dma_wait3A_61 = arith.constant 0 : i32
      %dma_wait3A_62 = arith.constant 0 : i32
      %dma_wait3A_63 = tpu.memref_slice %arg3[%scan3A_27, %dma_wait3A_61, %dma_wait3A_62] : memref<26x12640x128xf32, #tpu.memory_space<hbm>> -> memref<1x12640x128xf32, #tpu.memory_space<hbm>>
      %dma_wait3A_64 = tpu.memref_squeeze %dma_wait3A_63 : memref<1x12640x128xf32, #tpu.memory_space<hbm>> -> memref<12640x128xf32, #tpu.memory_space<hbm>>
      %dma_wait3A_65 = arith.constant 0 : i32
      %dma_wait3A_66 = arith.constant 0 : i32
      %dma_wait3A_67 = tpu.memref_slice %dma_wait3A_64[%dma_wait3A_65, %dma_wait3A_66] : memref<12640x128xf32, #tpu.memory_space<hbm>> -> memref<12640x128xf32, #tpu.memory_space<hbm>>
      tpu.wait_indirect_dma semaphore(%arg12 : memref<!tpu.dma_semaphore, #tpu.memory_space<semaphore_mem>>) src(%dma_wait3A_67 : memref<12640x128xf32, #tpu.memory_space<hbm>>) dst(%dma_wait3A_58 : memref<128x128xf32, #tpu.memory_space<vmem>>)
      %dma_wait3A_68 = arith.constant 128 : i32
      %dma_wait3A_69 = arith.constant 0 : i32
      %dma_wait3A_70 = tpu.memref_slice %arg10[%dma_wait3A_68, %dma_wait3A_69] : memref<288x128xf32, #tpu.memory_space<vmem>> -> memref<128x128xf32, #tpu.memory_space<vmem>>
      %dma_wait3A_71 = arith.constant 128 : i32
      %dma_wait3A_72 = tpu.memref_slice %arg8[%dma_wait3A_71] : memref<512xi32, #tpu.memory_space<vmem>> -> memref<128xi32, #tpu.memory_space<vmem>>
      %dma_wait3A_73 = arith.constant 0 : i32
      %dma_wait3A_74 = arith.constant 0 : i32
      %dma_wait3A_75 = tpu.memref_slice %arg3[%scan3A_27, %dma_wait3A_73, %dma_wait3A_74] : memref<26x12640x128xf32, #tpu.memory_space<hbm>> -> memref<1x12640x128xf32, #tpu.memory_space<hbm>>
      %dma_wait3A_76 = tpu.memref_squeeze %dma_wait3A_75 : memref<1x12640x128xf32, #tpu.memory_space<hbm>> -> memref<12640x128xf32, #tpu.memory_space<hbm>>
      %dma_wait3A_77 = arith.constant 0 : i32
      %dma_wait3A_78 = arith.constant 0 : i32
      %dma_wait3A_79 = tpu.memref_slice %dma_wait3A_76[%dma_wait3A_77, %dma_wait3A_78] : memref<12640x128xf32, #tpu.memory_space<hbm>> -> memref<12640x128xf32, #tpu.memory_space<hbm>>
      tpu.wait_indirect_dma semaphore(%arg12 : memref<!tpu.dma_semaphore, #tpu.memory_space<semaphore_mem>>) src(%dma_wait3A_79 : memref<12640x128xf32, #tpu.memory_space<hbm>>) dst(%dma_wait3A_70 : memref<128x128xf32, #tpu.memory_space<vmem>>)
      %scan3A_80 = arith.constant 0 : i32
      %scan3A_81 = arith.constant 0 : i32
      %scan3A_82 = arith.constant 16 : i32
      %scan3A_83 = arith.addi %scan3A_81, %scan3A_82 : i32
      %scan3A_84 = arith.constant 1 : i32
      scf.for %scan3A_140 = %scan3A_81 to %scan3A_83 step %scan3A_84  : i32 {
        %mul3A_141 = arith.constant 16 : i32
        %mul3A_142 = arith.muli %scan3A_140, %mul3A_141 : i32
        %add3A_143 = arith.constant 0 : i32
        %add3A_144 = arith.addi %add3A_143, %mul3A_142 : i32
        %get3A = arith.index_cast %add3A_144 : i32 to index
        %get3A_145 = tpu.vector_load %arg7[%get3A] {strides = array<i32>} : memref<512xi32, #tpu.memory_space<vmem>>, vector<16xi32>,
        %gt3A = arith.cmpi sgt, %get3A_145, %broadcast_in_dim3A_5 : vector<16xi32>
        %add3A_146 = arith.constant -12224 : i32
        %add3A_147 = vector.broadcast %add3A_146 : i32 to vector<16xi32>
        %add3A_148 = arith.addi %get3A_145, %add3A_147 : vector<16xi32>
        %mul3A_149 = arith.constant 16 : i32
        %mul3A_150 = arith.muli %scan3A_140, %mul3A_149 : i32
        %add3A_151 = vector.broadcast %mul3A_150 : i32 to vector<16xi32>
        %add3A_152 = arith.addi %iota3A, %add3A_151 : vector<16xi32>
        %select_n3A = arith.select %gt3A, %add3A_148, %add3A_152 : vector<16xi1>, vector<16xi32>
        %get3A_153 = arith.index_cast %add3A_144 : i32 to index
        %get3A_154 = tpu.vector_load %arg9[%get3A_153] {strides = array<i32>} : memref<512xi32, #tpu.memory_space<vmem>>, vector<16xi32>,
        %get3A_155 = arith.constant 0 : i32
        %get3A_156 = arith.index_cast %get3A_155 : i32 to index
        %get3A_157 = arith.index_cast %add3A_144 : i32 to index
        %get3A_158 = tpu.vector_load %arg11[%get3A_156, %get3A_157] {strides = array<i32>} : memref<16x512xf32, #tpu.memory_space<vmem>>, vector<16xf32>,
        %add3A_159 = arith.constant 0 : i32
        %add3A_160 = vector.broadcast %add3A_159 : i32 to vector<16xi32>
        %add3A_161 = arith.addi %get3A_154, %add3A_160 : vector<16xi32>
        %gather3A = tpu.vector_load_idx %arg10[%select_n3A, %add3A_161] : memref<288x128xf32, #tpu.memory_space<vmem>>[vector<16xi32>, vector<16xi32>], vector<16xf32>,
        %add3A_162 = arith.addf %get3A_158, %gather3A : vector<16xf32>
        %swap3A = arith.constant 0 : i32
        %swap3A_163 = arith.index_cast %swap3A : i32 to index
        %swap3A_164 = arith.index_cast %add3A_144 : i32 to index
        %swap3A_165 = tpu.vector_load %arg11[%swap3A_163, %swap3A_164] {strides = array<i32>} : memref<16x512xf32, #tpu.memory_space<vmem>>, vector<16xf32>,
        tpu.vector_store %arg11[%swap3A_163, %swap3A_164], %add3A_162 {strides = array<i32>} : memref<16x512xf32, #tpu.memory_space<vmem>>, vector<16xf32>,
        %get3A_166 = arith.constant 1 : i32
        %get3A_167 = arith.index_cast %get3A_166 : i32 to index
        %get3A_168 = arith.index_cast %add3A_144 : i32 to index
        %get3A_169 = tpu.vector_load %arg11[%get3A_167, %get3A_168] {strides = array<i32>} : memref<16x512xf32, #tpu.memory_space<vmem>>, vector<16xf32>,
        %add3A_170 = arith.constant 1 : i32
        %add3A_171 = vector.broadcast %add3A_170 : i32 to vector<16xi32>
        %add3A_172 = arith.addi %get3A_154, %add3A_171 : vector<16xi32>
        %gather3A_173 = tpu.vector_load_idx %arg10[%select_n3A, %add3A_172] : memref<288x128xf32, #tpu.memory_space<vmem>>[vector<16xi32>, vector<16xi32>], vector<16xf32>,
        %add3A_174 = arith.addf %get3A_169, %gather3A_173 : vector<16xf32>
        %swap3A_175 = arith.constant 1 : i32
        %swap3A_176 = arith.index_cast %swap3A_175 : i32 to index
        %swap3A_177 = arith.index_cast %add3A_144 : i32 to index
        %swap3A_178 = tpu.vector_load %arg11[%swap3A_176, %swap3A_177] {strides = array<i32>} : memref<16x512xf32, #tpu.memory_space<vmem>>, vector<16xf32>,
        tpu.vector_store %arg11[%swap3A_176, %swap3A_177], %add3A_174 {strides = array<i32>} : memref<16x512xf32, #tpu.memory_space<vmem>>, vector<16xf32>,
        %get3A_179 = arith.constant 2 : i32
        %get3A_180 = arith.index_cast %get3A_179 : i32 to index
        %get3A_181 = arith.index_cast %add3A_144 : i32 to index
        %get3A_182 = tpu.vector_load %arg11[%get3A_180, %get3A_181] {strides = array<i32>} : memref<16x512xf32, #tpu.memory_space<vmem>>, vector<16xf32>,
        %add3A_183 = arith.constant 2 : i32
        %add3A_184 = vector.broadcast %add3A_183 : i32 to vector<16xi32>
        %add3A_185 = arith.addi %get3A_154, %add3A_184 : vector<16xi32>
        %gather3A_186 = tpu.vector_load_idx %arg10[%select_n3A, %add3A_185] : memref<288x128xf32, #tpu.memory_space<vmem>>[vector<16xi32>, vector<16xi32>], vector<16xf32>,
        %add3A_187 = arith.addf %get3A_182, %gather3A_186 : vector<16xf32>
        %swap3A_188 = arith.constant 2 : i32
        %swap3A_189 = arith.index_cast %swap3A_188 : i32 to index
        %swap3A_190 = arith.index_cast %add3A_144 : i32 to index
        %swap3A_191 = tpu.vector_load %arg11[%swap3A_189, %swap3A_190] {strides = array<i32>} : memref<16x512xf32, #tpu.memory_space<vmem>>, vector<16xf32>,
        tpu.vector_store %arg11[%swap3A_189, %swap3A_190], %add3A_187 {strides = array<i32>} : memref<16x512xf32, #tpu.memory_space<vmem>>, vector<16xf32>,
        %get3A_192 = arith.constant 3 : i32
        %get3A_193 = arith.index_cast %get3A_192 : i32 to index
        %get3A_194 = arith.index_cast %add3A_144 : i32 to index
        %get3A_195 = tpu.vector_load %arg11[%get3A_193, %get3A_194] {strides = array<i32>} : memref<16x512xf32, #tpu.memory_space<vmem>>, vector<16xf32>,
        %add3A_196 = arith.constant 3 : i32
        %add3A_197 = vector.broadcast %add3A_196 : i32 to vector<16xi32>
        %add3A_198 = arith.addi %get3A_154, %add3A_197 : vector<16xi32>
        %gather3A_199 = tpu.vector_load_idx %arg10[%select_n3A, %add3A_198] : memref<288x128xf32, #tpu.memory_space<vmem>>[vector<16xi32>, vector<16xi32>], vector<16xf32>,
        %add3A_200 = arith.addf %get3A_195, %gather3A_199 : vector<16xf32>
        %swap3A_201 = arith.constant 3 : i32
        %swap3A_202 = arith.index_cast %swap3A_201 : i32 to index
        %swap3A_203 = arith.index_cast %add3A_144 : i32 to index
        %swap3A_204 = tpu.vector_load %arg11[%swap3A_202, %swap3A_203] {strides = array<i32>} : memref<16x512xf32, #tpu.memory_space<vmem>>, vector<16xf32>,
        tpu.vector_store %arg11[%swap3A_202, %swap3A_203], %add3A_200 {strides = array<i32>} : memref<16x512xf32, #tpu.memory_space<vmem>>, vector<16xf32>,
        %get3A_205 = arith.constant 4 : i32
        %get3A_206 = arith.index_cast %get3A_205 : i32 to index
        %get3A_207 = arith.index_cast %add3A_144 : i32 to index
        %get3A_208 = tpu.vector_load %arg11[%get3A_206, %get3A_207] {strides = array<i32>} : memref<16x512xf32, #tpu.memory_space<vmem>>, vector<16xf32>,
        %add3A_209 = arith.constant 4 : i32
        %add3A_210 = vector.broadcast %add3A_209 : i32 to vector<16xi32>
        %add3A_211 = arith.addi %get3A_154, %add3A_210 : vector<16xi32>
        %gather3A_212 = tpu.vector_load_idx %arg10[%select_n3A, %add3A_211] : memref<288x128xf32, #tpu.memory_space<vmem>>[vector<16xi32>, vector<16xi32>], vector<16xf32>,
        %add3A_213 = arith.addf %get3A_208, %gather3A_212 : vector<16xf32>
        %swap3A_214 = arith.constant 4 : i32
        %swap3A_215 = arith.index_cast %swap3A_214 : i32 to index
        %swap3A_216 = arith.index_cast %add3A_144 : i32 to index
        %swap3A_217 = tpu.vector_load %arg11[%swap3A_215, %swap3A_216] {strides = array<i32>} : memref<16x512xf32, #tpu.memory_space<vmem>>, vector<16xf32>,
        tpu.vector_store %arg11[%swap3A_215, %swap3A_216], %add3A_213 {strides = array<i32>} : memref<16x512xf32, #tpu.memory_space<vmem>>, vector<16xf32>,
        %get3A_218 = arith.constant 5 : i32
        %get3A_219 = arith.index_cast %get3A_218 : i32 to index
        %get3A_220 = arith.index_cast %add3A_144 : i32 to index
        %get3A_221 = tpu.vector_load %arg11[%get3A_219, %get3A_220] {strides = array<i32>} : memref<16x512xf32, #tpu.memory_space<vmem>>, vector<16xf32>,
        %add3A_222 = arith.constant 5 : i32
        %add3A_223 = vector.broadcast %add3A_222 : i32 to vector<16xi32>
        %add3A_224 = arith.addi %get3A_154, %add3A_223 : vector<16xi32>
        %gather3A_225 = tpu.vector_load_idx %arg10[%select_n3A, %add3A_224] : memref<288x128xf32, #tpu.memory_space<vmem>>[vector<16xi32>, vector<16xi32>], vector<16xf32>,
        %add3A_226 = arith.addf %get3A_221, %gather3A_225 : vector<16xf32>
        %swap3A_227 = arith.constant 5 : i32
        %swap3A_228 = arith.index_cast %swap3A_227 : i32 to index
        %swap3A_229 = arith.index_cast %add3A_144 : i32 to index
        %swap3A_230 = tpu.vector_load %arg11[%swap3A_228, %swap3A_229] {strides = array<i32>} : memref<16x512xf32, #tpu.memory_space<vmem>>, vector<16xf32>,
        tpu.vector_store %arg11[%swap3A_228, %swap3A_229], %add3A_226 {strides = array<i32>} : memref<16x512xf32, #tpu.memory_space<vmem>>, vector<16xf32>,
        %get3A_231 = arith.constant 6 : i32
        %get3A_232 = arith.index_cast %get3A_231 : i32 to index
        %get3A_233 = arith.index_cast %add3A_144 : i32 to index
        %get3A_234 = tpu.vector_load %arg11[%get3A_232, %get3A_233] {strides = array<i32>} : memref<16x512xf32, #tpu.memory_space<vmem>>, vector<16xf32>,
        %add3A_235 = arith.constant 6 : i32
        %add3A_236 = vector.broadcast %add3A_235 : i32 to vector<16xi32>
        %add3A_237 = arith.addi %get3A_154, %add3A_236 : vector<16xi32>
        %gather3A_238 = tpu.vector_load_idx %arg10[%select_n3A, %add3A_237] : memref<288x128xf32, #tpu.memory_space<vmem>>[vector<16xi32>, vector<16xi32>], vector<16xf32>,
        %add3A_239 = arith.addf %get3A_234, %gather3A_238 : vector<16xf32>
        %swap3A_240 = arith.constant 6 : i32
        %swap3A_241 = arith.index_cast %swap3A_240 : i32 to index
        %swap3A_242 = arith.index_cast %add3A_144 : i32 to index
        %swap3A_243 = tpu.vector_load %arg11[%swap3A_241, %swap3A_242] {strides = array<i32>} : memref<16x512xf32, #tpu.memory_space<vmem>>, vector<16xf32>,
        tpu.vector_store %arg11[%swap3A_241, %swap3A_242], %add3A_239 {strides = array<i32>} : memref<16x512xf32, #tpu.memory_space<vmem>>, vector<16xf32>,
        %get3A_244 = arith.constant 7 : i32
        %get3A_245 = arith.index_cast %get3A_244 : i32 to index
        %get3A_246 = arith.index_cast %add3A_144 : i32 to index
        %get3A_247 = tpu.vector_load %arg11[%get3A_245, %get3A_246] {strides = array<i32>} : memref<16x512xf32, #tpu.memory_space<vmem>>, vector<16xf32>,
        %add3A_248 = arith.constant 7 : i32
        %add3A_249 = vector.broadcast %add3A_248 : i32 to vector<16xi32>
        %add3A_250 = arith.addi %get3A_154, %add3A_249 : vector<16xi32>
        %gather3A_251 = tpu.vector_load_idx %arg10[%select_n3A, %add3A_250] : memref<288x128xf32, #tpu.memory_space<vmem>>[vector<16xi32>, vector<16xi32>], vector<16xf32>,
        %add3A_252 = arith.addf %get3A_247, %gather3A_251 : vector<16xf32>
        %swap3A_253 = arith.constant 7 : i32
        %swap3A_254 = arith.index_cast %swap3A_253 : i32 to index
        %swap3A_255 = arith.index_cast %add3A_144 : i32 to index
        %swap3A_256 = tpu.vector_load %arg11[%swap3A_254, %swap3A_255] {strides = array<i32>} : memref<16x512xf32, #tpu.memory_space<vmem>>, vector<16xf32>,
        tpu.vector_store %arg11[%swap3A_254, %swap3A_255], %add3A_252 {strides = array<i32>} : memref<16x512xf32, #tpu.memory_space<vmem>>, vector<16xf32>,
        %get3A_257 = arith.constant 8 : i32
        %get3A_258 = arith.index_cast %get3A_257 : i32 to index
        %get3A_259 = arith.index_cast %add3A_144 : i32 to index
        %get3A_260 = tpu.vector_load %arg11[%get3A_258, %get3A_259] {strides = array<i32>} : memref<16x512xf32, #tpu.memory_space<vmem>>, vector<16xf32>,
        %add3A_261 = arith.constant 8 : i32
        %add3A_262 = vector.broadcast %add3A_261 : i32 to vector<16xi32>
        %add3A_263 = arith.addi %get3A_154, %add3A_262 : vector<16xi32>
        %gather3A_264 = tpu.vector_load_idx %arg10[%select_n3A, %add3A_263] : memref<288x128xf32, #tpu.memory_space<vmem>>[vector<16xi32>, vector<16xi32>], vector<16xf32>,
        %add3A_265 = arith.addf %get3A_260, %gather3A_264 : vector<16xf32>
        %swap3A_266 = arith.constant 8 : i32
        %swap3A_267 = arith.index_cast %swap3A_266 : i32 to index
        %swap3A_268 = arith.index_cast %add3A_144 : i32 to index
        %swap3A_269 = tpu.vector_load %arg11[%swap3A_267, %swap3A_268] {strides = array<i32>} : memref<16x512xf32, #tpu.memory_space<vmem>>, vector<16xf32>,
        tpu.vector_store %arg11[%swap3A_267, %swap3A_268], %add3A_265 {strides = array<i32>} : memref<16x512xf32, #tpu.memory_space<vmem>>, vector<16xf32>,
        %get3A_270 = arith.constant 9 : i32
        %get3A_271 = arith.index_cast %get3A_270 : i32 to index
        %get3A_272 = arith.index_cast %add3A_144 : i32 to index
        %get3A_273 = tpu.vector_load %arg11[%get3A_271, %get3A_272] {strides = array<i32>} : memref<16x512xf32, #tpu.memory_space<vmem>>, vector<16xf32>,
        %add3A_274 = arith.constant 9 : i32
        %add3A_275 = vector.broadcast %add3A_274 : i32 to vector<16xi32>
        %add3A_276 = arith.addi %get3A_154, %add3A_275 : vector<16xi32>
        %gather3A_277 = tpu.vector_load_idx %arg10[%select_n3A, %add3A_276] : memref<288x128xf32, #tpu.memory_space<vmem>>[vector<16xi32>, vector<16xi32>], vector<16xf32>,
        %add3A_278 = arith.addf %get3A_273, %gather3A_277 : vector<16xf32>
        %swap3A_279 = arith.constant 9 : i32
        %swap3A_280 = arith.index_cast %swap3A_279 : i32 to index
        %swap3A_281 = arith.index_cast %add3A_144 : i32 to index
        %swap3A_282 = tpu.vector_load %arg11[%swap3A_280, %swap3A_281] {strides = array<i32>} : memref<16x512xf32, #tpu.memory_space<vmem>>, vector<16xf32>,
        tpu.vector_store %arg11[%swap3A_280, %swap3A_281], %add3A_278 {strides = array<i32>} : memref<16x512xf32, #tpu.memory_space<vmem>>, vector<16xf32>,
        %get3A_283 = arith.constant 10 : i32
        %get3A_284 = arith.index_cast %get3A_283 : i32 to index
        %get3A_285 = arith.index_cast %add3A_144 : i32 to index
        %get3A_286 = tpu.vector_load %arg11[%get3A_284, %get3A_285] {strides = array<i32>} : memref<16x512xf32, #tpu.memory_space<vmem>>, vector<16xf32>,
        %add3A_287 = arith.constant 10 : i32
        %add3A_288 = vector.broadcast %add3A_287 : i32 to vector<16xi32>
        %add3A_289 = arith.addi %get3A_154, %add3A_288 : vector<16xi32>
        %gather3A_290 = tpu.vector_load_idx %arg10[%select_n3A, %add3A_289] : memref<288x128xf32, #tpu.memory_space<vmem>>[vector<16xi32>, vector<16xi32>], vector<16xf32>,
        %add3A_291 = arith.addf %get3A_286, %gather3A_290 : vector<16xf32>
        %swap3A_292 = arith.constant 10 : i32
        %swap3A_293 = arith.index_cast %swap3A_292 : i32 to index
        %swap3A_294 = arith.index_cast %add3A_144 : i32 to index
        %swap3A_295 = tpu.vector_load %arg11[%swap3A_293, %swap3A_294] {strides = array<i32>} : memref<16x512xf32, #tpu.memory_space<vmem>>, vector<16xf32>,
        tpu.vector_store %arg11[%swap3A_293, %swap3A_294], %add3A_291 {strides = array<i32>} : memref<16x512xf32, #tpu.memory_space<vmem>>, vector<16xf32>,
        %get3A_296 = arith.constant 11 : i32
        %get3A_297 = arith.index_cast %get3A_296 : i32 to index
        %get3A_298 = arith.index_cast %add3A_144 : i32 to index
        %get3A_299 = tpu.vector_load %arg11[%get3A_297, %get3A_298] {strides = array<i32>} : memref<16x512xf32, #tpu.memory_space<vmem>>, vector<16xf32>,
        %add3A_300 = arith.constant 11 : i32
        %add3A_301 = vector.broadcast %add3A_300 : i32 to vector<16xi32>
        %add3A_302 = arith.addi %get3A_154, %add3A_301 : vector<16xi32>
        %gather3A_303 = tpu.vector_load_idx %arg10[%select_n3A, %add3A_302] : memref<288x128xf32, #tpu.memory_space<vmem>>[vector<16xi32>, vector<16xi32>], vector<16xf32>,
        %add3A_304 = arith.addf %get3A_299, %gather3A_303 : vector<16xf32>
        %swap3A_305 = arith.constant 11 : i32
        %swap3A_306 = arith.index_cast %swap3A_305 : i32 to index
        %swap3A_307 = arith.index_cast %add3A_144 : i32 to index
        %swap3A_308 = tpu.vector_load %arg11[%swap3A_306, %swap3A_307] {strides = array<i32>} : memref<16x512xf32, #tpu.memory_space<vmem>>, vector<16xf32>,
        tpu.vector_store %arg11[%swap3A_306, %swap3A_307], %add3A_304 {strides = array<i32>} : memref<16x512xf32, #tpu.memory_space<vmem>>, vector<16xf32>,
        %get3A_309 = arith.constant 12 : i32
        %get3A_310 = arith.index_cast %get3A_309 : i32 to index
        %get3A_311 = arith.index_cast %add3A_144 : i32 to index
        %get3A_312 = tpu.vector_load %arg11[%get3A_310, %get3A_311] {strides = array<i32>} : memref<16x512xf32, #tpu.memory_space<vmem>>, vector<16xf32>,
        %add3A_313 = arith.constant 12 : i32
        %add3A_314 = vector.broadcast %add3A_313 : i32 to vector<16xi32>
        %add3A_315 = arith.addi %get3A_154, %add3A_314 : vector<16xi32>
        %gather3A_316 = tpu.vector_load_idx %arg10[%select_n3A, %add3A_315] : memref<288x128xf32, #tpu.memory_space<vmem>>[vector<16xi32>, vector<16xi32>], vector<16xf32>,
        %add3A_317 = arith.addf %get3A_312, %gather3A_316 : vector<16xf32>
        %swap3A_318 = arith.constant 12 : i32
        %swap3A_319 = arith.index_cast %swap3A_318 : i32 to index
        %swap3A_320 = arith.index_cast %add3A_144 : i32 to index
        %swap3A_321 = tpu.vector_load %arg11[%swap3A_319, %swap3A_320] {strides = array<i32>} : memref<16x512xf32, #tpu.memory_space<vmem>>, vector<16xf32>,
        tpu.vector_store %arg11[%swap3A_319, %swap3A_320], %add3A_317 {strides = array<i32>} : memref<16x512xf32, #tpu.memory_space<vmem>>, vector<16xf32>,
        %get3A_322 = arith.constant 13 : i32
        %get3A_323 = arith.index_cast %get3A_322 : i32 to index
        %get3A_324 = arith.index_cast %add3A_144 : i32 to index
        %get3A_325 = tpu.vector_load %arg11[%get3A_323, %get3A_324] {strides = array<i32>} : memref<16x512xf32, #tpu.memory_space<vmem>>, vector<16xf32>,
        %add3A_326 = arith.constant 13 : i32
        %add3A_327 = vector.broadcast %add3A_326 : i32 to vector<16xi32>
        %add3A_328 = arith.addi %get3A_154, %add3A_327 : vector<16xi32>
        %gather3A_329 = tpu.vector_load_idx %arg10[%select_n3A, %add3A_328] : memref<288x128xf32, #tpu.memory_space<vmem>>[vector<16xi32>, vector<16xi32>], vector<16xf32>,
        %add3A_330 = arith.addf %get3A_325, %gather3A_329 : vector<16xf32>
        %swap3A_331 = arith.constant 13 : i32
        %swap3A_332 = arith.index_cast %swap3A_331 : i32 to index
        %swap3A_333 = arith.index_cast %add3A_144 : i32 to index
        %swap3A_334 = tpu.vector_load %arg11[%swap3A_332, %swap3A_333] {strides = array<i32>} : memref<16x512xf32, #tpu.memory_space<vmem>>, vector<16xf32>,
        tpu.vector_store %arg11[%swap3A_332, %swap3A_333], %add3A_330 {strides = array<i32>} : memref<16x512xf32, #tpu.memory_space<vmem>>, vector<16xf32>,
        %get3A_335 = arith.constant 14 : i32
        %get3A_336 = arith.index_cast %get3A_335 : i32 to index
        %get3A_337 = arith.index_cast %add3A_144 : i32 to index
        %get3A_338 = tpu.vector_load %arg11[%get3A_336, %get3A_337] {strides = array<i32>} : memref<16x512xf32, #tpu.memory_space<vmem>>, vector<16xf32>,
        %add3A_339 = arith.constant 14 : i32
        %add3A_340 = vector.broadcast %add3A_339 : i32 to vector<16xi32>
        %add3A_341 = arith.addi %get3A_154, %add3A_340 : vector<16xi32>
        %gather3A_342 = tpu.vector_load_idx %arg10[%select_n3A, %add3A_341] : memref<288x128xf32, #tpu.memory_space<vmem>>[vector<16xi32>, vector<16xi32>], vector<16xf32>,
        %add3A_343 = arith.addf %get3A_338, %gather3A_342 : vector<16xf32>
        %swap3A_344 = arith.constant 14 : i32
        %swap3A_345 = arith.index_cast %swap3A_344 : i32 to index
        %swap3A_346 = arith.index_cast %add3A_144 : i32 to index
        %swap3A_347 = tpu.vector_load %arg11[%swap3A_345, %swap3A_346] {strides = array<i32>} : memref<16x512xf32, #tpu.memory_space<vmem>>, vector<16xf32>,
        tpu.vector_store %arg11[%swap3A_345, %swap3A_346], %add3A_343 {strides = array<i32>} : memref<16x512xf32, #tpu.memory_space<vmem>>, vector<16xf32>,
        %get3A_348 = arith.constant 15 : i32
        %get3A_349 = arith.index_cast %get3A_348 : i32 to index
        %get3A_350 = arith.index_cast %add3A_144 : i32 to index
        %get3A_351 = tpu.vector_load %arg11[%get3A_349, %get3A_350] {strides = array<i32>} : memref<16x512xf32, #tpu.memory_space<vmem>>, vector<16xf32>,
        %add3A_352 = arith.constant 15 : i32
        %add3A_353 = vector.broadcast %add3A_352 : i32 to vector<16xi32>
        %add3A_354 = arith.addi %get3A_154, %add3A_353 : vector<16xi32>
        %gather3A_355 = tpu.vector_load_idx %arg10[%select_n3A, %add3A_354] : memref<288x128xf32, #tpu.memory_space<vmem>>[vector<16xi32>, vector<16xi32>], vector<16xf32>,
        %add3A_356 = arith.addf %get3A_351, %gather3A_355 : vector<16xf32>
        %swap3A_357 = arith.constant 15 : i32
        %swap3A_358 = arith.index_cast %swap3A_357 : i32 to index
        %swap3A_359 = arith.index_cast %add3A_144 : i32 to index
        %swap3A_360 = tpu.vector_load %arg11[%swap3A_358, %swap3A_359] {strides = array<i32>} : memref<16x512xf32, #tpu.memory_space<vmem>>, vector<16xf32>,
        tpu.vector_store %arg11[%swap3A_358, %swap3A_359], %add3A_356 {strides = array<i32>} : memref<16x512xf32, #tpu.memory_space<vmem>>, vector<16xf32>,
      }
      %scan3A_85 = arith.constant 16 : i32
      %dma_start3A_86 = arith.constant 0 : i32
      %dma_start3A_87 = arith.constant 0 : i32
      %dma_start3A_88 = tpu.memref_slice %arg10[%dma_start3A_86, %dma_start3A_87] : memref<288x128xf32, #tpu.memory_space<vmem>> -> memref<128x128xf32, #tpu.memory_space<vmem>>
      %dma_start3A_89 = arith.constant 256 : i32
      %dma_start3A_90 = tpu.memref_slice %arg8[%dma_start3A_89] : memref<512xi32, #tpu.memory_space<vmem>> -> memref<128xi32, #tpu.memory_space<vmem>>
      %dma_start3A_91 = arith.constant 0 : i32
      %dma_start3A_92 = arith.constant 0 : i32
      %dma_start3A_93 = tpu.memref_slice %arg3[%scan3A_27, %dma_start3A_91, %dma_start3A_92] : memref<26x12640x128xf32, #tpu.memory_space<hbm>> -> memref<1x12640x128xf32, #tpu.memory_space<hbm>>
      %dma_start3A_94 = tpu.memref_squeeze %dma_start3A_93 : memref<1x12640x128xf32, #tpu.memory_space<hbm>> -> memref<12640x128xf32, #tpu.memory_space<hbm>>
      %dma_start3A_95 = arith.constant 0 : i32
      %dma_start3A_96 = arith.constant 0 : i32
      %dma_start3A_97 = tpu.memref_slice %dma_start3A_94[%dma_start3A_95, %dma_start3A_96] : memref<12640x128xf32, #tpu.memory_space<hbm>> -> memref<12640x128xf32, #tpu.memory_space<hbm>>
      tpu.enqueue_indirect_dma source(%dma_start3A_97 : memref<12640x128xf32, #tpu.memory_space<hbm>>) target(%dma_start3A_88 : memref<128x128xf32, #tpu.memory_space<vmem>>) offsets(%dma_start3A_90 : memref<128xi32, #tpu.memory_space<vmem>>) semaphore(%arg12 : memref<!tpu.dma_semaphore, #tpu.memory_space<semaphore_mem>>)
      %dma_start3A_98 = arith.constant 128 : i32
      %dma_start3A_99 = arith.constant 0 : i32
      %dma_start3A_100 = tpu.memref_slice %arg10[%dma_start3A_98, %dma_start3A_99] : memref<288x128xf32, #tpu.memory_space<vmem>> -> memref<128x128xf32, #tpu.memory_space<vmem>>
      %dma_start3A_101 = arith.constant 384 : i32
      %dma_start3A_102 = tpu.memref_slice %arg8[%dma_start3A_101] : memref<512xi32, #tpu.memory_space<vmem>> -> memref<128xi32, #tpu.memory_space<vmem>>
      %dma_start3A_103 = arith.constant 0 : i32
      %dma_start3A_104 = arith.constant 0 : i32
      %dma_start3A_105 = tpu.memref_slice %arg3[%scan3A_27, %dma_start3A_103, %dma_start3A_104] : memref<26x12640x128xf32, #tpu.memory_space<hbm>> -> memref<1x12640x128xf32, #tpu.memory_space<hbm>>
      %dma_start3A_106 = tpu.memref_squeeze %dma_start3A_105 : memref<1x12640x128xf32, #tpu.memory_space<hbm>> -> memref<12640x128xf32, #tpu.memory_space<hbm>>
      %dma_start3A_107 = arith.constant 0 : i32
      %dma_start3A_108 = arith.constant 0 : i32
      %dma_start3A_109 = tpu.memref_slice %dma_start3A_106[%dma_start3A_107, %dma_start3A_108] : memref<12640x128xf32, #tpu.memory_space<hbm>> -> memref<12640x128xf32, #tpu.memory_space<hbm>>
      tpu.enqueue_indirect_dma source(%dma_start3A_109 : memref<12640x128xf32, #tpu.memory_space<hbm>>) target(%dma_start3A_100 : memref<128x128xf32, #tpu.memory_space<vmem>>) offsets(%dma_start3A_102 : memref<128xi32, #tpu.memory_space<vmem>>) semaphore(%arg12 : memref<!tpu.dma_semaphore, #tpu.memory_space<semaphore_mem>>)
      %dma_wait3A_110 = arith.constant 0 : i32
      %dma_wait3A_111 = arith.constant 0 : i32
      %dma_wait3A_112 = tpu.memref_slice %arg10[%dma_wait3A_110, %dma_wait3A_111] : memref<288x128xf32, #tpu.memory_space<vmem>> -> memref<128x128xf32, #tpu.memory_space<vmem>>
      %dma_wait3A_113 = arith.constant 256 : i32
      %dma_wait3A_114 = tpu.memref_slice %arg8[%dma_wait3A_113] : memref<512xi32, #tpu.memory_space<vmem>> -> memref<128xi32, #tpu.memory_space<vmem>>
      %dma_wait3A_115 = arith.constant 0 : i32
      %dma_wait3A_116 = arith.constant 0 : i32
      %dma_wait3A_117 = tpu.memref_slice %arg3[%scan3A_27, %dma_wait3A_115, %dma_wait3A_116] : memref<26x12640x128xf32, #tpu.memory_space<hbm>> -> memref<1x12640x128xf32, #tpu.memory_space<hbm>>
      %dma_wait3A_118 = tpu.memref_squeeze %dma_wait3A_117 : memref<1x12640x128xf32, #tpu.memory_space<hbm>> -> memref<12640x128xf32, #tpu.memory_space<hbm>>
      %dma_wait3A_119 = arith.constant 0 : i32
      %dma_wait3A_120 = arith.constant 0 : i32
      %dma_wait3A_121 = tpu.memref_slice %dma_wait3A_118[%dma_wait3A_119, %dma_wait3A_120] : memref<12640x128xf32, #tpu.memory_space<hbm>> -> memref<12640x128xf32, #tpu.memory_space<hbm>>
      tpu.wait_indirect_dma semaphore(%arg12 : memref<!tpu.dma_semaphore, #tpu.memory_space<semaphore_mem>>) src(%dma_wait3A_121 : memref<12640x128xf32, #tpu.memory_space<hbm>>) dst(%dma_wait3A_112 : memref<128x128xf32, #tpu.memory_space<vmem>>)
      %dma_wait3A_122 = arith.constant 128 : i32
      %dma_wait3A_123 = arith.constant 0 : i32
      %dma_wait3A_124 = tpu.memref_slice %arg10[%dma_wait3A_122, %dma_wait3A_123] : memref<288x128xf32, #tpu.memory_space<vmem>> -> memref<128x128xf32, #tpu.memory_space<vmem>>
      %dma_wait3A_125 = arith.constant 384 : i32
      %dma_wait3A_126 = tpu.memref_slice %arg8[%dma_wait3A_125] : memref<512xi32, #tpu.memory_space<vmem>> -> memref<128xi32, #tpu.memory_space<vmem>>
      %dma_wait3A_127 = arith.constant 0 : i32
      %dma_wait3A_128 = arith.constant 0 : i32
      %dma_wait3A_129 = tpu.memref_slice %arg3[%scan3A_27, %dma_wait3A_127, %dma_wait3A_128] : memref<26x12640x128xf32, #tpu.memory_space<hbm>> -> memref<1x12640x128xf32, #tpu.memory_space<hbm>>
      %dma_wait3A_130 = tpu.memref_squeeze %dma_wait3A_129 : memref<1x12640x128xf32, #tpu.memory_space<hbm>> -> memref<12640x128xf32, #tpu.memory_space<hbm>>
      %dma_wait3A_131 = arith.constant 0 : i32
      %dma_wait3A_132 = arith.constant 0 : i32
      %dma_wait3A_133 = tpu.memref_slice %dma_wait3A_130[%dma_wait3A_131, %dma_wait3A_132] : memref<12640x128xf32, #tpu.memory_space<hbm>> -> memref<12640x128xf32, #tpu.memory_space<hbm>>
      tpu.wait_indirect_dma semaphore(%arg12 : memref<!tpu.dma_semaphore, #tpu.memory_space<semaphore_mem>>) src(%dma_wait3A_133 : memref<12640x128xf32, #tpu.memory_space<hbm>>) dst(%dma_wait3A_124 : memref<128x128xf32, #tpu.memory_space<vmem>>)
      %scan3A_134 = arith.constant 0 : i32
      %scan3A_135 = arith.constant 0 : i32
      %scan3A_136 = arith.constant 16 : i32
      %scan3A_137 = arith.addi %scan3A_135, %scan3A_136 : i32
      %scan3A_138 = arith.constant 1 : i32
      scf.for %scan3A_140 = %scan3A_135 to %scan3A_137 step %scan3A_138  : i32 {
        %mul3A_141 = arith.constant 16 : i32
        %mul3A_142 = arith.muli %scan3A_140, %mul3A_141 : i32
        %add3A_143 = arith.constant 256 : i32
        %add3A_144 = arith.addi %add3A_143, %mul3A_142 : i32
        %get3A = arith.index_cast %add3A_144 : i32 to index
        %get3A_145 = tpu.vector_load %arg7[%get3A] {strides = array<i32>} : memref<512xi32, #tpu.memory_space<vmem>>, vector<16xi32>,
        %gt3A = arith.cmpi sgt, %get3A_145, %broadcast_in_dim3A_5 : vector<16xi32>
        %add3A_146 = arith.constant -12224 : i32
        %add3A_147 = vector.broadcast %add3A_146 : i32 to vector<16xi32>
        %add3A_148 = arith.addi %get3A_145, %add3A_147 : vector<16xi32>
        %mul3A_149 = arith.constant 16 : i32
        %mul3A_150 = arith.muli %scan3A_140, %mul3A_149 : i32
        %add3A_151 = vector.broadcast %mul3A_150 : i32 to vector<16xi32>
        %add3A_152 = arith.addi %iota3A, %add3A_151 : vector<16xi32>
        %select_n3A = arith.select %gt3A, %add3A_148, %add3A_152 : vector<16xi1>, vector<16xi32>
        %get3A_153 = arith.index_cast %add3A_144 : i32 to index
        %get3A_154 = tpu.vector_load %arg9[%get3A_153] {strides = array<i32>} : memref<512xi32, #tpu.memory_space<vmem>>, vector<16xi32>,
        %get3A_155 = arith.constant 0 : i32
        %get3A_156 = arith.index_cast %get3A_155 : i32 to index
        %get3A_157 = arith.index_cast %add3A_144 : i32 to index
        %get3A_158 = tpu.vector_load %arg11[%get3A_156, %get3A_157] {strides = array<i32>} : memref<16x512xf32, #tpu.memory_space<vmem>>, vector<16xf32>,
        %add3A_159 = arith.constant 0 : i32
        %add3A_160 = vector.broadcast %add3A_159 : i32 to vector<16xi32>
        %add3A_161 = arith.addi %get3A_154, %add3A_160 : vector<16xi32>
        %gather3A = tpu.vector_load_idx %arg10[%select_n3A, %add3A_161] : memref<288x128xf32, #tpu.memory_space<vmem>>[vector<16xi32>, vector<16xi32>], vector<16xf32>,
        %add3A_162 = arith.addf %get3A_158, %gather3A : vector<16xf32>
        %swap3A = arith.constant 0 : i32
        %swap3A_163 = arith.index_cast %swap3A : i32 to index
        %swap3A_164 = arith.index_cast %add3A_144 : i32 to index
        %swap3A_165 = tpu.vector_load %arg11[%swap3A_163, %swap3A_164] {strides = array<i32>} : memref<16x512xf32, #tpu.memory_space<vmem>>, vector<16xf32>,
        tpu.vector_store %arg11[%swap3A_163, %swap3A_164], %add3A_162 {strides = array<i32>} : memref<16x512xf32, #tpu.memory_space<vmem>>, vector<16xf32>,
        %get3A_166 = arith.constant 1 : i32
        %get3A_167 = arith.index_cast %get3A_166 : i32 to index
        %get3A_168 = arith.index_cast %add3A_144 : i32 to index
        %get3A_169 = tpu.vector_load %arg11[%get3A_167, %get3A_168] {strides = array<i32>} : memref<16x512xf32, #tpu.memory_space<vmem>>, vector<16xf32>,
        %add3A_170 = arith.constant 1 : i32
        %add3A_171 = vector.broadcast %add3A_170 : i32 to vector<16xi32>
        %add3A_172 = arith.addi %get3A_154, %add3A_171 : vector<16xi32>
        %gather3A_173 = tpu.vector_load_idx %arg10[%select_n3A, %add3A_172] : memref<288x128xf32, #tpu.memory_space<vmem>>[vector<16xi32>, vector<16xi32>], vector<16xf32>,
        %add3A_174 = arith.addf %get3A_169, %gather3A_173 : vector<16xf32>
        %swap3A_175 = arith.constant 1 : i32
        %swap3A_176 = arith.index_cast %swap3A_175 : i32 to index
        %swap3A_177 = arith.index_cast %add3A_144 : i32 to index
        %swap3A_178 = tpu.vector_load %arg11[%swap3A_176, %swap3A_177] {strides = array<i32>} : memref<16x512xf32, #tpu.memory_space<vmem>>, vector<16xf32>,
        tpu.vector_store %arg11[%swap3A_176, %swap3A_177], %add3A_174 {strides = array<i32>} : memref<16x512xf32, #tpu.memory_space<vmem>>, vector<16xf32>,
        %get3A_179 = arith.constant 2 : i32
        %get3A_180 = arith.index_cast %get3A_179 : i32 to index
        %get3A_181 = arith.index_cast %add3A_144 : i32 to index
        %get3A_182 = tpu.vector_load %arg11[%get3A_180, %get3A_181] {strides = array<i32>} : memref<16x512xf32, #tpu.memory_space<vmem>>, vector<16xf32>,
        %add3A_183 = arith.constant 2 : i32
        %add3A_184 = vector.broadcast %add3A_183 : i32 to vector<16xi32>
        %add3A_185 = arith.addi %get3A_154, %add3A_184 : vector<16xi32>
        %gather3A_186 = tpu.vector_load_idx %arg10[%select_n3A, %add3A_185] : memref<288x128xf32, #tpu.memory_space<vmem>>[vector<16xi32>, vector<16xi32>], vector<16xf32>,
        %add3A_187 = arith.addf %get3A_182, %gather3A_186 : vector<16xf32>
        %swap3A_188 = arith.constant 2 : i32
        %swap3A_189 = arith.index_cast %swap3A_188 : i32 to index
        %swap3A_190 = arith.index_cast %add3A_144 : i32 to index
        %swap3A_191 = tpu.vector_load %arg11[%swap3A_189, %swap3A_190] {strides = array<i32>} : memref<16x512xf32, #tpu.memory_space<vmem>>, vector<16xf32>,
        tpu.vector_store %arg11[%swap3A_189, %swap3A_190], %add3A_187 {strides = array<i32>} : memref<16x512xf32, #tpu.memory_space<vmem>>, vector<16xf32>,
        %get3A_192 = arith.constant 3 : i32
        %get3A_193 = arith.index_cast %get3A_192 : i32 to index
        %get3A_194 = arith.index_cast %add3A_144 : i32 to index
        %get3A_195 = tpu.vector_load %arg11[%get3A_193, %get3A_194] {strides = array<i32>} : memref<16x512xf32, #tpu.memory_space<vmem>>, vector<16xf32>,
        %add3A_196 = arith.constant 3 : i32
        %add3A_197 = vector.broadcast %add3A_196 : i32 to vector<16xi32>
        %add3A_198 = arith.addi %get3A_154, %add3A_197 : vector<16xi32>
        %gather3A_199 = tpu.vector_load_idx %arg10[%select_n3A, %add3A_198] : memref<288x128xf32, #tpu.memory_space<vmem>>[vector<16xi32>, vector<16xi32>], vector<16xf32>,
        %add3A_200 = arith.addf %get3A_195, %gather3A_199 : vector<16xf32>
        %swap3A_201 = arith.constant 3 : i32
        %swap3A_202 = arith.index_cast %swap3A_201 : i32 to index
        %swap3A_203 = arith.index_cast %add3A_144 : i32 to index
        %swap3A_204 = tpu.vector_load %arg11[%swap3A_202, %swap3A_203] {strides = array<i32>} : memref<16x512xf32, #tpu.memory_space<vmem>>, vector<16xf32>,
        tpu.vector_store %arg11[%swap3A_202, %swap3A_203], %add3A_200 {strides = array<i32>} : memref<16x512xf32, #tpu.memory_space<vmem>>, vector<16xf32>,
        %get3A_205 = arith.constant 4 : i32
        %get3A_206 = arith.index_cast %get3A_205 : i32 to index
        %get3A_207 = arith.index_cast %add3A_144 : i32 to index
        %get3A_208 = tpu.vector_load %arg11[%get3A_206, %get3A_207] {strides = array<i32>} : memref<16x512xf32, #tpu.memory_space<vmem>>, vector<16xf32>,
        %add3A_209 = arith.constant 4 : i32
        %add3A_210 = vector.broadcast %add3A_209 : i32 to vector<16xi32>
        %add3A_211 = arith.addi %get3A_154, %add3A_210 : vector<16xi32>
        %gather3A_212 = tpu.vector_load_idx %arg10[%select_n3A, %add3A_211] : memref<288x128xf32, #tpu.memory_space<vmem>>[vector<16xi32>, vector<16xi32>], vector<16xf32>,
        %add3A_213 = arith.addf %get3A_208, %gather3A_212 : vector<16xf32>
        %swap3A_214 = arith.constant 4 : i32
        %swap3A_215 = arith.index_cast %swap3A_214 : i32 to index
        %swap3A_216 = arith.index_cast %add3A_144 : i32 to index
        %swap3A_217 = tpu.vector_load %arg11[%swap3A_215, %swap3A_216] {strides = array<i32>} : memref<16x512xf32, #tpu.memory_space<vmem>>, vector<16xf32>,
        tpu.vector_store %arg11[%swap3A_215, %swap3A_216], %add3A_213 {strides = array<i32>} : memref<16x512xf32, #tpu.memory_space<vmem>>, vector<16xf32>,
        %get3A_218 = arith.constant 5 : i32
        %get3A_219 = arith.index_cast %get3A_218 : i32 to index
        %get3A_220 = arith.index_cast %add3A_144 : i32 to index
        %get3A_221 = tpu.vector_load %arg11[%get3A_219, %get3A_220] {strides = array<i32>} : memref<16x512xf32, #tpu.memory_space<vmem>>, vector<16xf32>,
        %add3A_222 = arith.constant 5 : i32
        %add3A_223 = vector.broadcast %add3A_222 : i32 to vector<16xi32>
        %add3A_224 = arith.addi %get3A_154, %add3A_223 : vector<16xi32>
        %gather3A_225 = tpu.vector_load_idx %arg10[%select_n3A, %add3A_224] : memref<288x128xf32, #tpu.memory_space<vmem>>[vector<16xi32>, vector<16xi32>], vector<16xf32>,
        %add3A_226 = arith.addf %get3A_221, %gather3A_225 : vector<16xf32>
        %swap3A_227 = arith.constant 5 : i32
        %swap3A_228 = arith.index_cast %swap3A_227 : i32 to index
        %swap3A_229 = arith.index_cast %add3A_144 : i32 to index
        %swap3A_230 = tpu.vector_load %arg11[%swap3A_228, %swap3A_229] {strides = array<i32>} : memref<16x512xf32, #tpu.memory_space<vmem>>, vector<16xf32>,
        tpu.vector_store %arg11[%swap3A_228, %swap3A_229], %add3A_226 {strides = array<i32>} : memref<16x512xf32, #tpu.memory_space<vmem>>, vector<16xf32>,
        %get3A_231 = arith.constant 6 : i32
        %get3A_232 = arith.index_cast %get3A_231 : i32 to index
        %get3A_233 = arith.index_cast %add3A_144 : i32 to index
        %get3A_234 = tpu.vector_load %arg11[%get3A_232, %get3A_233] {strides = array<i32>} : memref<16x512xf32, #tpu.memory_space<vmem>>, vector<16xf32>,
        %add3A_235 = arith.constant 6 : i32
        %add3A_236 = vector.broadcast %add3A_235 : i32 to vector<16xi32>
        %add3A_237 = arith.addi %get3A_154, %add3A_236 : vector<16xi32>
        %gather3A_238 = tpu.vector_load_idx %arg10[%select_n3A, %add3A_237] : memref<288x128xf32, #tpu.memory_space<vmem>>[vector<16xi32>, vector<16xi32>], vector<16xf32>,
        %add3A_239 = arith.addf %get3A_234, %gather3A_238 : vector<16xf32>
        %swap3A_240 = arith.constant 6 : i32
        %swap3A_241 = arith.index_cast %swap3A_240 : i32 to index
        %swap3A_242 = arith.index_cast %add3A_144 : i32 to index
        %swap3A_243 = tpu.vector_load %arg11[%swap3A_241, %swap3A_242] {strides = array<i32>} : memref<16x512xf32, #tpu.memory_space<vmem>>, vector<16xf32>,
        tpu.vector_store %arg11[%swap3A_241, %swap3A_242], %add3A_239 {strides = array<i32>} : memref<16x512xf32, #tpu.memory_space<vmem>>, vector<16xf32>,
        %get3A_244 = arith.constant 7 : i32
        %get3A_245 = arith.index_cast %get3A_244 : i32 to index
        %get3A_246 = arith.index_cast %add3A_144 : i32 to index
        %get3A_247 = tpu.vector_load %arg11[%get3A_245, %get3A_246] {strides = array<i32>} : memref<16x512xf32, #tpu.memory_space<vmem>>, vector<16xf32>,
        %add3A_248 = arith.constant 7 : i32
        %add3A_249 = vector.broadcast %add3A_248 : i32 to vector<16xi32>
        %add3A_250 = arith.addi %get3A_154, %add3A_249 : vector<16xi32>
        %gather3A_251 = tpu.vector_load_idx %arg10[%select_n3A, %add3A_250] : memref<288x128xf32, #tpu.memory_space<vmem>>[vector<16xi32>, vector<16xi32>], vector<16xf32>,
        %add3A_252 = arith.addf %get3A_247, %gather3A_251 : vector<16xf32>
        %swap3A_253 = arith.constant 7 : i32
        %swap3A_254 = arith.index_cast %swap3A_253 : i32 to index
        %swap3A_255 = arith.index_cast %add3A_144 : i32 to index
        %swap3A_256 = tpu.vector_load %arg11[%swap3A_254, %swap3A_255] {strides = array<i32>} : memref<16x512xf32, #tpu.memory_space<vmem>>, vector<16xf32>,
        tpu.vector_store %arg11[%swap3A_254, %swap3A_255], %add3A_252 {strides = array<i32>} : memref<16x512xf32, #tpu.memory_space<vmem>>, vector<16xf32>,
        %get3A_257 = arith.constant 8 : i32
        %get3A_258 = arith.index_cast %get3A_257 : i32 to index
        %get3A_259 = arith.index_cast %add3A_144 : i32 to index
        %get3A_260 = tpu.vector_load %arg11[%get3A_258, %get3A_259] {strides = array<i32>} : memref<16x512xf32, #tpu.memory_space<vmem>>, vector<16xf32>,
        %add3A_261 = arith.constant 8 : i32
        %add3A_262 = vector.broadcast %add3A_261 : i32 to vector<16xi32>
        %add3A_263 = arith.addi %get3A_154, %add3A_262 : vector<16xi32>
        %gather3A_264 = tpu.vector_load_idx %arg10[%select_n3A, %add3A_263] : memref<288x128xf32, #tpu.memory_space<vmem>>[vector<16xi32>, vector<16xi32>], vector<16xf32>,
        %add3A_265 = arith.addf %get3A_260, %gather3A_264 : vector<16xf32>
        %swap3A_266 = arith.constant 8 : i32
        %swap3A_267 = arith.index_cast %swap3A_266 : i32 to index
        %swap3A_268 = arith.index_cast %add3A_144 : i32 to index
        %swap3A_269 = tpu.vector_load %arg11[%swap3A_267, %swap3A_268] {strides = array<i32>} : memref<16x512xf32, #tpu.memory_space<vmem>>, vector<16xf32>,
        tpu.vector_store %arg11[%swap3A_267, %swap3A_268], %add3A_265 {strides = array<i32>} : memref<16x512xf32, #tpu.memory_space<vmem>>, vector<16xf32>,
        %get3A_270 = arith.constant 9 : i32
        %get3A_271 = arith.index_cast %get3A_270 : i32 to index
        %get3A_272 = arith.index_cast %add3A_144 : i32 to index
        %get3A_273 = tpu.vector_load %arg11[%get3A_271, %get3A_272] {strides = array<i32>} : memref<16x512xf32, #tpu.memory_space<vmem>>, vector<16xf32>,
        %add3A_274 = arith.constant 9 : i32
        %add3A_275 = vector.broadcast %add3A_274 : i32 to vector<16xi32>
        %add3A_276 = arith.addi %get3A_154, %add3A_275 : vector<16xi32>
        %gather3A_277 = tpu.vector_load_idx %arg10[%select_n3A, %add3A_276] : memref<288x128xf32, #tpu.memory_space<vmem>>[vector<16xi32>, vector<16xi32>], vector<16xf32>,
        %add3A_278 = arith.addf %get3A_273, %gather3A_277 : vector<16xf32>
        %swap3A_279 = arith.constant 9 : i32
        %swap3A_280 = arith.index_cast %swap3A_279 : i32 to index
        %swap3A_281 = arith.index_cast %add3A_144 : i32 to index
        %swap3A_282 = tpu.vector_load %arg11[%swap3A_280, %swap3A_281] {strides = array<i32>} : memref<16x512xf32, #tpu.memory_space<vmem>>, vector<16xf32>,
        tpu.vector_store %arg11[%swap3A_280, %swap3A_281], %add3A_278 {strides = array<i32>} : memref<16x512xf32, #tpu.memory_space<vmem>>, vector<16xf32>,
        %get3A_283 = arith.constant 10 : i32
        %get3A_284 = arith.index_cast %get3A_283 : i32 to index
        %get3A_285 = arith.index_cast %add3A_144 : i32 to index
        %get3A_286 = tpu.vector_load %arg11[%get3A_284, %get3A_285] {strides = array<i32>} : memref<16x512xf32, #tpu.memory_space<vmem>>, vector<16xf32>,
        %add3A_287 = arith.constant 10 : i32
        %add3A_288 = vector.broadcast %add3A_287 : i32 to vector<16xi32>
        %add3A_289 = arith.addi %get3A_154, %add3A_288 : vector<16xi32>
        %gather3A_290 = tpu.vector_load_idx %arg10[%select_n3A, %add3A_289] : memref<288x128xf32, #tpu.memory_space<vmem>>[vector<16xi32>, vector<16xi32>], vector<16xf32>,
        %add3A_291 = arith.addf %get3A_286, %gather3A_290 : vector<16xf32>
        %swap3A_292 = arith.constant 10 : i32
        %swap3A_293 = arith.index_cast %swap3A_292 : i32 to index
        %swap3A_294 = arith.index_cast %add3A_144 : i32 to index
        %swap3A_295 = tpu.vector_load %arg11[%swap3A_293, %swap3A_294] {strides = array<i32>} : memref<16x512xf32, #tpu.memory_space<vmem>>, vector<16xf32>,
        tpu.vector_store %arg11[%swap3A_293, %swap3A_294], %add3A_291 {strides = array<i32>} : memref<16x512xf32, #tpu.memory_space<vmem>>, vector<16xf32>,
        %get3A_296 = arith.constant 11 : i32
        %get3A_297 = arith.index_cast %get3A_296 : i32 to index
        %get3A_298 = arith.index_cast %add3A_144 : i32 to index
        %get3A_299 = tpu.vector_load %arg11[%get3A_297, %get3A_298] {strides = array<i32>} : memref<16x512xf32, #tpu.memory_space<vmem>>, vector<16xf32>,
        %add3A_300 = arith.constant 11 : i32
        %add3A_301 = vector.broadcast %add3A_300 : i32 to vector<16xi32>
        %add3A_302 = arith.addi %get3A_154, %add3A_301 : vector<16xi32>
        %gather3A_303 = tpu.vector_load_idx %arg10[%select_n3A, %add3A_302] : memref<288x128xf32, #tpu.memory_space<vmem>>[vector<16xi32>, vector<16xi32>], vector<16xf32>,
        %add3A_304 = arith.addf %get3A_299, %gather3A_303 : vector<16xf32>
        %swap3A_305 = arith.constant 11 : i32
        %swap3A_306 = arith.index_cast %swap3A_305 : i32 to index
        %swap3A_307 = arith.index_cast %add3A_144 : i32 to index
        %swap3A_308 = tpu.vector_load %arg11[%swap3A_306, %swap3A_307] {strides = array<i32>} : memref<16x512xf32, #tpu.memory_space<vmem>>, vector<16xf32>,
        tpu.vector_store %arg11[%swap3A_306, %swap3A_307], %add3A_304 {strides = array<i32>} : memref<16x512xf32, #tpu.memory_space<vmem>>, vector<16xf32>,
        %get3A_309 = arith.constant 12 : i32
        %get3A_310 = arith.index_cast %get3A_309 : i32 to index
        %get3A_311 = arith.index_cast %add3A_144 : i32 to index
        %get3A_312 = tpu.vector_load %arg11[%get3A_310, %get3A_311] {strides = array<i32>} : memref<16x512xf32, #tpu.memory_space<vmem>>, vector<16xf32>,
        %add3A_313 = arith.constant 12 : i32
        %add3A_314 = vector.broadcast %add3A_313 : i32 to vector<16xi32>
        %add3A_315 = arith.addi %get3A_154, %add3A_314 : vector<16xi32>
        %gather3A_316 = tpu.vector_load_idx %arg10[%select_n3A, %add3A_315] : memref<288x128xf32, #tpu.memory_space<vmem>>[vector<16xi32>, vector<16xi32>], vector<16xf32>,
        %add3A_317 = arith.addf %get3A_312, %gather3A_316 : vector<16xf32>
        %swap3A_318 = arith.constant 12 : i32
        %swap3A_319 = arith.index_cast %swap3A_318 : i32 to index
        %swap3A_320 = arith.index_cast %add3A_144 : i32 to index
        %swap3A_321 = tpu.vector_load %arg11[%swap3A_319, %swap3A_320] {strides = array<i32>} : memref<16x512xf32, #tpu.memory_space<vmem>>, vector<16xf32>,
        tpu.vector_store %arg11[%swap3A_319, %swap3A_320], %add3A_317 {strides = array<i32>} : memref<16x512xf32, #tpu.memory_space<vmem>>, vector<16xf32>,
        %get3A_322 = arith.constant 13 : i32
        %get3A_323 = arith.index_cast %get3A_322 : i32 to index
        %get3A_324 = arith.index_cast %add3A_144 : i32 to index
        %get3A_325 = tpu.vector_load %arg11[%get3A_323, %get3A_324] {strides = array<i32>} : memref<16x512xf32, #tpu.memory_space<vmem>>, vector<16xf32>,
        %add3A_326 = arith.constant 13 : i32
        %add3A_327 = vector.broadcast %add3A_326 : i32 to vector<16xi32>
        %add3A_328 = arith.addi %get3A_154, %add3A_327 : vector<16xi32>
        %gather3A_329 = tpu.vector_load_idx %arg10[%select_n3A, %add3A_328] : memref<288x128xf32, #tpu.memory_space<vmem>>[vector<16xi32>, vector<16xi32>], vector<16xf32>,
        %add3A_330 = arith.addf %get3A_325, %gather3A_329 : vector<16xf32>
        %swap3A_331 = arith.constant 13 : i32
        %swap3A_332 = arith.index_cast %swap3A_331 : i32 to index
        %swap3A_333 = arith.index_cast %add3A_144 : i32 to index
        %swap3A_334 = tpu.vector_load %arg11[%swap3A_332, %swap3A_333] {strides = array<i32>} : memref<16x512xf32, #tpu.memory_space<vmem>>, vector<16xf32>,
        tpu.vector_store %arg11[%swap3A_332, %swap3A_333], %add3A_330 {strides = array<i32>} : memref<16x512xf32, #tpu.memory_space<vmem>>, vector<16xf32>,
        %get3A_335 = arith.constant 14 : i32
        %get3A_336 = arith.index_cast %get3A_335 : i32 to index
        %get3A_337 = arith.index_cast %add3A_144 : i32 to index
        %get3A_338 = tpu.vector_load %arg11[%get3A_336, %get3A_337] {strides = array<i32>} : memref<16x512xf32, #tpu.memory_space<vmem>>, vector<16xf32>,
        %add3A_339 = arith.constant 14 : i32
        %add3A_340 = vector.broadcast %add3A_339 : i32 to vector<16xi32>
        %add3A_341 = arith.addi %get3A_154, %add3A_340 : vector<16xi32>
        %gather3A_342 = tpu.vector_load_idx %arg10[%select_n3A, %add3A_341] : memref<288x128xf32, #tpu.memory_space<vmem>>[vector<16xi32>, vector<16xi32>], vector<16xf32>,
        %add3A_343 = arith.addf %get3A_338, %gather3A_342 : vector<16xf32>
        %swap3A_344 = arith.constant 14 : i32
        %swap3A_345 = arith.index_cast %swap3A_344 : i32 to index
        %swap3A_346 = arith.index_cast %add3A_144 : i32 to index
        %swap3A_347 = tpu.vector_load %arg11[%swap3A_345, %swap3A_346] {strides = array<i32>} : memref<16x512xf32, #tpu.memory_space<vmem>>, vector<16xf32>,
        tpu.vector_store %arg11[%swap3A_345, %swap3A_346], %add3A_343 {strides = array<i32>} : memref<16x512xf32, #tpu.memory_space<vmem>>, vector<16xf32>,
        %get3A_348 = arith.constant 15 : i32
        %get3A_349 = arith.index_cast %get3A_348 : i32 to index
        %get3A_350 = arith.index_cast %add3A_144 : i32 to index
        %get3A_351 = tpu.vector_load %arg11[%get3A_349, %get3A_350] {strides = array<i32>} : memref<16x512xf32, #tpu.memory_space<vmem>>, vector<16xf32>,
        %add3A_352 = arith.constant 15 : i32
        %add3A_353 = vector.broadcast %add3A_352 : i32 to vector<16xi32>
        %add3A_354 = arith.addi %get3A_154, %add3A_353 : vector<16xi32>
        %gather3A_355 = tpu.vector_load_idx %arg10[%select_n3A, %add3A_354] : memref<288x128xf32, #tpu.memory_space<vmem>>[vector<16xi32>, vector<16xi32>], vector<16xf32>,
        %add3A_356 = arith.addf %get3A_351, %gather3A_355 : vector<16xf32>
        %swap3A_357 = arith.constant 15 : i32
        %swap3A_358 = arith.index_cast %swap3A_357 : i32 to index
        %swap3A_359 = arith.index_cast %add3A_144 : i32 to index
        %swap3A_360 = tpu.vector_load %arg11[%swap3A_358, %swap3A_359] {strides = array<i32>} : memref<16x512xf32, #tpu.memory_space<vmem>>, vector<16xf32>,
        tpu.vector_store %arg11[%swap3A_358, %swap3A_359], %add3A_356 {strides = array<i32>} : memref<16x512xf32, #tpu.memory_space<vmem>>, vector<16xf32>,
      }
      %scan3A_139 = arith.constant 16 : i32
    }
    %scan3A_20 = arith.constant 26 : i32
    %scan3A_21 = arith.constant 0 : i32
    %scan3A_22 = arith.constant 0 : i32
    %scan3A_23 = arith.constant 32 : i32
    %scan3A_24 = arith.addi %scan3A_22, %scan3A_23 : i32
    %scan3A_25 = arith.constant 1 : i32
    scf.for %scan3A_27 = %scan3A_22 to %scan3A_24 step %scan3A_25  : i32 {
      %mul3A_28 = arith.constant 16 : i32
      %mul3A_29 = arith.muli %scan3A_27, %mul3A_28 : i32
      %get3A = arith.constant 0 : i32
      %get3A_30 = arith.index_cast %get3A : i32 to index
      %get3A_31 = arith.index_cast %mul3A_29 : i32 to index
      %get3A_32 = tpu.vector_load %arg11[%get3A_30, %get3A_31] {strides = array<i32>} : memref<16x512xf32, #tpu.memory_space<vmem>>, vector<16xf32>,
      %mul3A_33 = arith.mulf %get3A_32, %broadcast_in_dim3A_7 : vector<16xf32>
      %swap3A = arith.constant 0 : i32
      %swap3A_34 = arith.index_cast %swap3A : i32 to index
      %swap3A_35 = arith.index_cast %mul3A_29 : i32 to index
      %swap3A_36 = tpu.vector_load %arg11[%swap3A_34, %swap3A_35] {strides = array<i32>} : memref<16x512xf32, #tpu.memory_space<vmem>>, vector<16xf32>,
      tpu.vector_store %arg11[%swap3A_34, %swap3A_35], %mul3A_33 {strides = array<i32>} : memref<16x512xf32, #tpu.memory_space<vmem>>, vector<16xf32>,
      %mul3A_37 = arith.constant 16 : i32
      %mul3A_38 = arith.muli %scan3A_27, %mul3A_37 : i32
      %get3A_39 = arith.constant 1 : i32
      %get3A_40 = arith.index_cast %get3A_39 : i32 to index
      %get3A_41 = arith.index_cast %mul3A_38 : i32 to index
      %get3A_42 = tpu.vector_load %arg11[%get3A_40, %get3A_41] {strides = array<i32>} : memref<16x512xf32, #tpu.memory_space<vmem>>, vector<16xf32>,
      %mul3A_43 = arith.mulf %get3A_42, %broadcast_in_dim3A_7 : vector<16xf32>
      %swap3A_44 = arith.constant 1 : i32
      %swap3A_45 = arith.index_cast %swap3A_44 : i32 to index
      %swap3A_46 = arith.index_cast %mul3A_38 : i32 to index
      %swap3A_47 = tpu.vector_load %arg11[%swap3A_45, %swap3A_46] {strides = array<i32>} : memref<16x512xf32, #tpu.memory_space<vmem>>, vector<16xf32>,
      tpu.vector_store %arg11[%swap3A_45, %swap3A_46], %mul3A_43 {strides = array<i32>} : memref<16x512xf32, #tpu.memory_space<vmem>>, vector<16xf32>,
      %mul3A_48 = arith.constant 16 : i32
      %mul3A_49 = arith.muli %scan3A_27, %mul3A_48 : i32
      %get3A_50 = arith.constant 2 : i32
      %get3A_51 = arith.index_cast %get3A_50 : i32 to index
      %get3A_52 = arith.index_cast %mul3A_49 : i32 to index
      %get3A_53 = tpu.vector_load %arg11[%get3A_51, %get3A_52] {strides = array<i32>} : memref<16x512xf32, #tpu.memory_space<vmem>>, vector<16xf32>,
      %mul3A_54 = arith.mulf %get3A_53, %broadcast_in_dim3A_7 : vector<16xf32>
      %swap3A_55 = arith.constant 2 : i32
      %swap3A_56 = arith.index_cast %swap3A_55 : i32 to index
      %swap3A_57 = arith.index_cast %mul3A_49 : i32 to index
      %swap3A_58 = tpu.vector_load %arg11[%swap3A_56, %swap3A_57] {strides = array<i32>} : memref<16x512xf32, #tpu.memory_space<vmem>>, vector<16xf32>,
      tpu.vector_store %arg11[%swap3A_56, %swap3A_57], %mul3A_54 {strides = array<i32>} : memref<16x512xf32, #tpu.memory_space<vmem>>, vector<16xf32>,
      %mul3A_59 = arith.constant 16 : i32
      %mul3A_60 = arith.muli %scan3A_27, %mul3A_59 : i32
      %get3A_61 = arith.constant 3 : i32
      %get3A_62 = arith.index_cast %get3A_61 : i32 to index
      %get3A_63 = arith.index_cast %mul3A_60 : i32 to index
      %get3A_64 = tpu.vector_load %arg11[%get3A_62, %get3A_63] {strides = array<i32>} : memref<16x512xf32, #tpu.memory_space<vmem>>, vector<16xf32>,
      %mul3A_65 = arith.mulf %get3A_64, %broadcast_in_dim3A_7 : vector<16xf32>
      %swap3A_66 = arith.constant 3 : i32
      %swap3A_67 = arith.index_cast %swap3A_66 : i32 to index
      %swap3A_68 = arith.index_cast %mul3A_60 : i32 to index
      %swap3A_69 = tpu.vector_load %arg11[%swap3A_67, %swap3A_68] {strides = array<i32>} : memref<16x512xf32, #tpu.memory_space<vmem>>, vector<16xf32>,
      tpu.vector_store %arg11[%swap3A_67, %swap3A_68], %mul3A_65 {strides = array<i32>} : memref<16x512xf32, #tpu.memory_space<vmem>>, vector<16xf32>,
      %mul3A_70 = arith.constant 16 : i32
      %mul3A_71 = arith.muli %scan3A_27, %mul3A_70 : i32
      %get3A_72 = arith.constant 4 : i32
      %get3A_73 = arith.index_cast %get3A_72 : i32 to index
      %get3A_74 = arith.index_cast %mul3A_71 : i32 to index
      %get3A_75 = tpu.vector_load %arg11[%get3A_73, %get3A_74] {strides = array<i32>} : memref<16x512xf32, #tpu.memory_space<vmem>>, vector<16xf32>,
      %mul3A_76 = arith.mulf %get3A_75, %broadcast_in_dim3A_7 : vector<16xf32>
      %swap3A_77 = arith.constant 4 : i32
      %swap3A_78 = arith.index_cast %swap3A_77 : i32 to index
      %swap3A_79 = arith.index_cast %mul3A_71 : i32 to index
      %swap3A_80 = tpu.vector_load %arg11[%swap3A_78, %swap3A_79] {strides = array<i32>} : memref<16x512xf32, #tpu.memory_space<vmem>>, vector<16xf32>,
      tpu.vector_store %arg11[%swap3A_78, %swap3A_79], %mul3A_76 {strides = array<i32>} : memref<16x512xf32, #tpu.memory_space<vmem>>, vector<16xf32>,
      %mul3A_81 = arith.constant 16 : i32
      %mul3A_82 = arith.muli %scan3A_27, %mul3A_81 : i32
      %get3A_83 = arith.constant 5 : i32
      %get3A_84 = arith.index_cast %get3A_83 : i32 to index
      %get3A_85 = arith.index_cast %mul3A_82 : i32 to index
      %get3A_86 = tpu.vector_load %arg11[%get3A_84, %get3A_85] {strides = array<i32>} : memref<16x512xf32, #tpu.memory_space<vmem>>, vector<16xf32>,
      %mul3A_87 = arith.mulf %get3A_86, %broadcast_in_dim3A_7 : vector<16xf32>
      %swap3A_88 = arith.constant 5 : i32
      %swap3A_89 = arith.index_cast %swap3A_88 : i32 to index
      %swap3A_90 = arith.index_cast %mul3A_82 : i32 to index
      %swap3A_91 = tpu.vector_load %arg11[%swap3A_89, %swap3A_90] {strides = array<i32>} : memref<16x512xf32, #tpu.memory_space<vmem>>, vector<16xf32>,
      tpu.vector_store %arg11[%swap3A_89, %swap3A_90], %mul3A_87 {strides = array<i32>} : memref<16x512xf32, #tpu.memory_space<vmem>>, vector<16xf32>,
      %mul3A_92 = arith.constant 16 : i32
      %mul3A_93 = arith.muli %scan3A_27, %mul3A_92 : i32
      %get3A_94 = arith.constant 6 : i32
      %get3A_95 = arith.index_cast %get3A_94 : i32 to index
      %get3A_96 = arith.index_cast %mul3A_93 : i32 to index
      %get3A_97 = tpu.vector_load %arg11[%get3A_95, %get3A_96] {strides = array<i32>} : memref<16x512xf32, #tpu.memory_space<vmem>>, vector<16xf32>,
      %mul3A_98 = arith.mulf %get3A_97, %broadcast_in_dim3A_7 : vector<16xf32>
      %swap3A_99 = arith.constant 6 : i32
      %swap3A_100 = arith.index_cast %swap3A_99 : i32 to index
      %swap3A_101 = arith.index_cast %mul3A_93 : i32 to index
      %swap3A_102 = tpu.vector_load %arg11[%swap3A_100, %swap3A_101] {strides = array<i32>} : memref<16x512xf32, #tpu.memory_space<vmem>>, vector<16xf32>,
      tpu.vector_store %arg11[%swap3A_100, %swap3A_101], %mul3A_98 {strides = array<i32>} : memref<16x512xf32, #tpu.memory_space<vmem>>, vector<16xf32>,
      %mul3A_103 = arith.constant 16 : i32
      %mul3A_104 = arith.muli %scan3A_27, %mul3A_103 : i32
      %get3A_105 = arith.constant 7 : i32
      %get3A_106 = arith.index_cast %get3A_105 : i32 to index
      %get3A_107 = arith.index_cast %mul3A_104 : i32 to index
      %get3A_108 = tpu.vector_load %arg11[%get3A_106, %get3A_107] {strides = array<i32>} : memref<16x512xf32, #tpu.memory_space<vmem>>, vector<16xf32>,
      %mul3A_109 = arith.mulf %get3A_108, %broadcast_in_dim3A_7 : vector<16xf32>
      %swap3A_110 = arith.constant 7 : i32
      %swap3A_111 = arith.index_cast %swap3A_110 : i32 to index
      %swap3A_112 = arith.index_cast %mul3A_104 : i32 to index
      %swap3A_113 = tpu.vector_load %arg11[%swap3A_111, %swap3A_112] {strides = array<i32>} : memref<16x512xf32, #tpu.memory_space<vmem>>, vector<16xf32>,
      tpu.vector_store %arg11[%swap3A_111, %swap3A_112], %mul3A_109 {strides = array<i32>} : memref<16x512xf32, #tpu.memory_space<vmem>>, vector<16xf32>,
      %mul3A_114 = arith.constant 16 : i32
      %mul3A_115 = arith.muli %scan3A_27, %mul3A_114 : i32
      %get3A_116 = arith.constant 8 : i32
      %get3A_117 = arith.index_cast %get3A_116 : i32 to index
      %get3A_118 = arith.index_cast %mul3A_115 : i32 to index
      %get3A_119 = tpu.vector_load %arg11[%get3A_117, %get3A_118] {strides = array<i32>} : memref<16x512xf32, #tpu.memory_space<vmem>>, vector<16xf32>,
      %mul3A_120 = arith.mulf %get3A_119, %broadcast_in_dim3A_7 : vector<16xf32>
      %swap3A_121 = arith.constant 8 : i32
      %swap3A_122 = arith.index_cast %swap3A_121 : i32 to index
      %swap3A_123 = arith.index_cast %mul3A_115 : i32 to index
      %swap3A_124 = tpu.vector_load %arg11[%swap3A_122, %swap3A_123] {strides = array<i32>} : memref<16x512xf32, #tpu.memory_space<vmem>>, vector<16xf32>,
      tpu.vector_store %arg11[%swap3A_122, %swap3A_123], %mul3A_120 {strides = array<i32>} : memref<16x512xf32, #tpu.memory_space<vmem>>, vector<16xf32>,
      %mul3A_125 = arith.constant 16 : i32
      %mul3A_126 = arith.muli %scan3A_27, %mul3A_125 : i32
      %get3A_127 = arith.constant 9 : i32
      %get3A_128 = arith.index_cast %get3A_127 : i32 to index
      %get3A_129 = arith.index_cast %mul3A_126 : i32 to index
      %get3A_130 = tpu.vector_load %arg11[%get3A_128, %get3A_129] {strides = array<i32>} : memref<16x512xf32, #tpu.memory_space<vmem>>, vector<16xf32>,
      %mul3A_131 = arith.mulf %get3A_130, %broadcast_in_dim3A_7 : vector<16xf32>
      %swap3A_132 = arith.constant 9 : i32
      %swap3A_133 = arith.index_cast %swap3A_132 : i32 to index
      %swap3A_134 = arith.index_cast %mul3A_126 : i32 to index
      %swap3A_135 = tpu.vector_load %arg11[%swap3A_133, %swap3A_134] {strides = array<i32>} : memref<16x512xf32, #tpu.memory_space<vmem>>, vector<16xf32>,
      tpu.vector_store %arg11[%swap3A_133, %swap3A_134], %mul3A_131 {strides = array<i32>} : memref<16x512xf32, #tpu.memory_space<vmem>>, vector<16xf32>,
      %mul3A_136 = arith.constant 16 : i32
      %mul3A_137 = arith.muli %scan3A_27, %mul3A_136 : i32
      %get3A_138 = arith.constant 10 : i32
      %get3A_139 = arith.index_cast %get3A_138 : i32 to index
      %get3A_140 = arith.index_cast %mul3A_137 : i32 to index
      %get3A_141 = tpu.vector_load %arg11[%get3A_139, %get3A_140] {strides = array<i32>} : memref<16x512xf32, #tpu.memory_space<vmem>>, vector<16xf32>,
      %mul3A_142 = arith.mulf %get3A_141, %broadcast_in_dim3A_7 : vector<16xf32>
      %swap3A_143 = arith.constant 10 : i32
      %swap3A_144 = arith.index_cast %swap3A_143 : i32 to index
      %swap3A_145 = arith.index_cast %mul3A_137 : i32 to index
      %swap3A_146 = tpu.vector_load %arg11[%swap3A_144, %swap3A_145] {strides = array<i32>} : memref<16x512xf32, #tpu.memory_space<vmem>>, vector<16xf32>,
      tpu.vector_store %arg11[%swap3A_144, %swap3A_145], %mul3A_142 {strides = array<i32>} : memref<16x512xf32, #tpu.memory_space<vmem>>, vector<16xf32>,
      %mul3A_147 = arith.constant 16 : i32
      %mul3A_148 = arith.muli %scan3A_27, %mul3A_147 : i32
      %get3A_149 = arith.constant 11 : i32
      %get3A_150 = arith.index_cast %get3A_149 : i32 to index
      %get3A_151 = arith.index_cast %mul3A_148 : i32 to index
      %get3A_152 = tpu.vector_load %arg11[%get3A_150, %get3A_151] {strides = array<i32>} : memref<16x512xf32, #tpu.memory_space<vmem>>, vector<16xf32>,
      %mul3A_153 = arith.mulf %get3A_152, %broadcast_in_dim3A_7 : vector<16xf32>
      %swap3A_154 = arith.constant 11 : i32
      %swap3A_155 = arith.index_cast %swap3A_154 : i32 to index
      %swap3A_156 = arith.index_cast %mul3A_148 : i32 to index
      %swap3A_157 = tpu.vector_load %arg11[%swap3A_155, %swap3A_156] {strides = array<i32>} : memref<16x512xf32, #tpu.memory_space<vmem>>, vector<16xf32>,
      tpu.vector_store %arg11[%swap3A_155, %swap3A_156], %mul3A_153 {strides = array<i32>} : memref<16x512xf32, #tpu.memory_space<vmem>>, vector<16xf32>,
      %mul3A_158 = arith.constant 16 : i32
      %mul3A_159 = arith.muli %scan3A_27, %mul3A_158 : i32
      %get3A_160 = arith.constant 12 : i32
      %get3A_161 = arith.index_cast %get3A_160 : i32 to index
      %get3A_162 = arith.index_cast %mul3A_159 : i32 to index
      %get3A_163 = tpu.vector_load %arg11[%get3A_161, %get3A_162] {strides = array<i32>} : memref<16x512xf32, #tpu.memory_space<vmem>>, vector<16xf32>,
      %mul3A_164 = arith.mulf %get3A_163, %broadcast_in_dim3A_7 : vector<16xf32>
      %swap3A_165 = arith.constant 12 : i32
      %swap3A_166 = arith.index_cast %swap3A_165 : i32 to index
      %swap3A_167 = arith.index_cast %mul3A_159 : i32 to index
      %swap3A_168 = tpu.vector_load %arg11[%swap3A_166, %swap3A_167] {strides = array<i32>} : memref<16x512xf32, #tpu.memory_space<vmem>>, vector<16xf32>,
      tpu.vector_store %arg11[%swap3A_166, %swap3A_167], %mul3A_164 {strides = array<i32>} : memref<16x512xf32, #tpu.memory_space<vmem>>, vector<16xf32>,
      %mul3A_169 = arith.constant 16 : i32
      %mul3A_170 = arith.muli %scan3A_27, %mul3A_169 : i32
      %get3A_171 = arith.constant 13 : i32
      %get3A_172 = arith.index_cast %get3A_171 : i32 to index
      %get3A_173 = arith.index_cast %mul3A_170 : i32 to index
      %get3A_174 = tpu.vector_load %arg11[%get3A_172, %get3A_173] {strides = array<i32>} : memref<16x512xf32, #tpu.memory_space<vmem>>, vector<16xf32>,
      %mul3A_175 = arith.mulf %get3A_174, %broadcast_in_dim3A_7 : vector<16xf32>
      %swap3A_176 = arith.constant 13 : i32
      %swap3A_177 = arith.index_cast %swap3A_176 : i32 to index
      %swap3A_178 = arith.index_cast %mul3A_170 : i32 to index
      %swap3A_179 = tpu.vector_load %arg11[%swap3A_177, %swap3A_178] {strides = array<i32>} : memref<16x512xf32, #tpu.memory_space<vmem>>, vector<16xf32>,
      tpu.vector_store %arg11[%swap3A_177, %swap3A_178], %mul3A_175 {strides = array<i32>} : memref<16x512xf32, #tpu.memory_space<vmem>>, vector<16xf32>,
      %mul3A_180 = arith.constant 16 : i32
      %mul3A_181 = arith.muli %scan3A_27, %mul3A_180 : i32
      %get3A_182 = arith.constant 14 : i32
      %get3A_183 = arith.index_cast %get3A_182 : i32 to index
      %get3A_184 = arith.index_cast %mul3A_181 : i32 to index
      %get3A_185 = tpu.vector_load %arg11[%get3A_183, %get3A_184] {strides = array<i32>} : memref<16x512xf32, #tpu.memory_space<vmem>>, vector<16xf32>,
      %mul3A_186 = arith.mulf %get3A_185, %broadcast_in_dim3A_7 : vector<16xf32>
      %swap3A_187 = arith.constant 14 : i32
      %swap3A_188 = arith.index_cast %swap3A_187 : i32 to index
      %swap3A_189 = arith.index_cast %mul3A_181 : i32 to index
      %swap3A_190 = tpu.vector_load %arg11[%swap3A_188, %swap3A_189] {strides = array<i32>} : memref<16x512xf32, #tpu.memory_space<vmem>>, vector<16xf32>,
      tpu.vector_store %arg11[%swap3A_188, %swap3A_189], %mul3A_186 {strides = array<i32>} : memref<16x512xf32, #tpu.memory_space<vmem>>, vector<16xf32>,
      %mul3A_191 = arith.constant 16 : i32
      %mul3A_192 = arith.muli %scan3A_27, %mul3A_191 : i32
      %get3A_193 = arith.constant 15 : i32
      %get3A_194 = arith.index_cast %get3A_193 : i32 to index
      %get3A_195 = arith.index_cast %mul3A_192 : i32 to index
      %get3A_196 = tpu.vector_load %arg11[%get3A_194, %get3A_195] {strides = array<i32>} : memref<16x512xf32, #tpu.memory_space<vmem>>, vector<16xf32>,
      %mul3A_197 = arith.mulf %get3A_196, %broadcast_in_dim3A_7 : vector<16xf32>
      %swap3A_198 = arith.constant 15 : i32
      %swap3A_199 = arith.index_cast %swap3A_198 : i32 to index
      %swap3A_200 = arith.index_cast %mul3A_192 : i32 to index
      %swap3A_201 = tpu.vector_load %arg11[%swap3A_199, %swap3A_200] {strides = array<i32>} : memref<16x512xf32, #tpu.memory_space<vmem>>, vector<16xf32>,
      tpu.vector_store %arg11[%swap3A_199, %swap3A_200], %mul3A_197 {strides = array<i32>} : memref<16x512xf32, #tpu.memory_space<vmem>>, vector<16xf32>,
    }
    %scan3A_26 = arith.constant 32 : i32
    "tpu.region"() ({
      %run_scoped3A = tpu.sem_alloc : memref<!tpu.dma_semaphore, #tpu.memory_space<semaphore_mem>>
      %dma_start3A = arith.constant 0 : i32
      %dma_start3A_27 = tpu.memref_slice %arg5[%dma_start3A, %mul3A_2] : memref<16x16384xf32, #tpu.memory_space<hbm>> -> memref<16x512xf32, #tpu.memory_space<hbm>>
      %dma_start3A_28 = arith.constant 0 : i32
      %dma_start3A_29 = tpu.memref_slice %arg5[%dma_start3A_28, %mul3A_2] : memref<16x16384xf32, #tpu.memory_space<hbm>> -> memref<16x512xf32, #tpu.memory_space<hbm>>
      tpu.enqueue_dma source(%arg11 : memref<16x512xf32, #tpu.memory_space<vmem>>) target(%dma_start3A_29 : memref<16x512xf32, #tpu.memory_space<hbm>>) target_semaphore(%run_scoped3A : memref<!tpu.dma_semaphore, #tpu.memory_space<semaphore_mem>>)
      %dma_wait3A = arith.constant 0 : i32
      %dma_wait3A_30 = tpu.memref_slice %arg5[%dma_wait3A, %mul3A_2] : memref<16x16384xf32, #tpu.memory_space<hbm>> -> memref<16x512xf32, #tpu.memory_space<hbm>>
      %dma_wait3A_31 = arith.constant 0 : i32
      %dma_wait3A_32 = tpu.memref_slice %arg5[%dma_wait3A_31, %mul3A_2] : memref<16x16384xf32, #tpu.memory_space<hbm>> -> memref<16x512xf32, #tpu.memory_space<hbm>>
      tpu.wait_dma2 semaphore(%run_scoped3A : memref<!tpu.dma_semaphore, #tpu.memory_space<semaphore_mem>>) src(%arg11 : memref<16x512xf32, #tpu.memory_space<vmem>>) dst(%dma_wait3A_32 : memref<16x512xf32, #tpu.memory_space<hbm>>)
      tpu.yield
    }) : () -> ()
    return
  }
}

</mosaic_0001>

<sc_bundles>
// kernel: kernel.4.cloned.1.call-start
scs
__scs_entry_jumppad:
0x0: {  	(pc) =	sbr.rel $0x88, $3  }
0x1: {  	(tag) =	ssettag $0x0;
	lr =	simm.s32 $0x1  }
0x2: {  	[smem:$0x3F9F] =	sst lr;
	_ =	strace $0xD0000000  }
0x3: {  	_ = 	snop  }
0x4: {  	_ = 	snop  }
0x5: {  	_ = 	snop  }
0x6: {  	_ = 	snop  }
0x7: {  	_ = 	snop  }
__scs_overlays_trampoline_lowered:
0x8: {  	[smem:$0x3FAE] =	sst s0  }
0x9: {  	[smem:$0x3FAF] =	sst s1  }
0xa: {  	[smem:$0x3FB0] =	sst s2  }
0xb: {  	[smem:$0x3FB1] =	sst s3  }
0xc: {  	[smem:$0x3FB2] =	sst s4  }
0xd: {  	[smem:$0x3FB3] =	sst s5  }
0xe: {  	[smem:$0x3FB4] =	sst s6  }
0xf: {  	[smem:$0x3FB5] =	sst s7  }
0x10: {  	[smem:$0x3FB6] =	sst s8  }
0x11: {  	[smem:$0x3FB7] =	sst s9;
	s0 =	simm.s32 @!p0 $0x0  }
0x12: {  	s1 =	sld [smem:$0x3F9D];
	s0 =	simm.s32 @p0 $0x1  }
0x13: {  	[smem:$0x3FB8] =	sst s0;
	s0 =	simm.s32 @!p1 $0x0  }
0x14: {  	s2 =	sld [smem:$0x3F9C];
	s0 =	simm.s32 @p1 $0x1  }
0x15: {  	[smem:$0x3FB9] =	sst s0;
	s0 =	simm.s32 @!p2 $0x0  }
0x16: {  	s3 =	sld [smem:$0x3FDB];
	s0 =	simm.s32 @p2 $0x1  }
0x17: {  	s4 =	simm.s32 $0x1BF5;
	[smem:$0x3FBB] =	sst s0  }
0x18: {  	s0 =	sld [smem:$0x3F9E];
	_ =	swait.ge [sflag:s4], $0x0  }
0x19: {  	s7 =	sld [smem:$0x3F9F]  }
0x1a: {  	s8 =	sadd.s32 $0xFFFFE003, lr  }
0x1b: {  	s9 =	sadd.s32 $0xFFFFFEF7, lr;
	s5 =	simm.s32 $0xFFFFFFFF;
	p2 =	slt.u32 s8, $0xFFFFF086  }
0x1c: {  	p1 =	slt.u32 s9, $0xF7A;
	s5 =	simm.s32 @!p2 $0x0  }
0x1d: {  	s5 =	simm.s32 @p1 $0x1;
	p0 =	seq.s32 s7, s2  }
0x1e: {  	s7 =	smul.u32 @!p0 $0xF7A, s2;
	p2 =	seq.s32 @!p0 s5, $0x0  }
0x1f: {  	s9 =	smul.u32 $0xF7A, s1;
	s8 =	simm.s32 @!p0 $0x1BF5;
	p2 =	por !p2, p0  }
0x20: {  	[sflag:s8] =	ssyncset.s32 @!p0 $0xFFFFF086;
	s6 =	sadd.s32 @!p0 s3, s7;
	s7 =	simm.s32 @!p0 $0x108  }
0x21: {  	s3 =	sadd.s32 s3, s9;
	s6 =	sadd.s32 @!p0 $0x88, s6;
	s7 =	simm.s32 @p2 $0x1082  }
0x22: {  	[simem:s7], [sflag:s8] =	dma.local @!p0 [hbm:s6], $0xF7A  }
0x23: {  	s9 =	sor.u32 $0xD0000000, s2;
	s6 =	simm.s32 $0x108;
	_ =	swait.ge @!p0 [sflag:s8], $0x0  }
0x24: {  	s3 =	sadd.s32 $0x88, s3;
	s6 =	simm.s32 @!p1 $0x1082;
	[sflag:s4] =	ssyncset.s32 $0xFFFFF086  }
0x25: {  	[simem:s6], [sflag:s4] =	dma.local [hbm:s3], $0xF7A  }
0x26: {  	[smem:$0x3F9F] =	sst s1;
	(tag) =	ssettag s2;
	_ =	strace s9  }
0x27: {  	s1 =	sld [smem:$0x3FAF]  }
0x28: {  	s2 =	sld [smem:$0x3FB0]  }
0x29: {  	s4 =	sld [smem:$0x3FB2]  }
0x2a: {  	p0 =	seq.s32 s5, $0x0;
	s5 =	sld [smem:$0x3FB3]  }
0x2b: {  	s6 =	sld [smem:$0x3FB4]  }
0x2c: {  	s7 =	sld [smem:$0x3FB5]  }
0x2d: {  	s3 =	simm.s32 $0x108;
	s8 =	sld [smem:$0x3FB6]  }
0x2e: {  	s3 =	simm.s32 @!p0 $0x1082;
	s9 =	sld [smem:$0x3FB7]  }
0x2f: {  	lr =	sadd.s32 s0, s3;
	s0 =	sld [smem:$0x3FAE]  }
0x30: {  	s3 =	sld [smem:$0x3FB1]  }
0x31: {  	[smem:$0x3FBA] =	sst s10  }
0x32: {  	s10 =	sld [smem:$0x3FB8];
	_ =	sdelay $0x3  }
0x33: {  	p0 =	seq.s32 s10, $0x1;
	s10 =	sld [smem:$0x3FBA];
	_ =	sdelay $0x3  }
0x34: {  	[smem:$0x3FBA] =	sst s10  }
0x35: {  	s10 =	sld [smem:$0x3FB9];
	_ =	sdelay $0x3  }
0x36: {  	p1 =	seq.s32 s10, $0x1;
	s10 =	sld [smem:$0x3FBA];
	_ =	sdelay $0x3  }
0x37: {  	[smem:$0x3FBA] =	sst s10  }
0x38: {  	s10 =	sld [smem:$0x3FBB]  }
0x39: {  	_ = 	snop;
	(pc) =	sbr.ind lr, $3  }
0x3a: {  	_ = 	snop  }
0x3b: {  	_ = 	snop  }
0x3c: {  	p2 =	seq.s32 s10, $0x1;
	s10 =	sld [smem:$0x3FBA]  }
0x3d: {  	_ =	shalt  }
0x3e: {  	_ =	shalt  }
0x3f: {  	_ =	shalt  }
0x40: {  	_ =	shalt  }
0x41: {  	_ =	shalt  }
0x42: {  	_ =	shalt  }
0x43: {  	_ =	shalt  }
0x44: {  	_ =	shalt  }
0x45: {  	_ =	shalt  }
0x46: {  	_ =	shalt  }
0x47: {  	_ =	shalt  }
0x48: {  	_ =	shalt  }
0x49: {  	_ =	shalt  }
0x4a: {  	_ =	shalt  }
0x4b: {  	_ =	shalt  }
0x4c: {  	_ =	shalt  }
0x4d: {  	_ =	shalt  }
0x4e: {  	_ =	shalt  }
0x4f: {  	_ =	shalt  }
0x50: {  	_ =	shalt  }
0x51: {  	_ =	shalt  }
0x52: {  	_ =	shalt  }
0x53: {  	_ =	shalt  }
0x54: {  	_ =	shalt  }
0x55: {  	_ =	shalt  }
0x56: {  	_ =	shalt  }
0x57: {  	_ =	shalt  }
0x58: {  	_ =	shalt  }
0x59: {  	_ =	shalt  }
0x5a: {  	_ =	shalt  }
0x5b: {  	_ =	shalt  }
0x5c: {  	_ =	shalt  }
0x5d: {  	_ =	shalt  }
0x5e: {  	_ =	shalt  }
0x5f: {  	_ =	shalt  }
0x60: {  	_ =	shalt  }
0x61: {  	_ =	shalt  }
0x62: {  	_ =	shalt  }
0x63: {  	_ =	shalt  }
0x64: {  	_ =	shalt  }
0x65: {  	_ =	shalt  }
0x66: {  	_ =	shalt  }
0x67: {  	_ =	shalt  }
0x68: {  	_ =	shalt  }
0x69: {  	_ =	shalt  }
0x6a: {  	_ =	shalt  }
0x6b: {  	_ =	shalt  }
0x6c: {  	_ =	shalt  }
0x6d: {  	_ =	shalt  }
0x6e: {  	_ =	shalt  }
0x6f: {  	_ =	shalt  }
0x70: {  	_ =	shalt  }
0x71: {  	_ =	shalt  }
0x72: {  	_ =	shalt  }
0x73: {  	_ =	shalt  }
0x74: {  	_ =	shalt  }
0x75: {  	_ =	shalt  }
0x76: {  	_ =	shalt  }
0x77: {  	_ =	shalt  }
0x78: {  	_ =	shalt  }
0x79: {  	_ =	shalt  }
0x7a: {  	_ =	shalt  }
0x7b: {  	_ =	shalt  }
0x7c: {  	_ =	shalt  }
0x7d: {  	_ =	shalt  }
0x7e: {  	_ =	shalt  }
0x7f: {  	_ =	shalt  }
0x80: {  	_ =	shalt  }
0x81: {  	_ =	shalt  }
0x82: {  	_ =	shalt  }
0x83: {  	_ =	shalt  }
0x84: {  	_ =	shalt  }
0x85: {  	_ =	shalt  }
0x86: {  	_ =	shalt  }
0x87: {  	_ =	shalt  }
.Lfunc_end0:
.L_simem_size_0:
called_computation_lowered:
.L_overlay_start_0:
0x88: {  	s2 =	sld [smem:$0x3FD9]  }
0x89: {  	s3 =	sld [smem:$0x3FFE];
	_ =	sdelay $0x1  }
0x8a: {  	s1 =	srdreg.scid  }
0x8b: {  	s0 =	sand.u32 $0x1, s1  }
0x8c: {  	s17 =	sshll.u32 s0, $0xA;
	s2 =	sadd.s32 s3, s2  }
0x8d: {  	s2 =	sadd.s32 s2, s17  }
0x8e: {  	[smem:$0x3FC6] =	sst s2  }
0x8f: {  	_ = 	snop  }
0x90: {  	s2 =	sld [smem:$0x3FC8];
	(tm) =	ssettm $0x1  }
0x91: {  	s18 =	sld [smem:$0x3FFB];
	_ =	sdelay $0x3  }
0x92: {  	_ =	strace s18  }
0x93: {  	s3 =	sld [smem:$0x3FFC];
	_ =	sdelay $0x3  }
0x94: {  	_ =	strace s3  }
0x95: {  	s3 =	sld [smem:$0x3FFD];
	_ =	sdelay $0x3  }
0x96: {  	_ =	strace s3  }
0x97: {  	_ =	strace $0x8FFFFFFF  }
0x98: {  	s19 =	sld [smem:$0x3FDB];
	_ =	sdelay $0x1  }
0x99: {  	s4 =	simm.s32 $_scs_section_size  }
0x9a: {  	s5 =	simm.s32 $_size__tile_overlayer_lowered;
	s6 =	simm.s32 $_tile_overlayer_lowered  }
0x9b: {  	s22 =	simm.s32 $0x1BFF;
	s21 =	sshll.u32 s6, $0x1;
	s3 =	sadd.s32 s4, s19  }
0x9c: {  	s7 =	simm.s32 $0x0;
	s20 =	sshll.u32 s5, $0x1;
	s5 =	sadd.s32 s21, s3  }
0x9d: {  	[timem:s7], [sflag:s22] =	dma.local [hbm:s5], s20  }
0x9e: {  	_ =	swait.ge [sflag:s22], s20  }
0x9f: {  	s4 =	ssub.s32 $0x0, s20;
	[sflag:s22] =	ssyncset.done $0x0  }
0xa0: {  	[sflag:s22] =	ssyncadd.s32 s4;
	_ =	sdelay $0x1  }
0xa1: {  	s23 =	simm.s32 $0x1B8B  }
0xa2: {  	_ =	swait.ge [sflag:s23], $0x1  }
0xa3: {  	[sflag:s23] =	ssyncset.done $0x0  }
0xa4: {  	s25 =	simm.s32 $0x1B8E;
	s24 =	sld [smem:$0x3FFE];
	[sflag:s23] =	ssyncadd.s32 $0xFFFFFFFF  }
0xa5: {  	s26 =	simm.s32 $execute0_lowered;
	[smem:$0x3FD2] =	sst s25  }
0xa6: {  	s5 =	sshll.u32 s26, $0x1;
	_ =	strace $0x80000046;
	[dreg:$0x1] =	wrdreg $0xFFFFFFFF  }
0xa7: {  	s28 =	simm.s32 $_size_execute0_lowered;
	s3 =	sadd.s32 s3, s5;
	[dreg:$0x0] =	wrdreg $0x0  }
0xa8: {  	s5 =	sshll.u32 s28, $0x1;
	[dreg:$0x2] =	wrdreg s3  }
0xa9: {  	[dreg:$0x3] =	wrdreg s5  }
0xaa: {  	[dreg:$0x4] =	wrdreg $0xC0  }
0xab: {  	_ =	task [dreg:s7], $0x5FFFF  }
0xac: {  	[dreg:$0x1] =	wrdreg $0xFFFFFFFF  }
0xad: {  	[dreg:$0x0] =	wrdreg $0x60  }
0xae: {  	[dreg:$0x2] =	wrdreg s2  }
0xaf: {  	[dreg:$0x3] =	wrdreg s24  }
0xb0: {  	[dreg:$0x4] =	wrdreg $0x9  }
0xb1: {  	_ =	task.clear_ibuf [dreg:s7], $0x5FFFF;
	_ =	strace $0x90000046  }
0xb2: {  	s29 =	simm.s32 $0x9;
	_ =	strace $0x80000048  }
0xb3: {  	_ =	swait.ge [sflag:s29], $0x1  }
0xb4: {  	[sflag:s29] =	ssyncadd.s32 $0xFFFFFFFF  }
0xb5: {  	_ =	strace $0x90000048  }
0xb6: {  	_ =	sfence  }
0xb7: {  	s30 =	sld [smem:$0x0];
	_ =	sdelay $0x2  }
0xb8: {  	s31 =	sshll.u32 s1, $0xD;
	s1 =	sshrl.u32 s1, $0x2  }
0xb9: {  	s3 =	sand.u32 $0x4000, s31;
	s1 =	sadd.s32 s1, s30  }
0xba: {  	s0 =	sor.u32 s3, s0;
	s1 =	sshll.u32 s1, $0x11  }
0xbb: {  	s0 =	sor.u32 s1, s0  }
0xbc: {  	s0 =	sadd.s32 $0x8F2B, s0  }
0xbd: {  	[sflag:s0] =	ssyncadd.remote.s32 $0x1  }
0xbe: {  	_ =	sfence.sel $0xFFFF  }
0xbf: {  	[dreg:$0x0] =	wrdreg $0xFFFFFFFF;
	(pc) =	sbr.abs _section_cstart, $3  }
0xc0: {  	[dreg:$0x1] =	wrdreg $0xFFFFFFFF  }
0xc1: {  	_ =	task.clear_ibuf [dreg:s7], $0x2FFFF;
	_ =	strace $0x9FFFFFFF  }
0xc2: {  	(tm) =	ssettm $0x7FFFFFFF  }
0xc3: {  	_ =	shalt  }
tec
execute0_lowered:
.L_overlay_start_1:
0x0: {  	(tag) =	ssettag $0x1  }
0x1: {  	s2 =	rddreg [dreg:$0x0]  }
0x2: {  	s6 =	rddreg [dreg:$0x1]  }
0x3: {  	s0 =	rddreg [dreg:$0x2];
	s4 =	srdreg.scid  }
0x4: {  	s1 =	stileid.u32;
	s3 =	simm.s32 $0x0;
	s13 =	simm.s32 $0x5800  }
0x5: {  	s14 =	simm.s32 $0x8400;
	s15 =	simm.s32 $0x1;
	s16 =	simm.s32 $0xB000  }
0x6: {  	v1 =	vlaneseq.u32;
	s17 =	simm.s32 $0x2;
	s5 =	sand.u32 $0x1, s4;
	s30 =	sshll.u32 s1, $0x1  }
0x7: {  	s18 =	simm.s32 $0x15000;
	s19 =	simm.s32 $0x3;
	v0 =	vand.u32 $0x7, v1;
	s8 =	sor.u32 s5, s30  }
0x8: {  	s20 =	simm.s32 $0x4;
	s21 =	simm.s32 $0x0;
	v0 =	vmul.u32 $0x10, v0;
	s4 =	smul.u32 $0x2800, s8  }
0x9: {  	v1 =	vmul.u32 $0x10, v1;
	s9 =	sor.u32 $0x20, s8;
	s11 =	sor.u32 $0x40, s8;
	s8 =	smul.u32 $0x5000, s8  }
0xa: {  	[smem:$0x7FF] =	sst s3;
	s10 =	ssub.s32 $0x2, s5;
	s5 =	smul.u32 $0x2800, s9;
	v2 =	vor.u32 $0x1, v0;
	v3 =	vor.u32 $0x2, v0;
	v4 =	vor.u32 $0x3, v0  }
0xb: {  	s6 =	sadd.s32 $0x800, s6;
	_ =	strace $0x80000047;
	s7 =	smul.u32 $0x2800, s11;
	v5 =	vor.u32 $0x4, v0;
	v6 =	vor.u32 $0x5, v0;
	v7 =	vor.u32 $0x6, v0  }
0xc: {  	s12 =	sshrl.u32 s10, $0x1;
	s9 =	smul.u32 $0x5000, s9;
	s31 =	smin.u32 s11, $0x4E;
	v8 =	vor.u32 $0x7, v0;
	v9 =	vor.u32 $0x8, v0;
	v10 =	vor.u32 $0x9, v0  }
0xd: {  	s12 =	ssub.s32 s10, s12;
	p0 =	slt.u32 s11, $0x4E;
	v11 =	vor.u32 $0xA, v0;
	v12 =	vor.u32 $0xB, v0;
	v13 =	vor.u32 $0xC, v0;
	s10 =	smul.u32 $0x5000, s31  }
0xe: {  	v14 =	vor.u32 $0xD, v0;
	v15 =	vor.u32 $0xE, v0;
	v16 =	vor.u32 $0xF, v0;
	s11 =	smax.u32 s12, $0x1;
	s12 =	simm.s32 $0x2C00;
	s7 =	simm.s32 @!p0 $0x0  }
.LBB2_1:
0xf: {  	s22 =	simm.s32 $0x0  }
.LBB2_2:
0x10: {  	s24 =	smul.u32 $0x187000, s22;
	_ =	sdelay $0x1  }
0x11: {  	s23 =	sadd.s32 s4, s24  }
0x12: {  	s23 =	sshrl.u32 s23, $0x3  }
0x13: {  	s25 =	sadd.s32 s2, s23;
	s23 =	simm.s32 $0x0  }
0x14: {  	[tilespmem:s23], [sflag:$0x1] =	stream.linear.gather [hbm4b:s25+s23], $0x2800, $0x38;
	[tilespmem:$0x1F000] =	vst v63  }
0x15: {  	s29 =	sadd.s32 s5, s24;
	s25 =	sadd.s32 $0x18700, s25  }
0x16: {  	[tilespmem:s12], [sflag:$0x1] =	stream.linear.gather [hbm4b:s25+s23], $0x2800, $0x38;
	[tilespmem:$0x1F000] =	vst v63  }
0x17: {  	s25 =	sshrl.u32 s29, $0x3  }
0x18: {  	s25 =	sadd.s32 s2, s25  }
0x19: {  	[tilespmem:s13], [sflag:$0x2] =	stream.linear.gather [hbm4b:s25+s23], $0x2800, $0x38;
	[tilespmem:$0x1F000] =	vst v63  }
0x1a: {  	v17 =	vmov s23;
	s25 =	sadd.s32 $0x18700, s25  }
0x1b: {  	v18 =	vshll.u32 v17, $0x4;
	[tilespmem:s14], [sflag:$0x2] =	stream.linear.gather [hbm4b:s25+s23], $0x2800, $0x38;
	[tilespmem:$0x1F000] =	vst v63  }
0x1c: {  	v17 =	vshll.u32 v17, $0x5;
	v18 =	vor.u32 v1, v18;
	_ =	swait.ge [sflag:s15], $0x5000  }
0x1d: {  	s30 =	sand.u32 $0x70, s23;
	s26 =	sand.u32 $0x3C00, s23;
	v17 =	vand.u32 $0xF800, v17;
	v18 =	vand.u32 $0x380, v18;
	[sflag:s15] =	ssyncset.done $0x0  }
0x1e: {  	v17 =	vor.u32 v17, v18;
	s25 =	sor.u32 s30, s26;
	[sflag:s15] =	ssyncadd.s32 $0xFFFFB000  }
0x1f: {  	v19 =	vor.u32 v0, v17;
	v18 =	vld [tilespmem:s25+$0x0];
	_ =	sdelay $0x4  }
0x20: {  	[tilespmem:v19+s16+$0x0] =	vst.idx.msk $0xffff, v18  }
0x21: {  	v19 =	vor.u32 v2, v17;
	v18 =	vld [tilespmem:s25+$0x80];
	_ =	sdelay $0x4  }
0x22: {  	[tilespmem:v19+s16+$0x0] =	vst.idx.msk $0xffff, v18  }
0x23: {  	v19 =	vor.u32 v3, v17;
	v18 =	vld [tilespmem:s25+$0x100];
	_ =	sdelay $0x4  }
0x24: {  	[tilespmem:v19+s16+$0x0] =	vst.idx.msk $0xffff, v18  }
0x25: {  	v19 =	vor.u32 v4, v17;
	v18 =	vld [tilespmem:s25+$0x180];
	_ =	sdelay $0x4  }
0x26: {  	[tilespmem:v19+s16+$0x0] =	vst.idx.msk $0xffff, v18  }
0x27: {  	v19 =	vor.u32 v5, v17;
	v18 =	vld [tilespmem:s25+$0x200];
	_ =	sdelay $0x4  }
0x28: {  	[tilespmem:v19+s16+$0x0] =	vst.idx.msk $0xffff, v18  }
0x29: {  	v19 =	vor.u32 v6, v17;
	v18 =	vld [tilespmem:s25+$0x280];
	_ =	sdelay $0x4  }
0x2a: {  	[tilespmem:v19+s16+$0x0] =	vst.idx.msk $0xffff, v18  }
0x2b: {  	v19 =	vor.u32 v7, v17;
	v18 =	vld [tilespmem:s25+$0x300];
	_ =	sdelay $0x1  }
0x2c: {  	s31 =	sand.u32 $0x7, s23  }
0x2d: {  	s26 =	sshll.u32 s31, $0x4  }
0x2e: {  	s26 =	sadd.s32 $0x0, s26  }
0x2f: {  	s26 =	sor.u32 $0x380, s26;
	[tilespmem:v19+s16+$0x0] =	vst.idx.msk $0xffff, v18  }
0x30: {  	v19 =	vor.u32 v8, v17;
	v18 =	vld [tilespmem:s26+$0x0];
	_ =	sdelay $0x4  }
0x31: {  	[tilespmem:v19+s16+$0x0] =	vst.idx.msk $0xffff, v18  }
0x32: {  	v19 =	vor.u32 v9, v17;
	v18 =	vld [tilespmem:s25+$0x2C00];
	_ =	sdelay $0x4  }
0x33: {  	[tilespmem:v19+s16+$0x0] =	vst.idx.msk $0xffff, v18  }
0x34: {  	v19 =	vor.u32 v10, v17;
	v18 =	vld [tilespmem:s25+$0x2C80];
	_ =	sdelay $0x4  }
0x35: {  	[tilespmem:v19+s16+$0x0] =	vst.idx.msk $0xffff, v18  }
0x36: {  	v19 =	vor.u32 v11, v17;
	v18 =	vld [tilespmem:s25+$0x2D00];
	_ =	sdelay $0x4  }
0x37: {  	[tilespmem:v19+s16+$0x0] =	vst.idx.msk $0xffff, v18  }
0x38: {  	v19 =	vor.u32 v12, v17;
	v18 =	vld [tilespmem:s25+$0x2D80];
	_ =	sdelay $0x4  }
0x39: {  	[tilespmem:v19+s16+$0x0] =	vst.idx.msk $0xffff, v18  }
0x3a: {  	v19 =	vor.u32 v13, v17;
	v18 =	vld [tilespmem:s25+$0x2E00];
	_ =	sdelay $0x4  }
0x3b: {  	[tilespmem:v19+s16+$0x0] =	vst.idx.msk $0xffff, v18  }
0x3c: {  	v19 =	vor.u32 v14, v17;
	v18 =	vld [tilespmem:s25+$0x2E80];
	_ =	sdelay $0x4  }
0x3d: {  	[tilespmem:v19+s16+$0x0] =	vst.idx.msk $0xffff, v18  }
0x3e: {  	v19 =	vor.u32 v15, v17;
	v18 =	vld [tilespmem:s25+$0x2F00];
	_ =	sdelay $0x4  }
0x3f: {  	[tilespmem:v19+s16+$0x0] =	vst.idx.msk $0xffff, v18  }
0x40: {  	s26 =	simm.s32 $0x10;
	v19 =	vor.u32 v16, v17;
	v18 =	vld [tilespmem:s25+$0x2F80]  }
0x41: {  	s28 =	simm.s32 $0x20;
	v17 =	vmov s26;
	s25 =	simm.s32 $0x0  }
.LBB2_3:
0x42: {  	p0 =	sne.s32 s28, $0x4F0;
	v20 =	vshll.u32 v17, $0x4  }
0x43: {  	v17 =	vshll.u32 v17, $0x5;
	s23 =	sadd.s32 $0x80, s23;
	v20 =	vor.u32 v1, v20  }
0x44: {  	s29 =	sand.u32 $0x70, s26;
	s26 =	smov.u32 s28;
	s30 =	sand.u32 $0x3C00, s23;
	v17 =	vand.u32 $0xF800, v17;
	v20 =	vand.u32 $0x380, v20  }
0x45: {  	s29 =	sor.u32 s29, s30;
	v17 =	vor.u32 v17, v20;
	[tilespmem:v19+s16+$0x0] =	vst.idx.msk $0xffff, v18  }
0x46: {  	v18 =	vld [tilespmem:s29+$0x0];
	v19 =	vor.u32 v0, v17;
	_ =	sdelay $0x4  }
0x47: {  	[tilespmem:v19+s16+$0x0] =	vst.idx.msk $0xffff, v18  }
0x48: {  	v19 =	vor.u32 v2, v17;
	v18 =	vld [tilespmem:s29+$0x80];
	_ =	sdelay $0x4  }
0x49: {  	[tilespmem:v19+s16+$0x0] =	vst.idx.msk $0xffff, v18  }
0x4a: {  	v19 =	vor.u32 v3, v17;
	v18 =	vld [tilespmem:s29+$0x100];
	_ =	sdelay $0x4  }
0x4b: {  	[tilespmem:v19+s16+$0x0] =	vst.idx.msk $0xffff, v18  }
0x4c: {  	v19 =	vor.u32 v4, v17;
	v18 =	vld [tilespmem:s29+$0x180];
	_ =	sdelay $0x4  }
0x4d: {  	[tilespmem:v19+s16+$0x0] =	vst.idx.msk $0xffff, v18  }
0x4e: {  	v19 =	vor.u32 v5, v17;
	v18 =	vld [tilespmem:s29+$0x200];
	_ =	sdelay $0x4  }
0x4f: {  	[tilespmem:v19+s16+$0x0] =	vst.idx.msk $0xffff, v18  }
0x50: {  	v19 =	vor.u32 v6, v17;
	v18 =	vld [tilespmem:s29+$0x280];
	_ =	sdelay $0x4  }
0x51: {  	[tilespmem:v19+s16+$0x0] =	vst.idx.msk $0xffff, v18  }
0x52: {  	v19 =	vor.u32 v7, v17;
	v18 =	vld [tilespmem:s29+$0x300]  }
0x53: {  	s25 =	sadd.s32 $0x1, s25  }
0x54: {  	s30 =	sand.u32 $0x7, s25  }
0x55: {  	s30 =	sshll.u32 s30, $0x4  }
0x56: {  	s30 =	sadd.s32 s30, s23  }
0x57: {  	s30 =	sor.u32 $0x380, s30;
	[tilespmem:v19+s16+$0x0] =	vst.idx.msk $0xffff, v18  }
0x58: {  	v19 =	vor.u32 v8, v17;
	v18 =	vld [tilespmem:s30+$0x0];
	_ =	sdelay $0x4  }
0x59: {  	[tilespmem:v19+s16+$0x0] =	vst.idx.msk $0xffff, v18  }
0x5a: {  	v19 =	vor.u32 v9, v17;
	v18 =	vld [tilespmem:s29+$0x2C00];
	_ =	sdelay $0x4  }
0x5b: {  	[tilespmem:v19+s16+$0x0] =	vst.idx.msk $0xffff, v18  }
0x5c: {  	v19 =	vor.u32 v10, v17;
	v18 =	vld [tilespmem:s29+$0x2C80];
	_ =	sdelay $0x4  }
0x5d: {  	[tilespmem:v19+s16+$0x0] =	vst.idx.msk $0xffff, v18  }
0x5e: {  	v19 =	vor.u32 v11, v17;
	v18 =	vld [tilespmem:s29+$0x2D00];
	_ =	sdelay $0x4  }
0x5f: {  	[tilespmem:v19+s16+$0x0] =	vst.idx.msk $0xffff, v18  }
0x60: {  	v19 =	vor.u32 v12, v17;
	v18 =	vld [tilespmem:s29+$0x2D80];
	_ =	sdelay $0x4  }
0x61: {  	[tilespmem:v19+s16+$0x0] =	vst.idx.msk $0xffff, v18  }
0x62: {  	v19 =	vor.u32 v13, v17;
	v18 =	vld [tilespmem:s29+$0x2E00];
	_ =	sdelay $0x4  }
0x63: {  	[tilespmem:v19+s16+$0x0] =	vst.idx.msk $0xffff, v18  }
0x64: {  	v19 =	vor.u32 v14, v17;
	v18 =	vld [tilespmem:s29+$0x2E80];
	_ =	sdelay $0x4  }
0x65: {  	[tilespmem:v19+s16+$0x0] =	vst.idx.msk $0xffff, v18  }
0x66: {  	v19 =	vor.u32 v15, v17;
	v18 =	vld [tilespmem:s29+$0x2F00];
	_ =	sdelay $0x2  }
.Ltmp0:
0x67: {  	(pc) =	sbr.rel @p0 .LBB2_3-.Ltmp0, $4  }
0x68: {  	_ = 	snop  }
0x69: {  	[tilespmem:v19+s16+$0x0] =	vst.idx.msk $0xffff, v18  }
0x6a: {  	v19 =	vor.u32 v16, v17;
	v18 =	vld [tilespmem:s29+$0x2F80]  }
0x6b: {  	s28 =	sadd.s32 $0x10, s28;
	v17 =	vmov s26  }
0x6c: {  	_ = 	snop  }
0x6d: {  	v20 =	vshll.u32 v17, $0x4  }
0x6e: {  	v17 =	vshll.u32 v17, $0x5;
	s23 =	sadd.s32 $0x80, s23;
	v20 =	vor.u32 v1, v20  }
0x6f: {  	s26 =	sand.u32 $0x70, s26;
	s28 =	sand.u32 $0x3C00, s23;
	v17 =	vand.u32 $0xF800, v17;
	v20 =	vand.u32 $0x380, v20  }
0x70: {  	s26 =	sor.u32 s26, s28;
	v17 =	vor.u32 v17, v20;
	[tilespmem:v19+s16+$0x0] =	vst.idx.msk $0xffff, v18  }
0x71: {  	v18 =	vld [tilespmem:s26+$0x0];
	v19 =	vor.u32 v0, v17;
	_ =	sdelay $0x4  }
0x72: {  	[tilespmem:v19+s16+$0x0] =	vst.idx.msk $0xffff, v18  }
0x73: {  	v19 =	vor.u32 v2, v17;
	v18 =	vld [tilespmem:s26+$0x80];
	_ =	sdelay $0x4  }
0x74: {  	[tilespmem:v19+s16+$0x0] =	vst.idx.msk $0xffff, v18  }
0x75: {  	v19 =	vor.u32 v3, v17;
	v18 =	vld [tilespmem:s26+$0x100];
	_ =	sdelay $0x4  }
0x76: {  	[tilespmem:v19+s16+$0x0] =	vst.idx.msk $0xffff, v18  }
0x77: {  	v19 =	vor.u32 v4, v17;
	v18 =	vld [tilespmem:s26+$0x180];
	_ =	sdelay $0x4  }
0x78: {  	[tilespmem:v19+s16+$0x0] =	vst.idx.msk $0xffff, v18  }
0x79: {  	v19 =	vor.u32 v5, v17;
	v18 =	vld [tilespmem:s26+$0x200];
	_ =	sdelay $0x4  }
0x7a: {  	[tilespmem:v19+s16+$0x0] =	vst.idx.msk $0xffff, v18  }
0x7b: {  	v19 =	vor.u32 v6, v17;
	v18 =	vld [tilespmem:s26+$0x280];
	_ =	sdelay $0x4  }
0x7c: {  	[tilespmem:v19+s16+$0x0] =	vst.idx.msk $0xffff, v18  }
0x7d: {  	v19 =	vor.u32 v7, v17;
	v18 =	vld [tilespmem:s26+$0x300]  }
0x7e: {  	s25 =	sadd.s32 $0x1, s25  }
0x7f: {  	s25 =	sand.u32 $0x7, s25  }
0x80: {  	s25 =	sshll.u32 s25, $0x4  }
0x81: {  	s23 =	sadd.s32 s25, s23  }
0x82: {  	s23 =	sor.u32 $0x380, s23;
	[tilespmem:v19+s16+$0x0] =	vst.idx.msk $0xffff, v18  }
0x83: {  	v19 =	vor.u32 v8, v17;
	v18 =	vld [tilespmem:s23+$0x0];
	_ =	sdelay $0x4  }
0x84: {  	[tilespmem:v19+s16+$0x0] =	vst.idx.msk $0xffff, v18  }
0x85: {  	v19 =	vor.u32 v9, v17;
	v18 =	vld [tilespmem:s26+$0x2C00];
	_ =	sdelay $0x4  }
0x86: {  	[tilespmem:v19+s16+$0x0] =	vst.idx.msk $0xffff, v18  }
0x87: {  	v19 =	vor.u32 v10, v17;
	v18 =	vld [tilespmem:s26+$0x2C80];
	_ =	sdelay $0x4  }
0x88: {  	[tilespmem:v19+s16+$0x0] =	vst.idx.msk $0xffff, v18  }
0x89: {  	v19 =	vor.u32 v11, v17;
	v18 =	vld [tilespmem:s26+$0x2D00];
	_ =	sdelay $0x4  }
0x8a: {  	[tilespmem:v19+s16+$0x0] =	vst.idx.msk $0xffff, v18  }
0x8b: {  	v19 =	vor.u32 v12, v17;
	v18 =	vld [tilespmem:s26+$0x2D80];
	_ =	sdelay $0x4  }
0x8c: {  	[tilespmem:v19+s16+$0x0] =	vst.idx.msk $0xffff, v18  }
0x8d: {  	v19 =	vor.u32 v13, v17;
	v18 =	vld [tilespmem:s26+$0x2E00];
	_ =	sdelay $0x4  }
0x8e: {  	[tilespmem:v19+s16+$0x0] =	vst.idx.msk $0xffff, v18  }
0x8f: {  	v19 =	vor.u32 v14, v17;
	v18 =	vld [tilespmem:s26+$0x2E80];
	_ =	sdelay $0x4  }
0x90: {  	[tilespmem:v19+s16+$0x0] =	vst.idx.msk $0xffff, v18  }
0x91: {  	v19 =	vor.u32 v15, v17;
	v18 =	vld [tilespmem:s26+$0x2F00];
	_ =	sdelay $0x4  }
0x92: {  	[tilespmem:v19+s16+$0x0] =	vst.idx.msk $0xffff, v18  }
0x93: {  	s23 =	smul.u32 $0x18B000, s22;
	v17 =	vor.u32 v16, v17;
	v18 =	vld [tilespmem:s26+$0x2F80];
	_ =	sdelay $0x1  }
0x94: {  	s31 =	sadd.s32 s8, s23  }
0x95: {  	s25 =	sshrl.u32 s31, $0x3  }
0x96: {  	s29 =	simm.s32 $0xB800;
	s25 =	sadd.s32 s6, s25  }
0x97: {  	s28 =	simm.s32 $0x80;
	s30 =	sadd.s32 $0x0, s25;
	s26 =	simm.s32 $0xB000;
	[tilespmem:v17+s16+$0x0] =	vst.idx.msk $0xffff, v18  }
.LBB2_5:
0x98: {  	[hbm4b:s30+s3] =	stream.linear.scatter [tilespmem:s26], [sflag:$0x3], $0x400, $0x38;
	[tilespmem:$0x1F000] =	vst v63  }
0x99: {  	s30 =	smov.u32 s28;
	s26 =	smov.u32 s29;
	p0 =	sne.s32 s28, $0x980  }
.Ltmp1:
0x9a: {  	s28 =	sadd.s32 $0x80, s28;
	(pc) =	sbr.rel @p0 .LBB2_5-.Ltmp1, $2  }
0x9b: {  	_ =	sdelay $0x2  }
0x9c: {  	s29 =	sadd.s32 $0x800, s29;
	s30 =	sadd.s32 s30, s25  }
0x9d: {  	[hbm4b:s30+s3] =	stream.linear.scatter [tilespmem:s26], [sflag:$0x3], $0x400, $0x38;
	[tilespmem:$0x1F000] =	vst v63  }
0x9e: {  	s24 =	sadd.s32 s7, s24  }
0x9f: {  	s24 =	sshrl.u32 s24, $0x3  }
0xa0: {  	s25 =	sadd.s32 s2, s24;
	s24 =	simm.s32 $0x0  }
0xa1: {  	[tilespmem:s24], [sflag:$0x1] =	stream.linear.gather [hbm4b:s25+s24], $0x2800, $0x38;
	[tilespmem:$0x1F000] =	vst v63  }
0xa2: {  	s25 =	sadd.s32 $0x18700, s25;
	v17 =	vmov s24  }
0xa3: {  	v18 =	vshll.u32 v17, $0x4;
	[tilespmem:s12], [sflag:$0x1] =	stream.linear.gather [hbm4b:s25+s24], $0x2800, $0x38;
	[tilespmem:$0x1F000] =	vst v63  }
0xa4: {  	v17 =	vshll.u32 v17, $0x5;
	v18 =	vor.u32 v1, v18;
	_ =	swait.ge [sflag:s17], $0x5000  }
0xa5: {  	s29 =	sand.u32 $0x70, s24;
	s30 =	sand.u32 $0x3C00, s24;
	v17 =	vand.u32 $0xF800, v17;
	v18 =	vand.u32 $0x380, v18;
	[sflag:s17] =	ssyncset.done $0x0  }
0xa6: {  	s25 =	sor.u32 s29, s30;
	v17 =	vor.u32 v17, v18;
	[sflag:s17] =	ssyncadd.s32 $0xFFFFB000  }
0xa7: {  	v19 =	vor.u32 v0, v17;
	v18 =	vld [tilespmem:s25+$0x5800];
	_ =	sdelay $0x4  }
0xa8: {  	[tilespmem:v19+s18+$0x0] =	vst.idx.msk $0xffff, v18  }
0xa9: {  	v19 =	vor.u32 v2, v17;
	v18 =	vld [tilespmem:s25+$0x5880];
	_ =	sdelay $0x4  }
0xaa: {  	[tilespmem:v19+s18+$0x0] =	vst.idx.msk $0xffff, v18  }
0xab: {  	v19 =	vor.u32 v3, v17;
	v18 =	vld [tilespmem:s25+$0x5900];
	_ =	sdelay $0x4  }
0xac: {  	[tilespmem:v19+s18+$0x0] =	vst.idx.msk $0xffff, v18  }
0xad: {  	v19 =	vor.u32 v4, v17;
	v18 =	vld [tilespmem:s25+$0x5980];
	_ =	sdelay $0x4  }
0xae: {  	[tilespmem:v19+s18+$0x0] =	vst.idx.msk $0xffff, v18  }
0xaf: {  	v19 =	vor.u32 v5, v17;
	v18 =	vld [tilespmem:s25+$0x5A00];
	_ =	sdelay $0x4  }
0xb0: {  	[tilespmem:v19+s18+$0x0] =	vst.idx.msk $0xffff, v18  }
0xb1: {  	v19 =	vor.u32 v6, v17;
	v18 =	vld [tilespmem:s25+$0x5A80];
	_ =	sdelay $0x4  }
0xb2: {  	[tilespmem:v19+s18+$0x0] =	vst.idx.msk $0xffff, v18  }
0xb3: {  	v19 =	vor.u32 v7, v17;
	v18 =	vld [tilespmem:s25+$0x5B00];
	_ =	sdelay $0x1  }
0xb4: {  	s31 =	sand.u32 $0x7, s24  }
0xb5: {  	s26 =	sshll.u32 s31, $0x4  }
0xb6: {  	s26 =	sadd.s32 $0x0, s26  }
0xb7: {  	s26 =	sor.u32 $0x380, s26;
	[tilespmem:v19+s18+$0x0] =	vst.idx.msk $0xffff, v18  }
0xb8: {  	v19 =	vor.u32 v8, v17;
	v18 =	vld [tilespmem:s26+$0x5800];
	_ =	sdelay $0x4  }
0xb9: {  	[tilespmem:v19+s18+$0x0] =	vst.idx.msk $0xffff, v18  }
0xba: {  	v19 =	vor.u32 v9, v17;
	v18 =	vld [tilespmem:s25+$0x8400];
	_ =	sdelay $0x4  }
0xbb: {  	[tilespmem:v19+s18+$0x0] =	vst.idx.msk $0xffff, v18  }
0xbc: {  	v19 =	vor.u32 v10, v17;
	v18 =	vld [tilespmem:s25+$0x8480];
	_ =	sdelay $0x4  }
0xbd: {  	[tilespmem:v19+s18+$0x0] =	vst.idx.msk $0xffff, v18  }
0xbe: {  	v19 =	vor.u32 v11, v17;
	v18 =	vld [tilespmem:s25+$0x8500];
	_ =	sdelay $0x4  }
0xbf: {  	[tilespmem:v19+s18+$0x0] =	vst.idx.msk $0xffff, v18  }
0xc0: {  	v19 =	vor.u32 v12, v17;
	v18 =	vld [tilespmem:s25+$0x8580];
	_ =	sdelay $0x4  }
0xc1: {  	[tilespmem:v19+s18+$0x0] =	vst.idx.msk $0xffff, v18  }
0xc2: {  	v19 =	vor.u32 v13, v17;
	v18 =	vld [tilespmem:s25+$0x8600];
	_ =	sdelay $0x4  }
0xc3: {  	[tilespmem:v19+s18+$0x0] =	vst.idx.msk $0xffff, v18  }
0xc4: {  	v19 =	vor.u32 v14, v17;
	v18 =	vld [tilespmem:s25+$0x8680];
	_ =	sdelay $0x4  }
0xc5: {  	[tilespmem:v19+s18+$0x0] =	vst.idx.msk $0xffff, v18  }
0xc6: {  	v19 =	vor.u32 v15, v17;
	v18 =	vld [tilespmem:s25+$0x8700];
	_ =	sdelay $0x4  }
0xc7: {  	[tilespmem:v19+s18+$0x0] =	vst.idx.msk $0xffff, v18  }
0xc8: {  	s26 =	simm.s32 $0x10;
	v19 =	vor.u32 v16, v17;
	v18 =	vld [tilespmem:s25+$0x8780]  }
0xc9: {  	s28 =	simm.s32 $0x20;
	v17 =	vmov s26;
	s25 =	simm.s32 $0x0  }
.LBB2_7:
0xca: {  	p0 =	sne.s32 s28, $0x4F0;
	v20 =	vshll.u32 v17, $0x4  }
0xcb: {  	v17 =	vshll.u32 v17, $0x5;
	s24 =	sadd.s32 $0x80, s24;
	v20 =	vor.u32 v1, v20  }
0xcc: {  	s29 =	sand.u32 $0x70, s26;
	s26 =	smov.u32 s28;
	s30 =	sand.u32 $0x3C00, s24;
	v17 =	vand.u32 $0xF800, v17;
	v20 =	vand.u32 $0x380, v20  }
0xcd: {  	s29 =	sor.u32 s29, s30;
	v17 =	vor.u32 v17, v20;
	[tilespmem:v19+s18+$0x0] =	vst.idx.msk $0xffff, v18  }
0xce: {  	v18 =	vld [tilespmem:s29+$0x5800];
	v19 =	vor.u32 v0, v17;
	_ =	sdelay $0x4  }
0xcf: {  	[tilespmem:v19+s18+$0x0] =	vst.idx.msk $0xffff, v18  }
0xd0: {  	v19 =	vor.u32 v2, v17;
	v18 =	vld [tilespmem:s29+$0x5880];
	_ =	sdelay $0x4  }
0xd1: {  	[tilespmem:v19+s18+$0x0] =	vst.idx.msk $0xffff, v18  }
0xd2: {  	v19 =	vor.u32 v3, v17;
	v18 =	vld [tilespmem:s29+$0x5900];
	_ =	sdelay $0x4  }
0xd3: {  	[tilespmem:v19+s18+$0x0] =	vst.idx.msk $0xffff, v18  }
0xd4: {  	v19 =	vor.u32 v4, v17;
	v18 =	vld [tilespmem:s29+$0x5980];
	_ =	sdelay $0x4  }
0xd5: {  	[tilespmem:v19+s18+$0x0] =	vst.idx.msk $0xffff, v18  }
0xd6: {  	v19 =	vor.u32 v5, v17;
	v18 =	vld [tilespmem:s29+$0x5A00];
	_ =	sdelay $0x4  }
0xd7: {  	[tilespmem:v19+s18+$0x0] =	vst.idx.msk $0xffff, v18  }
0xd8: {  	v19 =	vor.u32 v6, v17;
	v18 =	vld [tilespmem:s29+$0x5A80];
	_ =	sdelay $0x4  }
0xd9: {  	[tilespmem:v19+s18+$0x0] =	vst.idx.msk $0xffff, v18  }
0xda: {  	v19 =	vor.u32 v7, v17;
	v18 =	vld [tilespmem:s29+$0x5B00]  }
0xdb: {  	s25 =	sadd.s32 $0x1, s25  }
0xdc: {  	s30 =	sand.u32 $0x7, s25  }
0xdd: {  	s30 =	sshll.u32 s30, $0x4  }
0xde: {  	s30 =	sadd.s32 s30, s24  }
0xdf: {  	s30 =	sor.u32 $0x380, s30;
	[tilespmem:v19+s18+$0x0] =	vst.idx.msk $0xffff, v18  }
0xe0: {  	v19 =	vor.u32 v8, v17;
	v18 =	vld [tilespmem:s30+$0x5800];
	_ =	sdelay $0x4  }
0xe1: {  	[tilespmem:v19+s18+$0x0] =	vst.idx.msk $0xffff, v18  }
0xe2: {  	v19 =	vor.u32 v9, v17;
	v18 =	vld [tilespmem:s29+$0x8400];
	_ =	sdelay $0x4  }
0xe3: {  	[tilespmem:v19+s18+$0x0] =	vst.idx.msk $0xffff, v18  }
0xe4: {  	v19 =	vor.u32 v10, v17;
	v18 =	vld [tilespmem:s29+$0x8480];
	_ =	sdelay $0x4  }
0xe5: {  	[tilespmem:v19+s18+$0x0] =	vst.idx.msk $0xffff, v18  }
0xe6: {  	v19 =	vor.u32 v11, v17;
	v18 =	vld [tilespmem:s29+$0x8500];
	_ =	sdelay $0x4  }
0xe7: {  	[tilespmem:v19+s18+$0x0] =	vst.idx.msk $0xffff, v18  }
0xe8: {  	v19 =	vor.u32 v12, v17;
	v18 =	vld [tilespmem:s29+$0x8580];
	_ =	sdelay $0x4  }
0xe9: {  	[tilespmem:v19+s18+$0x0] =	vst.idx.msk $0xffff, v18  }
0xea: {  	v19 =	vor.u32 v13, v17;
	v18 =	vld [tilespmem:s29+$0x8600];
	_ =	sdelay $0x4  }
0xeb: {  	[tilespmem:v19+s18+$0x0] =	vst.idx.msk $0xffff, v18  }
0xec: {  	v19 =	vor.u32 v14, v17;
	v18 =	vld [tilespmem:s29+$0x8680];
	_ =	sdelay $0x4  }
0xed: {  	[tilespmem:v19+s18+$0x0] =	vst.idx.msk $0xffff, v18  }
0xee: {  	v19 =	vor.u32 v15, v17;
	v18 =	vld [tilespmem:s29+$0x8700];
	_ =	sdelay $0x2  }
.Ltmp2:
0xef: {  	(pc) =	sbr.rel @p0 .LBB2_7-.Ltmp2, $4  }
0xf0: {  	_ = 	snop  }
0xf1: {  	[tilespmem:v19+s18+$0x0] =	vst.idx.msk $0xffff, v18  }
0xf2: {  	v19 =	vor.u32 v16, v17;
	v18 =	vld [tilespmem:s29+$0x8780]  }
0xf3: {  	s28 =	sadd.s32 $0x10, s28;
	v17 =	vmov s26  }
0xf4: {  	_ = 	snop  }
0xf5: {  	v20 =	vshll.u32 v17, $0x4  }
0xf6: {  	v17 =	vshll.u32 v17, $0x5;
	s24 =	sadd.s32 $0x80, s24;
	v20 =	vor.u32 v1, v20  }
0xf7: {  	s26 =	sand.u32 $0x70, s26;
	s28 =	sand.u32 $0x3C00, s24;
	v17 =	vand.u32 $0xF800, v17;
	v20 =	vand.u32 $0x380, v20  }
0xf8: {  	s26 =	sor.u32 s26, s28;
	v17 =	vor.u32 v17, v20;
	[tilespmem:v19+s18+$0x0] =	vst.idx.msk $0xffff, v18  }
0xf9: {  	v18 =	vld [tilespmem:s26+$0x5800];
	v19 =	vor.u32 v0, v17;
	_ =	sdelay $0x4  }
0xfa: {  	[tilespmem:v19+s18+$0x0] =	vst.idx.msk $0xffff, v18  }
0xfb: {  	v19 =	vor.u32 v2, v17;
	v18 =	vld [tilespmem:s26+$0x5880];
	_ =	sdelay $0x4  }
0xfc: {  	[tilespmem:v19+s18+$0x0] =	vst.idx.msk $0xffff, v18  }
0xfd: {  	v19 =	vor.u32 v3, v17;
	v18 =	vld [tilespmem:s26+$0x5900];
	_ =	sdelay $0x4  }
0xfe: {  	[tilespmem:v19+s18+$0x0] =	vst.idx.msk $0xffff, v18  }
0xff: {  	v19 =	vor.u32 v4, v17;
	v18 =	vld [tilespmem:s26+$0x5980];
	_ =	sdelay $0x4  }
0x100: {  	[tilespmem:v19+s18+$0x0] =	vst.idx.msk $0xffff, v18  }
0x101: {  	v19 =	vor.u32 v5, v17;
	v18 =	vld [tilespmem:s26+$0x5A00];
	_ =	sdelay $0x4  }
0x102: {  	[tilespmem:v19+s18+$0x0] =	vst.idx.msk $0xffff, v18  }
0x103: {  	v19 =	vor.u32 v6, v17;
	v18 =	vld [tilespmem:s26+$0x5A80];
	_ =	sdelay $0x4  }
0x104: {  	[tilespmem:v19+s18+$0x0] =	vst.idx.msk $0xffff, v18  }
0x105: {  	v19 =	vor.u32 v7, v17;
	v18 =	vld [tilespmem:s26+$0x5B00]  }
0x106: {  	s25 =	sadd.s32 $0x1, s25  }
0x107: {  	s25 =	sand.u32 $0x7, s25  }
0x108: {  	s25 =	sshll.u32 s25, $0x4  }
0x109: {  	s24 =	sadd.s32 s25, s24  }
0x10a: {  	s24 =	sor.u32 $0x380, s24;
	[tilespmem:v19+s18+$0x0] =	vst.idx.msk $0xffff, v18  }
0x10b: {  	v19 =	vor.u32 v8, v17;
	v18 =	vld [tilespmem:s24+$0x5800];
	_ =	sdelay $0x4  }
0x10c: {  	[tilespmem:v19+s18+$0x0] =	vst.idx.msk $0xffff, v18  }
0x10d: {  	v19 =	vor.u32 v9, v17;
	v18 =	vld [tilespmem:s26+$0x8400];
	_ =	sdelay $0x4  }
0x10e: {  	[tilespmem:v19+s18+$0x0] =	vst.idx.msk $0xffff, v18  }
0x10f: {  	v19 =	vor.u32 v10, v17;
	v18 =	vld [tilespmem:s26+$0x8480];
	_ =	sdelay $0x4  }
0x110: {  	[tilespmem:v19+s18+$0x0] =	vst.idx.msk $0xffff, v18  }
0x111: {  	v19 =	vor.u32 v11, v17;
	v18 =	vld [tilespmem:s26+$0x8500];
	_ =	sdelay $0x4  }
0x112: {  	[tilespmem:v19+s18+$0x0] =	vst.idx.msk $0xffff, v18  }
0x113: {  	v19 =	vor.u32 v12, v17;
	v18 =	vld [tilespmem:s26+$0x8580];
	_ =	sdelay $0x4  }
0x114: {  	[tilespmem:v19+s18+$0x0] =	vst.idx.msk $0xffff, v18  }
0x115: {  	v19 =	vor.u32 v13, v17;
	v18 =	vld [tilespmem:s26+$0x8600];
	_ =	sdelay $0x4  }
0x116: {  	[tilespmem:v19+s18+$0x0] =	vst.idx.msk $0xffff, v18  }
0x117: {  	v19 =	vor.u32 v14, v17;
	v18 =	vld [tilespmem:s26+$0x8680];
	_ =	sdelay $0x4  }
0x118: {  	[tilespmem:v19+s18+$0x0] =	vst.idx.msk $0xffff, v18  }
0x119: {  	v19 =	vor.u32 v15, v17;
	v18 =	vld [tilespmem:s26+$0x8700];
	_ =	sdelay $0x4  }
0x11a: {  	[tilespmem:v19+s18+$0x0] =	vst.idx.msk $0xffff, v18  }
0x11b: {  	v17 =	vor.u32 v16, v17;
	v18 =	vld [tilespmem:s26+$0x8780];
	_ =	sdelay $0x1  }
0x11c: {  	s31 =	sadd.s32 s9, s23  }
0x11d: {  	s24 =	sshrl.u32 s31, $0x3  }
0x11e: {  	s28 =	simm.s32 $0x15800;
	s24 =	sadd.s32 s6, s24  }
0x11f: {  	s25 =	simm.s32 $0x15000;
	s29 =	sadd.s32 $0x0, s24;
	s26 =	simm.s32 $0x80;
	[tilespmem:v17+s18+$0x0] =	vst.idx.msk $0xffff, v18  }
.LBB2_9:
0x120: {  	[hbm4b:s29+s3] =	stream.linear.scatter [tilespmem:s25], [sflag:$0x4], $0x400, $0x38;
	[tilespmem:$0x1F000] =	vst v63  }
0x121: {  	s29 =	smov.u32 s26;
	s25 =	smov.u32 s28;
	p0 =	sne.s32 s26, $0x980  }
.Ltmp3:
0x122: {  	s26 =	sadd.s32 $0x80, s26;
	(pc) =	sbr.rel @p0 .LBB2_9-.Ltmp3, $2  }
0x123: {  	_ =	sdelay $0x2  }
0x124: {  	s28 =	sadd.s32 $0x800, s28;
	s29 =	sadd.s32 s29, s24  }
0x125: {  	[hbm4b:s29+s3] =	stream.linear.scatter [tilespmem:s25], [sflag:$0x4], $0x400, $0x38;
	[tilespmem:$0x1F000] =	vst v63  }
0x126: {  	s24 =	simm.s32 $0x0;
	_ =	swait.ge [sflag:s15], $0x5000  }
0x127: {  	v17 =	vmov s24;
	[sflag:s15] =	ssyncset.done $0x0  }
0x128: {  	v18 =	vshll.u32 v17, $0x4;
	[sflag:s15] =	ssyncadd.s32 $0xFFFFB000  }
0x129: {  	v17 =	vshll.u32 v17, $0x5;
	v18 =	vor.u32 v1, v18;
	_ =	swait.ge [sflag:s19], $0x5000  }
0x12a: {  	s30 =	sand.u32 $0x70, s24;
	s26 =	sand.u32 $0x3C00, s24;
	v17 =	vand.u32 $0xF800, v17;
	v18 =	vand.u32 $0x380, v18;
	[sflag:s19] =	ssyncset.done $0x0  }
0x12b: {  	s25 =	sor.u32 s30, s26;
	v17 =	vor.u32 v17, v18;
	[sflag:s19] =	ssyncadd.s32 $0xFFFFB000  }
0x12c: {  	v19 =	vor.u32 v0, v17;
	v18 =	vld [tilespmem:s25+$0x0];
	_ =	sdelay $0x4  }
0x12d: {  	[tilespmem:v19+s16+$0x0] =	vst.idx.msk $0xffff, v18  }
0x12e: {  	v19 =	vor.u32 v2, v17;
	v18 =	vld [tilespmem:s25+$0x80];
	_ =	sdelay $0x4  }
0x12f: {  	[tilespmem:v19+s16+$0x0] =	vst.idx.msk $0xffff, v18  }
0x130: {  	v19 =	vor.u32 v3, v17;
	v18 =	vld [tilespmem:s25+$0x100];
	_ =	sdelay $0x4  }
0x131: {  	[tilespmem:v19+s16+$0x0] =	vst.idx.msk $0xffff, v18  }
0x132: {  	v19 =	vor.u32 v4, v17;
	v18 =	vld [tilespmem:s25+$0x180];
	_ =	sdelay $0x4  }
0x133: {  	[tilespmem:v19+s16+$0x0] =	vst.idx.msk $0xffff, v18  }
0x134: {  	v19 =	vor.u32 v5, v17;
	v18 =	vld [tilespmem:s25+$0x200];
	_ =	sdelay $0x4  }
0x135: {  	[tilespmem:v19+s16+$0x0] =	vst.idx.msk $0xffff, v18  }
0x136: {  	v19 =	vor.u32 v6, v17;
	v18 =	vld [tilespmem:s25+$0x280];
	_ =	sdelay $0x4  }
0x137: {  	[tilespmem:v19+s16+$0x0] =	vst.idx.msk $0xffff, v18  }
0x138: {  	v19 =	vor.u32 v7, v17;
	v18 =	vld [tilespmem:s25+$0x300];
	_ =	sdelay $0x1  }
0x139: {  	s31 =	sand.u32 $0x7, s24  }
0x13a: {  	s26 =	sshll.u32 s31, $0x4  }
0x13b: {  	s26 =	sadd.s32 $0x0, s26  }
0x13c: {  	s26 =	sor.u32 $0x380, s26;
	[tilespmem:v19+s16+$0x0] =	vst.idx.msk $0xffff, v18  }
0x13d: {  	v19 =	vor.u32 v8, v17;
	v18 =	vld [tilespmem:s26+$0x0];
	_ =	sdelay $0x4  }
0x13e: {  	[tilespmem:v19+s16+$0x0] =	vst.idx.msk $0xffff, v18  }
0x13f: {  	v19 =	vor.u32 v9, v17;
	v18 =	vld [tilespmem:s25+$0x2C00];
	_ =	sdelay $0x4  }
0x140: {  	[tilespmem:v19+s16+$0x0] =	vst.idx.msk $0xffff, v18  }
0x141: {  	v19 =	vor.u32 v10, v17;
	v18 =	vld [tilespmem:s25+$0x2C80];
	_ =	sdelay $0x4  }
0x142: {  	[tilespmem:v19+s16+$0x0] =	vst.idx.msk $0xffff, v18  }
0x143: {  	v19 =	vor.u32 v11, v17;
	v18 =	vld [tilespmem:s25+$0x2D00];
	_ =	sdelay $0x4  }
0x144: {  	[tilespmem:v19+s16+$0x0] =	vst.idx.msk $0xffff, v18  }
0x145: {  	v19 =	vor.u32 v12, v17;
	v18 =	vld [tilespmem:s25+$0x2D80];
	_ =	sdelay $0x4  }
0x146: {  	[tilespmem:v19+s16+$0x0] =	vst.idx.msk $0xffff, v18  }
0x147: {  	v19 =	vor.u32 v13, v17;
	v18 =	vld [tilespmem:s25+$0x2E00];
	_ =	sdelay $0x4  }
0x148: {  	[tilespmem:v19+s16+$0x0] =	vst.idx.msk $0xffff, v18  }
0x149: {  	v19 =	vor.u32 v14, v17;
	v18 =	vld [tilespmem:s25+$0x2E80];
	_ =	sdelay $0x4  }
0x14a: {  	[tilespmem:v19+s16+$0x0] =	vst.idx.msk $0xffff, v18  }
0x14b: {  	v19 =	vor.u32 v15, v17;
	v18 =	vld [tilespmem:s25+$0x2F00];
	_ =	sdelay $0x4  }
0x14c: {  	[tilespmem:v19+s16+$0x0] =	vst.idx.msk $0xffff, v18  }
0x14d: {  	s26 =	simm.s32 $0x10;
	v19 =	vor.u32 v16, v17;
	v18 =	vld [tilespmem:s25+$0x2F80]  }
0x14e: {  	s28 =	simm.s32 $0x20;
	v17 =	vmov s26;
	s25 =	simm.s32 $0x0  }
.LBB2_11:
0x14f: {  	p0 =	sne.s32 s28, $0x4F0;
	v20 =	vshll.u32 v17, $0x4  }
0x150: {  	v17 =	vshll.u32 v17, $0x5;
	s24 =	sadd.s32 $0x80, s24;
	v20 =	vor.u32 v1, v20  }
0x151: {  	s29 =	sand.u32 $0x70, s26;
	s26 =	smov.u32 s28;
	s30 =	sand.u32 $0x3C00, s24;
	v17 =	vand.u32 $0xF800, v17;
	v20 =	vand.u32 $0x380, v20  }
0x152: {  	s29 =	sor.u32 s29, s30;
	v17 =	vor.u32 v17, v20;
	[tilespmem:v19+s16+$0x0] =	vst.idx.msk $0xffff, v18  }
0x153: {  	v18 =	vld [tilespmem:s29+$0x0];
	v19 =	vor.u32 v0, v17;
	_ =	sdelay $0x4  }
0x154: {  	[tilespmem:v19+s16+$0x0] =	vst.idx.msk $0xffff, v18  }
0x155: {  	v19 =	vor.u32 v2, v17;
	v18 =	vld [tilespmem:s29+$0x80];
	_ =	sdelay $0x4  }
0x156: {  	[tilespmem:v19+s16+$0x0] =	vst.idx.msk $0xffff, v18  }
0x157: {  	v19 =	vor.u32 v3, v17;
	v18 =	vld [tilespmem:s29+$0x100];
	_ =	sdelay $0x4  }
0x158: {  	[tilespmem:v19+s16+$0x0] =	vst.idx.msk $0xffff, v18  }
0x159: {  	v19 =	vor.u32 v4, v17;
	v18 =	vld [tilespmem:s29+$0x180];
	_ =	sdelay $0x4  }
0x15a: {  	[tilespmem:v19+s16+$0x0] =	vst.idx.msk $0xffff, v18  }
0x15b: {  	v19 =	vor.u32 v5, v17;
	v18 =	vld [tilespmem:s29+$0x200];
	_ =	sdelay $0x4  }
0x15c: {  	[tilespmem:v19+s16+$0x0] =	vst.idx.msk $0xffff, v18  }
0x15d: {  	v19 =	vor.u32 v6, v17;
	v18 =	vld [tilespmem:s29+$0x280];
	_ =	sdelay $0x4  }
0x15e: {  	[tilespmem:v19+s16+$0x0] =	vst.idx.msk $0xffff, v18  }
0x15f: {  	v19 =	vor.u32 v7, v17;
	v18 =	vld [tilespmem:s29+$0x300]  }
0x160: {  	s25 =	sadd.s32 $0x1, s25  }
0x161: {  	s30 =	sand.u32 $0x7, s25  }
0x162: {  	s30 =	sshll.u32 s30, $0x4  }
0x163: {  	s30 =	sadd.s32 s30, s24  }
0x164: {  	s30 =	sor.u32 $0x380, s30;
	[tilespmem:v19+s16+$0x0] =	vst.idx.msk $0xffff, v18  }
0x165: {  	v19 =	vor.u32 v8, v17;
	v18 =	vld [tilespmem:s30+$0x0];
	_ =	sdelay $0x4  }
0x166: {  	[tilespmem:v19+s16+$0x0] =	vst.idx.msk $0xffff, v18  }
0x167: {  	v19 =	vor.u32 v9, v17;
	v18 =	vld [tilespmem:s29+$0x2C00];
	_ =	sdelay $0x4  }
0x168: {  	[tilespmem:v19+s16+$0x0] =	vst.idx.msk $0xffff, v18  }
0x169: {  	v19 =	vor.u32 v10, v17;
	v18 =	vld [tilespmem:s29+$0x2C80];
	_ =	sdelay $0x4  }
0x16a: {  	[tilespmem:v19+s16+$0x0] =	vst.idx.msk $0xffff, v18  }
0x16b: {  	v19 =	vor.u32 v11, v17;
	v18 =	vld [tilespmem:s29+$0x2D00];
	_ =	sdelay $0x4  }
0x16c: {  	[tilespmem:v19+s16+$0x0] =	vst.idx.msk $0xffff, v18  }
0x16d: {  	v19 =	vor.u32 v12, v17;
	v18 =	vld [tilespmem:s29+$0x2D80];
	_ =	sdelay $0x4  }
0x16e: {  	[tilespmem:v19+s16+$0x0] =	vst.idx.msk $0xffff, v18  }
0x16f: {  	v19 =	vor.u32 v13, v17;
	v18 =	vld [tilespmem:s29+$0x2E00];
	_ =	sdelay $0x4  }
0x170: {  	[tilespmem:v19+s16+$0x0] =	vst.idx.msk $0xffff, v18  }
0x171: {  	v19 =	vor.u32 v14, v17;
	v18 =	vld [tilespmem:s29+$0x2E80];
	_ =	sdelay $0x4  }
0x172: {  	[tilespmem:v19+s16+$0x0] =	vst.idx.msk $0xffff, v18  }
0x173: {  	v19 =	vor.u32 v15, v17;
	v18 =	vld [tilespmem:s29+$0x2F00];
	_ =	sdelay $0x2  }
.Ltmp4:
0x174: {  	(pc) =	sbr.rel @p0 .LBB2_11-.Ltmp4, $4  }
0x175: {  	_ = 	snop  }
0x176: {  	[tilespmem:v19+s16+$0x0] =	vst.idx.msk $0xffff, v18  }
0x177: {  	v19 =	vor.u32 v16, v17;
	v18 =	vld [tilespmem:s29+$0x2F80]  }
0x178: {  	s28 =	sadd.s32 $0x10, s28;
	v17 =	vmov s26  }
0x179: {  	_ = 	snop  }
0x17a: {  	v20 =	vshll.u32 v17, $0x4  }
0x17b: {  	v17 =	vshll.u32 v17, $0x5;
	s24 =	sadd.s32 $0x80, s24;
	v20 =	vor.u32 v1, v20  }
0x17c: {  	s26 =	sand.u32 $0x70, s26;
	s28 =	sand.u32 $0x3C00, s24;
	v17 =	vand.u32 $0xF800, v17;
	v20 =	vand.u32 $0x380, v20  }
0x17d: {  	s26 =	sor.u32 s26, s28;
	v17 =	vor.u32 v17, v20;
	[tilespmem:v19+s16+$0x0] =	vst.idx.msk $0xffff, v18  }
0x17e: {  	v18 =	vld [tilespmem:s26+$0x0];
	v19 =	vor.u32 v0, v17;
	_ =	sdelay $0x4  }
0x17f: {  	[tilespmem:v19+s16+$0x0] =	vst.idx.msk $0xffff, v18  }
0x180: {  	v19 =	vor.u32 v2, v17;
	v18 =	vld [tilespmem:s26+$0x80];
	_ =	sdelay $0x4  }
0x181: {  	[tilespmem:v19+s16+$0x0] =	vst.idx.msk $0xffff, v18  }
0x182: {  	v19 =	vor.u32 v3, v17;
	v18 =	vld [tilespmem:s26+$0x100];
	_ =	sdelay $0x4  }
0x183: {  	[tilespmem:v19+s16+$0x0] =	vst.idx.msk $0xffff, v18  }
0x184: {  	v19 =	vor.u32 v4, v17;
	v18 =	vld [tilespmem:s26+$0x180];
	_ =	sdelay $0x4  }
0x185: {  	[tilespmem:v19+s16+$0x0] =	vst.idx.msk $0xffff, v18  }
0x186: {  	v19 =	vor.u32 v5, v17;
	v18 =	vld [tilespmem:s26+$0x200];
	_ =	sdelay $0x4  }
0x187: {  	[tilespmem:v19+s16+$0x0] =	vst.idx.msk $0xffff, v18  }
0x188: {  	v19 =	vor.u32 v6, v17;
	v18 =	vld [tilespmem:s26+$0x280];
	_ =	sdelay $0x4  }
0x189: {  	[tilespmem:v19+s16+$0x0] =	vst.idx.msk $0xffff, v18  }
0x18a: {  	v19 =	vor.u32 v7, v17;
	v18 =	vld [tilespmem:s26+$0x300]  }
0x18b: {  	s25 =	sadd.s32 $0x1, s25  }
0x18c: {  	s25 =	sand.u32 $0x7, s25  }
0x18d: {  	s25 =	sshll.u32 s25, $0x4  }
0x18e: {  	s24 =	sadd.s32 s25, s24  }
0x18f: {  	s24 =	sor.u32 $0x380, s24;
	[tilespmem:v19+s16+$0x0] =	vst.idx.msk $0xffff, v18  }
0x190: {  	v19 =	vor.u32 v8, v17;
	v18 =	vld [tilespmem:s24+$0x0];
	_ =	sdelay $0x4  }
0x191: {  	[tilespmem:v19+s16+$0x0] =	vst.idx.msk $0xffff, v18  }
0x192: {  	v19 =	vor.u32 v9, v17;
	v18 =	vld [tilespmem:s26+$0x2C00];
	_ =	sdelay $0x4  }
0x193: {  	[tilespmem:v19+s16+$0x0] =	vst.idx.msk $0xffff, v18  }
0x194: {  	v19 =	vor.u32 v10, v17;
	v18 =	vld [tilespmem:s26+$0x2C80];
	_ =	sdelay $0x4  }
0x195: {  	[tilespmem:v19+s16+$0x0] =	vst.idx.msk $0xffff, v18  }
0x196: {  	v19 =	vor.u32 v11, v17;
	v18 =	vld [tilespmem:s26+$0x2D00];
	_ =	sdelay $0x4  }
0x197: {  	[tilespmem:v19+s16+$0x0] =	vst.idx.msk $0xffff, v18  }
0x198: {  	v19 =	vor.u32 v12, v17;
	v18 =	vld [tilespmem:s26+$0x2D80];
	_ =	sdelay $0x4  }
0x199: {  	[tilespmem:v19+s16+$0x0] =	vst.idx.msk $0xffff, v18  }
0x19a: {  	v19 =	vor.u32 v13, v17;
	v18 =	vld [tilespmem:s26+$0x2E00];
	_ =	sdelay $0x4  }
0x19b: {  	[tilespmem:v19+s16+$0x0] =	vst.idx.msk $0xffff, v18  }
0x19c: {  	v19 =	vor.u32 v14, v17;
	v18 =	vld [tilespmem:s26+$0x2E80];
	_ =	sdelay $0x4  }
0x19d: {  	[tilespmem:v19+s16+$0x0] =	vst.idx.msk $0xffff, v18  }
0x19e: {  	v19 =	vor.u32 v15, v17;
	v18 =	vld [tilespmem:s26+$0x2F00];
	_ =	sdelay $0x4  }
0x19f: {  	[tilespmem:v19+s16+$0x0] =	vst.idx.msk $0xffff, v18  }
0x1a0: {  	v17 =	vor.u32 v16, v17;
	v18 =	vld [tilespmem:s26+$0x2F80];
	_ =	sdelay $0x1  }
0x1a1: {  	s23 =	sadd.s32 s10, s23  }
0x1a2: {  	s23 =	sshrl.u32 s23, $0x3  }
0x1a3: {  	s23 =	sadd.s32 s6, s23;
	s25 =	simm.s32 $0x80  }
0x1a4: {  	s28 =	sadd.s32 $0x0, s23;
	s24 =	simm.s32 $0xB000;
	s26 =	simm.s32 $0xB800;
	[tilespmem:v17+s16+$0x0] =	vst.idx.msk $0xffff, v18  }
.LBB2_13:
0x1a5: {  	[hbm4b:s28+s3] =	stream.linear.scatter [tilespmem:s24], [sflag:$0x3], $0x400, $0x38;
	[tilespmem:$0x1F000] =	vst v63  }
0x1a6: {  	s28 =	smov.u32 s25;
	s24 =	smov.u32 s26;
	p0 =	sne.s32 s25, $0x980  }
.Ltmp5:
0x1a7: {  	s25 =	sadd.s32 $0x80, s25;
	(pc) =	sbr.rel @p0 .LBB2_13-.Ltmp5, $2  }
0x1a8: {  	_ =	sdelay $0x2  }
0x1a9: {  	s26 =	sadd.s32 $0x800, s26;
	s28 =	sadd.s32 s28, s23  }
0x1aa: {  	[hbm4b:s28+s3] =	stream.linear.scatter [tilespmem:s24], [sflag:$0x3], $0x400, $0x38;
	[tilespmem:$0x1F000] =	vst v63  }
0x1ab: {  	s22 =	sadd.s32 $0x1, s22  }
0x1ac: {  	_ =	swait.ge [sflag:s20], $0x5000;
	p0 =	sne.s32 s22, $0x1A  }
.Ltmp6:
0x1ad: {  	[sflag:s20] =	ssyncset.done $0x0;
	(pc) =	sbr.rel @p0 .LBB2_2-.Ltmp6, $4  }
0x1ae: {  	[sflag:s20] =	ssyncadd.s32 $0xFFFFB000  }
0x1af: {  	_ =	swait.ge [sflag:s19], $0x5000  }
0x1b0: {  	[sflag:s19] =	ssyncset.done $0x0  }
0x1b1: {  	[sflag:s19] =	ssyncadd.s32 $0xFFFFB000  }
0x1b2: {  	s21 =	sadd.s32 $0x1, s21  }
0x1b3: {  	p0 =	sne.s32 s21, s11  }
.Ltmp7:
0x1b4: {  	_ = 	snop;
	(pc) =	sbr.rel @p0 .LBB2_1-.Ltmp7, $1  }
0x1b5: {  	_ =	sdelay $0x3  }
0x1b6: {  	_ =	sfence.sel $0x180000  }
0x1b7: {  	[bflag:$0x0] =	sbarrier.arrive $0xFFFF  }
0x1b8: {  	p0 =	sne.s32 s1, $0x0;
	_ =	strace $0x90000047  }
0x1b9: {  	s0 =	sadd.s32 @!p0 $0x100000, s0;
	[bflag:$0x2] =	sbarrier.arrive $0xFFFF  }
0x1ba: {  	[sflag:s0] =	ssyncadd.tile.s32 @!p0 $0x1;
	_ =	shalt  }
.Lfunc_end2:
_tile_overlayer_lowered:
.L_overlay_start_2:
0x1bb: {  	(tag) =	ssettag $0x2  }
0x1bc: {  	s0 =	rddreg [dreg:$0x0];
	s2 =	stileid.u32  }
0x1bd: {  	s1 =	rddreg [dreg:$0x1];
	p0 =	sne.s32 s2, $0x0  }
0x1be: {  	s3 =	rddreg [dreg:$0x2];
	[bflag:$0x3] =	sbarrier.arrive $0xFFFF;
	s2 =	simm.s32 @!p0 $0x1C05  }
0x1bf: {  	[timem:s3], [sflag:s2] =	dma.local @!p0 [hbm:s0], s1  }
0x1c0: {  	s0 =	simm.s32 @!p0 $0x5  }
0x1c1: {  	_ =	swait.ge @!p0 [sflag:s0], s1  }
0x1c2: {  	s1 =	ssub.s32 @!p0 $0x0, s1;
	[sflag:s0] =	ssyncset.done @!p0 $0x0  }
0x1c3: {  	[sflag:s0] =	ssyncadd.s32 @!p0 s1  }
0x1c4: {  	[bflag:$0x3] =	sbarrier.arrive $0xFFFF  }
0x1c5: {  	_ =	shalt  }

// kernel: kernel.7.cloned.1.call-start
scs
__scs_entry_jumppad:
0x0: {  	(pc) =	sbr.rel $0x88, $3  }
0x1: {  	(tag) =	ssettag $0x0;
	lr =	simm.s32 $0x1  }
0x2: {  	[smem:$0x3F9F] =	sst lr;
	_ =	strace $0xD0000000  }
0x3: {  	_ = 	snop  }
0x4: {  	_ = 	snop  }
0x5: {  	_ = 	snop  }
0x6: {  	_ = 	snop  }
0x7: {  	_ = 	snop  }
__scs_overlays_trampoline_lowered:
0x8: {  	[smem:$0x3FAE] =	sst s0  }
0x9: {  	[smem:$0x3FAF] =	sst s1  }
0xa: {  	[smem:$0x3FB0] =	sst s2  }
0xb: {  	[smem:$0x3FB1] =	sst s3  }
0xc: {  	[smem:$0x3FB2] =	sst s4  }
0xd: {  	[smem:$0x3FB3] =	sst s5  }
0xe: {  	[smem:$0x3FB4] =	sst s6  }
0xf: {  	[smem:$0x3FB5] =	sst s7  }
0x10: {  	[smem:$0x3FB6] =	sst s8  }
0x11: {  	[smem:$0x3FB7] =	sst s9;
	s0 =	simm.s32 @!p0 $0x0  }
0x12: {  	s1 =	sld [smem:$0x3F9D];
	s0 =	simm.s32 @p0 $0x1  }
0x13: {  	[smem:$0x3FB8] =	sst s0;
	s0 =	simm.s32 @!p1 $0x0  }
0x14: {  	s2 =	sld [smem:$0x3F9C];
	s0 =	simm.s32 @p1 $0x1  }
0x15: {  	[smem:$0x3FB9] =	sst s0;
	s0 =	simm.s32 @!p2 $0x0  }
0x16: {  	s3 =	sld [smem:$0x3FDB];
	s0 =	simm.s32 @p2 $0x1  }
0x17: {  	s4 =	simm.s32 $0x1BF5;
	[smem:$0x3FBB] =	sst s0  }
0x18: {  	s0 =	sld [smem:$0x3F9E];
	_ =	swait.ge [sflag:s4], $0x0  }
0x19: {  	s7 =	sld [smem:$0x3F9F]  }
0x1a: {  	s8 =	sadd.s32 $0xFFFFE003, lr  }
0x1b: {  	s9 =	sadd.s32 $0xFFFFFEF7, lr;
	s5 =	simm.s32 $0xFFFFFFFF;
	p2 =	slt.u32 s8, $0xFFFFF086  }
0x1c: {  	p1 =	slt.u32 s9, $0xF7A;
	s5 =	simm.s32 @!p2 $0x0  }
0x1d: {  	s5 =	simm.s32 @p1 $0x1;
	p0 =	seq.s32 s7, s2  }
0x1e: {  	s7 =	smul.u32 @!p0 $0xF7A, s2;
	p2 =	seq.s32 @!p0 s5, $0x0  }
0x1f: {  	s9 =	smul.u32 $0xF7A, s1;
	s8 =	simm.s32 @!p0 $0x1BF5;
	p2 =	por !p2, p0  }
0x20: {  	[sflag:s8] =	ssyncset.s32 @!p0 $0xFFFFF086;
	s6 =	sadd.s32 @!p0 s3, s7;
	s7 =	simm.s32 @!p0 $0x108  }
0x21: {  	s3 =	sadd.s32 s3, s9;
	s6 =	sadd.s32 @!p0 $0x88, s6;
	s7 =	simm.s32 @p2 $0x1082  }
0x22: {  	[simem:s7], [sflag:s8] =	dma.local @!p0 [hbm:s6], $0xF7A  }
0x23: {  	s9 =	sor.u32 $0xD0000000, s2;
	s6 =	simm.s32 $0x108;
	_ =	swait.ge @!p0 [sflag:s8], $0x0  }
0x24: {  	s3 =	sadd.s32 $0x88, s3;
	s6 =	simm.s32 @!p1 $0x1082;
	[sflag:s4] =	ssyncset.s32 $0xFFFFF086  }
0x25: {  	[simem:s6], [sflag:s4] =	dma.local [hbm:s3], $0xF7A  }
0x26: {  	[smem:$0x3F9F] =	sst s1;
	(tag) =	ssettag s2;
	_ =	strace s9  }
0x27: {  	s1 =	sld [smem:$0x3FAF]  }
0x28: {  	s2 =	sld [smem:$0x3FB0]  }
0x29: {  	s4 =	sld [smem:$0x3FB2]  }
0x2a: {  	p0 =	seq.s32 s5, $0x0;
	s5 =	sld [smem:$0x3FB3]  }
0x2b: {  	s6 =	sld [smem:$0x3FB4]  }
0x2c: {  	s7 =	sld [smem:$0x3FB5]  }
0x2d: {  	s3 =	simm.s32 $0x108;
	s8 =	sld [smem:$0x3FB6]  }
0x2e: {  	s3 =	simm.s32 @!p0 $0x1082;
	s9 =	sld [smem:$0x3FB7]  }
0x2f: {  	lr =	sadd.s32 s0, s3;
	s0 =	sld [smem:$0x3FAE]  }
0x30: {  	s3 =	sld [smem:$0x3FB1]  }
0x31: {  	[smem:$0x3FBA] =	sst s10  }
0x32: {  	s10 =	sld [smem:$0x3FB8];
	_ =	sdelay $0x3  }
0x33: {  	p0 =	seq.s32 s10, $0x1;
	s10 =	sld [smem:$0x3FBA];
	_ =	sdelay $0x3  }
0x34: {  	[smem:$0x3FBA] =	sst s10  }
0x35: {  	s10 =	sld [smem:$0x3FB9];
	_ =	sdelay $0x3  }
0x36: {  	p1 =	seq.s32 s10, $0x1;
	s10 =	sld [smem:$0x3FBA];
	_ =	sdelay $0x3  }
0x37: {  	[smem:$0x3FBA] =	sst s10  }
0x38: {  	s10 =	sld [smem:$0x3FBB]  }
0x39: {  	_ = 	snop;
	(pc) =	sbr.ind lr, $3  }
0x3a: {  	_ = 	snop  }
0x3b: {  	_ = 	snop  }
0x3c: {  	p2 =	seq.s32 s10, $0x1;
	s10 =	sld [smem:$0x3FBA]  }
0x3d: {  	_ =	shalt  }
0x3e: {  	_ =	shalt  }
0x3f: {  	_ =	shalt  }
0x40: {  	_ =	shalt  }
0x41: {  	_ =	shalt  }
0x42: {  	_ =	shalt  }
0x43: {  	_ =	shalt  }
0x44: {  	_ =	shalt  }
0x45: {  	_ =	shalt  }
0x46: {  	_ =	shalt  }
0x47: {  	_ =	shalt  }
0x48: {  	_ =	shalt  }
0x49: {  	_ =	shalt  }
0x4a: {  	_ =	shalt  }
0x4b: {  	_ =	shalt  }
0x4c: {  	_ =	shalt  }
0x4d: {  	_ =	shalt  }
0x4e: {  	_ =	shalt  }
0x4f: {  	_ =	shalt  }
0x50: {  	_ =	shalt  }
0x51: {  	_ =	shalt  }
0x52: {  	_ =	shalt  }
0x53: {  	_ =	shalt  }
0x54: {  	_ =	shalt  }
0x55: {  	_ =	shalt  }
0x56: {  	_ =	shalt  }
0x57: {  	_ =	shalt  }
0x58: {  	_ =	shalt  }
0x59: {  	_ =	shalt  }
0x5a: {  	_ =	shalt  }
0x5b: {  	_ =	shalt  }
0x5c: {  	_ =	shalt  }
0x5d: {  	_ =	shalt  }
0x5e: {  	_ =	shalt  }
0x5f: {  	_ =	shalt  }
0x60: {  	_ =	shalt  }
0x61: {  	_ =	shalt  }
0x62: {  	_ =	shalt  }
0x63: {  	_ =	shalt  }
0x64: {  	_ =	shalt  }
0x65: {  	_ =	shalt  }
0x66: {  	_ =	shalt  }
0x67: {  	_ =	shalt  }
0x68: {  	_ =	shalt  }
0x69: {  	_ =	shalt  }
0x6a: {  	_ =	shalt  }
0x6b: {  	_ =	shalt  }
0x6c: {  	_ =	shalt  }
0x6d: {  	_ =	shalt  }
0x6e: {  	_ =	shalt  }
0x6f: {  	_ =	shalt  }
0x70: {  	_ =	shalt  }
0x71: {  	_ =	shalt  }
0x72: {  	_ =	shalt  }
0x73: {  	_ =	shalt  }
0x74: {  	_ =	shalt  }
0x75: {  	_ =	shalt  }
0x76: {  	_ =	shalt  }
0x77: {  	_ =	shalt  }
0x78: {  	_ =	shalt  }
0x79: {  	_ =	shalt  }
0x7a: {  	_ =	shalt  }
0x7b: {  	_ =	shalt  }
0x7c: {  	_ =	shalt  }
0x7d: {  	_ =	shalt  }
0x7e: {  	_ =	shalt  }
0x7f: {  	_ =	shalt  }
0x80: {  	_ =	shalt  }
0x81: {  	_ =	shalt  }
0x82: {  	_ =	shalt  }
0x83: {  	_ =	shalt  }
0x84: {  	_ =	shalt  }
0x85: {  	_ =	shalt  }
0x86: {  	_ =	shalt  }
0x87: {  	_ =	shalt  }
.Lfunc_end0:
.L_simem_size_0:
called_computation.1_lowered:
.L_overlay_start_0:
0x88: {  	s2 =	sld [smem:$0x3FD9]  }
0x89: {  	s3 =	sld [smem:$0x3FFE];
	_ =	sdelay $0x1  }
0x8a: {  	s1 =	srdreg.scid  }
0x8b: {  	s0 =	sand.u32 $0x1, s1  }
0x8c: {  	s17 =	sshll.u32 s0, $0xA;
	s2 =	sadd.s32 s3, s2  }
0x8d: {  	s2 =	sadd.s32 s2, s17  }
0x8e: {  	[smem:$0x3FC6] =	sst s2  }
0x8f: {  	_ = 	snop  }
0x90: {  	s2 =	sld [smem:$0x3FC9]  }
0x91: {  	s18 =	sld [smem:$0x3FD0];
	(tm) =	ssettm $0x1  }
0x92: {  	s4 =	sld [smem:$0x3FFB];
	_ =	sdelay $0x3  }
0x93: {  	_ =	strace s4  }
0x94: {  	s4 =	sld [smem:$0x3FFC];
	_ =	sdelay $0x3  }
0x95: {  	_ =	strace s4  }
0x96: {  	s4 =	sld [smem:$0x3FFD];
	_ =	sdelay $0x3  }
0x97: {  	_ =	strace s4  }
0x98: {  	_ =	strace $0x8FFFFFFF  }
0x99: {  	s19 =	sld [smem:$0x3FDB];
	_ =	sdelay $0x1  }
0x9a: {  	s5 =	simm.s32 $_scs_section_size  }
0x9b: {  	s6 =	simm.s32 $_size__tile_overlayer_lowered;
	s7 =	simm.s32 $_tile_overlayer_lowered  }
0x9c: {  	s22 =	simm.s32 $0x1BFF;
	s21 =	sshll.u32 s7, $0x1;
	s4 =	sadd.s32 s5, s19  }
0x9d: {  	s8 =	simm.s32 $0x0;
	s20 =	sshll.u32 s6, $0x1;
	s6 =	sadd.s32 s21, s4  }
0x9e: {  	[timem:s8], [sflag:s22] =	dma.local [hbm:s6], s20  }
0x9f: {  	_ =	swait.ge [sflag:s22], s20  }
0xa0: {  	s5 =	ssub.s32 $0x0, s20;
	[sflag:s22] =	ssyncset.done $0x0  }
0xa1: {  	[sflag:s22] =	ssyncadd.s32 s5;
	_ =	sdelay $0x1  }
0xa2: {  	s23 =	simm.s32 $0x1B8B  }
0xa3: {  	_ =	swait.ge [sflag:s23], $0x1  }
0xa4: {  	[sflag:s23] =	ssyncset.done $0x0  }
0xa5: {  	s25 =	simm.s32 $0x1B8E;
	s24 =	sld [smem:$0x3FFE];
	[sflag:s23] =	ssyncadd.s32 $0xFFFFFFFF  }
0xa6: {  	s26 =	simm.s32 $execute0_lowered;
	[smem:$0x3FD2] =	sst s25  }
0xa7: {  	s6 =	sshll.u32 s26, $0x1;
	_ =	strace $0x80000049;
	[dreg:$0x1] =	wrdreg $0xFFFFFFFF  }
0xa8: {  	s28 =	simm.s32 $_size_execute0_lowered;
	s4 =	sadd.s32 s4, s6;
	[dreg:$0x0] =	wrdreg $0x0  }
0xa9: {  	s6 =	sshll.u32 s28, $0x1;
	[dreg:$0x2] =	wrdreg s4  }
0xaa: {  	[dreg:$0x3] =	wrdreg s6  }
0xab: {  	[dreg:$0x4] =	wrdreg $0xC0  }
0xac: {  	_ =	task [dreg:s8], $0x5FFFF  }
0xad: {  	[dreg:$0x1] =	wrdreg $0xFFFFFFFF  }
0xae: {  	[dreg:$0x0] =	wrdreg $0x60  }
0xaf: {  	[dreg:$0x2] =	wrdreg s2  }
0xb0: {  	[dreg:$0x3] =	wrdreg s24  }
0xb1: {  	[dreg:$0x4] =	wrdreg s18  }
0xb2: {  	[dreg:$0x5] =	wrdreg $0x9  }
0xb3: {  	_ =	task.clear_ibuf [dreg:s8], $0x6FFFF;
	_ =	strace $0x90000049  }
0xb4: {  	s29 =	simm.s32 $0x9;
	_ =	strace $0x8000004B  }
0xb5: {  	_ =	swait.ge [sflag:s29], $0x1  }
0xb6: {  	[sflag:s29] =	ssyncadd.s32 $0xFFFFFFFF  }
0xb7: {  	_ =	strace $0x9000004B  }
0xb8: {  	_ =	sfence  }
0xb9: {  	s30 =	sld [smem:$0x0];
	_ =	sdelay $0x2  }
0xba: {  	s31 =	sshll.u32 s1, $0xD;
	s1 =	sshrl.u32 s1, $0x2  }
0xbb: {  	s3 =	sand.u32 $0x4000, s31;
	s1 =	sadd.s32 s1, s30  }
0xbc: {  	s0 =	sor.u32 s3, s0;
	s1 =	sshll.u32 s1, $0x11  }
0xbd: {  	s0 =	sor.u32 s1, s0  }
0xbe: {  	s0 =	sadd.s32 $0x8F2B, s0  }
0xbf: {  	[sflag:s0] =	ssyncadd.remote.s32 $0x1  }
0xc0: {  	_ =	sfence.sel $0xFFFF  }
0xc1: {  	[dreg:$0x0] =	wrdreg $0xFFFFFFFF;
	(pc) =	sbr.abs _section_cstart, $3  }
0xc2: {  	[dreg:$0x1] =	wrdreg $0xFFFFFFFF  }
0xc3: {  	_ =	task.clear_ibuf [dreg:s8], $0x2FFFF;
	_ =	strace $0x9FFFFFFF  }
0xc4: {  	(tm) =	ssettm $0x7FFFFFFF  }
0xc5: {  	_ =	shalt  }
tec
execute0_lowered:
.L_overlay_start_1:
0x0: {  	(tag) =	ssettag $0x1  }
0x1: {  	s5 =	rddreg [dreg:$0x0]  }
0x2: {  	s4 =	rddreg [dreg:$0x1]  }
0x3: {  	s6 =	rddreg [dreg:$0x2];
	s1 =	simm.s32 $0x0  }
0x4: {  	s7 =	srdreg.scid;
	s2 =	stileid.u32;
	s11 =	simm.s32 $0x8800  }
0x5: {  	s12 =	simm.s32 $0x800;
	s13 =	simm.s32 $0x480;
	s14 =	simm.s32 $0x4800  }
0x6: {  	s15 =	simm.s32 $0x1;
	s16 =	simm.s32 $0x500;
	s17 =	simm.s32 $0x580  }
0x7: {  	s18 =	simm.s32 $0x1000;
	s19 =	simm.s32 $0x20000;
	s20 =	simm.s32 $0x9800  }
0x8: {  	s21 =	simm.s32 $0x0;
	[smem:$0x7FF] =	sst s1;
	s3 =	sadd.s32 $0x800, s4  }
0x9: {  	s7 =	sand.u32 $0x1, s7;
	s9 =	sshll.u32 s2, $0xA;
	s4 =	sadd.s32 $0x504400, s4  }
0xa: {  	_ =	strace $0x8000004A;
	s8 =	ssub.s32 $0x2, s7;
	s7 =	sshll.u32 s7, $0x9  }
0xb: {  	s10 =	sshrl.u32 s8, $0x1;
	s7 =	sor.u32 s7, s9;
	s9 =	simm.s32 $0x400  }
0xc: {  	s8 =	ssub.s32 s8, s10;
	s5 =	sadd.s32 s5, s7;
	s6 =	sadd.s32 s6, s7  }
0xd: {  	v0 =	vimm.f32 $0.0e+00;
	v1 =	vlaneseq.u32;
	s10 =	simm.s32 $0x2;
	s7 =	smax.u32 s8, $0x1;
	s8 =	simm.s32 $0x80  }
.LBB2_1:
0xe: {  	s22 =	sand.u32 $0x70, s1;
	s23 =	sand.u32 $0xC00, s1  }
0xf: {  	s23 =	sor.u32 s22, s23  }
0x10: {  	[tilespmem:s23+$0x9880] =	vst v0  }
0x11: {  	[tilespmem:s23+$0x9900] =	vst v0  }
0x12: {  	[tilespmem:s23+$0x9980] =	vst v0  }
0x13: {  	[tilespmem:s23+$0x9A00] =	vst v0  }
0x14: {  	[tilespmem:s23+$0x9A80] =	vst v0  }
0x15: {  	s25 =	sor.u32 s1, s1;
	s24 =	simm.s32 $0x0;
	s22 =	simm.s32 $0x10;
	[tilespmem:s23+$0x9B00] =	vst v0  }
.LBB2_2:
0x16: {  	p0 =	sne.s32 s22, $0x1F0;
	[tilespmem:s23+$0x9800] =	vst v0;
	s25 =	sor.u32 $0x380, s25  }
0x17: {  	[tilespmem:s25+$0x9800] =	vst v0  }
0x18: {  	[tilespmem:s23+$0xA800] =	vst v0  }
0x19: {  	[tilespmem:s23+$0xA880] =	vst v0  }
0x1a: {  	[tilespmem:s23+$0xA900] =	vst v0  }
0x1b: {  	[tilespmem:s23+$0xA980] =	vst v0  }
0x1c: {  	[tilespmem:s23+$0xAA00] =	vst v0  }
0x1d: {  	s24 =	sadd.s32 $0x80, s24;
	[tilespmem:s23+$0xAA80] =	vst v0  }
0x1e: {  	s25 =	sand.u32 $0x70, s22;
	s26 =	sand.u32 $0xC00, s24;
	[tilespmem:s23+$0xAB00] =	vst v0  }
0x1f: {  	[tilespmem:s23+$0xAB80] =	vst v0;
	s23 =	sor.u32 s25, s26  }
0x20: {  	[tilespmem:s23+$0x9880] =	vst v0  }
.Ltmp0:
0x21: {  	[tilespmem:s23+$0x9900] =	vst v0;
	(pc) =	sbr.rel @p0 .LBB2_2-.Ltmp0, $4  }
0x22: {  	[tilespmem:s23+$0x9980] =	vst v0  }
0x23: {  	[tilespmem:s23+$0x9A00] =	vst v0  }
0x24: {  	[tilespmem:s23+$0x9A80] =	vst v0  }
0x25: {  	s25 =	sor.u32 s24, s22;
	s22 =	sadd.s32 $0x10, s22;
	[tilespmem:s23+$0x9B00] =	vst v0  }
0x26: {  	[tilespmem:s23+$0x9800] =	vst v0;
	s22 =	sor.u32 $0x380, s25  }
0x27: {  	[tilespmem:s22+$0x9800] =	vst v0  }
0x28: {  	[tilespmem:s23+$0xA800] =	vst v0  }
0x29: {  	[tilespmem:s23+$0xA880] =	vst v0  }
0x2a: {  	[tilespmem:s23+$0xA900] =	vst v0  }
0x2b: {  	[tilespmem:s23+$0xA980] =	vst v0  }
0x2c: {  	[tilespmem:s23+$0xAA00] =	vst v0  }
0x2d: {  	[tilespmem:s23+$0xAA80] =	vst v0  }
0x2e: {  	[tilespmem:s23+$0xAB00] =	vst v0  }
0x2f: {  	s22 =	simm.s32 $0x0;
	[tilespmem:s23+$0xAB80] =	vst v0;
	s23 =	simm.s32 $0x0  }
.LBB2_4:
0x30: {  	s24 =	sshll.u32 s23, $0xB;
	s25 =	sshll.u32 s23, $0x4  }
0x31: {  	s24 =	sand.u32 $0xC000, s24;
	s25 =	sand.u32 $0x70, s25  }
0x32: {  	s24 =	sor.u32 s25, s24  }
0x33: {  	s24 =	sadd.s32 s24, s5  }
0x34: {  	[tilespmem:s22], [sflag:$0x2] =	stream.strided.gather [hbm4b:s24+s8], $0x200, s9, s8, $0x38;
	[tilespmem:$0xB800] =	vst v63  }
0x35: {  	_ =	swait.ge [sflag:s10], $0x200  }
0x36: {  	s31 =	sshll.u32 s23, $0x9;
	[sflag:s10] =	ssyncset.done $0x0  }
0x37: {  	s24 =	sadd.s32 s4, s31;
	[sflag:s10] =	ssyncadd.s32 $0xFFFFFE00  }
0x38: {  	[tilespmem:s11], [sflag:$0x2] =	stream.linear.gather [hbm4b:s24+s22], $0x1000, $0x38;
	[tilespmem:$0xB800] =	vst v63  }
0x39: {  	_ =	swait.ge [sflag:s10], $0x1000  }
0x3a: {  	[sflag:s10] =	ssyncset.done $0x0  }
0x3b: {  	s24 =	simm.s32 $0x0;
	[sflag:s10] =	ssyncadd.s32 $0xFFFFF000  }
0x3c: {  	v2 =	vld [tilespmem:s24+$0x0];
	_ =	sdelay $0x1  }
0x3d: {  	s25 =	simm.s32 $0x40  }
.LBB2_5:
0x3e: {  	p0 =	sne.s32 s25, $0x7C0  }
.Ltmp1:
0x3f: {  	_ = 	snop;
	(pc) =	sbr.rel @p0 .LBB2_5-.Ltmp1, $4  }
0x40: {  	s26 =	sshra.s32 s25, $0x2;
	v3 =	vshrl.u32 v2, $0x3;
	v4 =	vshll.u32 v2, $0x4  }
0x41: {  	v2 =	vld [tilespmem:s26+$0x0];
	[tilespmem:s24+$0x200] =	vst v3;
	v4 =	vand.u32 $0x70, v4  }
0x42: {  	v3 =	vmin.u32 v3, $0x30BF;
	[tilespmem:s24+$0x600] =	vst v4  }
0x43: {  	s25 =	sadd.s32 $0x40, s25;
	[tilespmem:s24+$0x400] =	vst v3;
	s24 =	smov.u32 s26  }
0x44: {  	_ =	sdelay $0x1  }
0x45: {  	v3 =	vshrl.u32 v2, $0x3;
	v2 =	vshll.u32 v2, $0x4  }
0x46: {  	s25 =	smul.u32 $0x31600, s23;
	[tilespmem:s24+$0x200] =	vst v3;
	v2 =	vand.u32 $0x70, v2  }
0x47: {  	v3 =	vmin.u32 v3, $0x30BF;
	[tilespmem:s24+$0x600] =	vst v2  }
0x48: {  	[tilespmem:s24+$0x400] =	vst v3;
	s24 =	sadd.s32 s3, s25  }
0x49: {  	[tilespmem:s12], [sflag:$0x1] =	stream.indirect.gather [hbm4b:s24+s8], $0x80, s9, s8, $0xb8;
	[tilespmem:$0xB800] =	vst v63  }
0x4a: {  	_ = 	snop  }
0x4b: {  	[tilespmem:s14], [sflag:$0x1] =	stream.indirect.gather [hbm4b:s24+s8], $0x80, s13, s8, $0xb8;
	[tilespmem:$0xB800] =	vst v63  }
0x4c: {  	_ =	swait.ge [sflag:s15], $0x4000  }
0x4d: {  	[sflag:s15] =	ssyncset.done $0x0  }
0x4e: {  	[sflag:s15] =	ssyncadd.s32 $0xFFFFC000  }
0x4f: {  	_ =	swait.ge [sflag:s15], $0x4000  }
0x50: {  	[sflag:s15] =	ssyncset.done $0x0  }
0x51: {  	s25 =	simm.s32 $0x200;
	[sflag:s15] =	ssyncadd.s32 $0xFFFFC000  }
0x52: {  	v3 =	vld [tilespmem:s25+$0x0]  }
0x53: {  	s26 =	simm.s32 $0x600  }
0x54: {  	v2 =	vld [tilespmem:s26+$0x0];
	_ =	sdelay $0x1  }
0x55: {  	s28 =	simm.s32 $0x0  }
0x56: {  	v4 =	vor.u32 s28, v1;
	vm0 =	vgt.s32 v3, $0x30BF;
	v3 =	vadd.s32 $0x1FFD040, v3  }
0x57: {  	v3 =	vsel vm0, v3, v4  }
0x58: {  	v21 =	vand.u32 $0xFFFFFF80, v2;
	v3 =	vshll.u32 v3, $0x7  }
0x59: {  	v5 =	vand.u32 $0x7F, v2;
	v4 =	vadd.s32 v21, v3  }
0x5a: {  	v4 =	vor.u32 v5, v4;
	_ =	sdelay $0x1  }
0x5b: {  	s29 =	sand.u32 $0x70, s28;
	s30 =	sand.u32 $0x400, s28  }
0x5c: {  	s29 =	sor.u32 s29, s30  }
0x5d: {  	v6 =	vld [tilespmem:s29+$0x9800]  }
0x5e: {  	v22 =	vadd.s32 $0x1, v2;
	v4 =	vld.idx.msk [tilespmem:v4+s12+$0x0], $0xffff  }
0x5f: {  	v7 =	vand.u32 $0xFFFFFF80, v22  }
0x60: {  	v7 =	vadd.s32 v7, v3;
	v5 =	vand.u32 $0x7F, v22  }
0x61: {  	v5 =	vor.u32 v5, v7;
	_ =	sdelay $0x1  }
0x62: {  	v4 =	vadd.f32 v4, v6;
	_ =	sdelay $0x1  }
0x63: {  	v24 =	vld [tilespmem:s29+$0x9880];
	[tilespmem:s29+$0x9800] =	vst v4  }
0x64: {  	v23 =	vadd.s32 $0x2, v2;
	v4 =	vld.idx.msk [tilespmem:v5+s12+$0x0], $0xffff  }
0x65: {  	v25 =	vand.u32 $0xFFFFFF80, v23  }
0x66: {  	v7 =	vadd.s32 v25, v3;
	v5 =	vand.u32 $0x7F, v23  }
0x67: {  	v5 =	vor.u32 v5, v7;
	_ =	sdelay $0x1  }
0x68: {  	v4 =	vadd.f32 v4, v24;
	_ =	sdelay $0x1  }
0x69: {  	v27 =	vld [tilespmem:s29+$0x9900];
	[tilespmem:s29+$0x9880] =	vst v4  }
0x6a: {  	v26 =	vadd.s32 $0x3, v2;
	v4 =	vld.idx.msk [tilespmem:v5+s12+$0x0], $0xffff  }
0x6b: {  	v28 =	vand.u32 $0xFFFFFF80, v26  }
0x6c: {  	v7 =	vadd.s32 v28, v3;
	v5 =	vand.u32 $0x7F, v26  }
0x6d: {  	v5 =	vor.u32 v5, v7;
	_ =	sdelay $0x1  }
0x6e: {  	v4 =	vadd.f32 v4, v27;
	_ =	sdelay $0x1  }
0x6f: {  	v30 =	vld [tilespmem:s29+$0x9980];
	[tilespmem:s29+$0x9900] =	vst v4  }
0x70: {  	v29 =	vadd.s32 $0x4, v2;
	v4 =	vld.idx.msk [tilespmem:v5+s12+$0x0], $0xffff  }
0x71: {  	v31 =	vand.u32 $0xFFFFFF80, v29  }
0x72: {  	v7 =	vadd.s32 v31, v3;
	v5 =	vand.u32 $0x7F, v29  }
0x73: {  	v5 =	vor.u32 v5, v7;
	_ =	sdelay $0x1  }
0x74: {  	v4 =	vadd.f32 v4, v30;
	_ =	sdelay $0x1  }
0x75: {  	v33 =	vld [tilespmem:s29+$0x9A00];
	[tilespmem:s29+$0x9980] =	vst v4  }
0x76: {  	v32 =	vadd.s32 $0x5, v2;
	v4 =	vld.idx.msk [tilespmem:v5+s12+$0x0], $0xffff  }
0x77: {  	v34 =	vand.u32 $0xFFFFFF80, v32  }
0x78: {  	v7 =	vadd.s32 v34, v3;
	v5 =	vand.u32 $0x7F, v32  }
0x79: {  	v5 =	vor.u32 v5, v7;
	_ =	sdelay $0x1  }
0x7a: {  	v4 =	vadd.f32 v4, v33;
	_ =	sdelay $0x1  }
0x7b: {  	v36 =	vld [tilespmem:s29+$0x9A80];
	[tilespmem:s29+$0x9A00] =	vst v4  }
0x7c: {  	v35 =	vadd.s32 $0x6, v2;
	v4 =	vld.idx.msk [tilespmem:v5+s12+$0x0], $0xffff  }
0x7d: {  	v37 =	vand.u32 $0xFFFFFF80, v35  }
0x7e: {  	v7 =	vadd.s32 v37, v3;
	v5 =	vand.u32 $0x7F, v35  }
0x7f: {  	v5 =	vor.u32 v5, v7;
	_ =	sdelay $0x1  }
0x80: {  	v4 =	vadd.f32 v4, v36;
	_ =	sdelay $0x1  }
0x81: {  	v39 =	vld [tilespmem:s29+$0x9B00];
	[tilespmem:s29+$0x9A80] =	vst v4  }
0x82: {  	v38 =	vadd.s32 $0x7, v2;
	v4 =	vld.idx.msk [tilespmem:v5+s12+$0x0], $0xffff  }
0x83: {  	v40 =	vand.u32 $0xFFFFFF80, v38  }
0x84: {  	v7 =	vadd.s32 v40, v3;
	v5 =	vand.u32 $0x7F, v38  }
0x85: {  	v5 =	vor.u32 v5, v7;
	_ =	sdelay $0x1  }
0x86: {  	v4 =	vadd.f32 v4, v39;
	_ =	sdelay $0x1  }
0x87: {  	s30 =	sor.u32 s28, s28;
	[tilespmem:s29+$0x9B00] =	vst v4  }
0x88: {  	s30 =	sor.u32 $0x380, s30;
	v4 =	vld.idx.msk [tilespmem:v5+s12+$0x0], $0xffff  }
0x89: {  	v41 =	vadd.s32 $0x8, v2;
	v42 =	vld [tilespmem:s30+$0x9800]  }
0x8a: {  	v43 =	vand.u32 $0xFFFFFF80, v41  }
0x8b: {  	v7 =	vadd.s32 v43, v3;
	v5 =	vand.u32 $0x7F, v41  }
0x8c: {  	v5 =	vor.u32 v5, v7;
	_ =	sdelay $0x1  }
0x8d: {  	v4 =	vadd.f32 v4, v42;
	_ =	sdelay $0x1  }
0x8e: {  	[tilespmem:s30+$0x9800] =	vst v4  }
0x8f: {  	v4 =	vld.idx.msk [tilespmem:v5+s12+$0x0], $0xffff  }
0x90: {  	v44 =	vadd.s32 $0x9, v2;
	v45 =	vld [tilespmem:s29+$0xA800]  }
0x91: {  	v46 =	vand.u32 $0xFFFFFF80, v44  }
0x92: {  	v7 =	vadd.s32 v46, v3;
	v5 =	vand.u32 $0x7F, v44  }
0x93: {  	v5 =	vor.u32 v5, v7;
	_ =	sdelay $0x1  }
0x94: {  	v4 =	vadd.f32 v4, v45;
	_ =	sdelay $0x1  }
0x95: {  	v48 =	vld [tilespmem:s29+$0xA880];
	[tilespmem:s29+$0xA800] =	vst v4  }
0x96: {  	v47 =	vadd.s32 $0xA, v2;
	v4 =	vld.idx.msk [tilespmem:v5+s12+$0x0], $0xffff  }
0x97: {  	v49 =	vand.u32 $0xFFFFFF80, v47  }
0x98: {  	v7 =	vadd.s32 v49, v3;
	v5 =	vand.u32 $0x7F, v47  }
0x99: {  	v5 =	vor.u32 v5, v7;
	_ =	sdelay $0x1  }
0x9a: {  	v4 =	vadd.f32 v4, v48;
	_ =	sdelay $0x1  }
0x9b: {  	v51 =	vld [tilespmem:s29+$0xA900];
	[tilespmem:s29+$0xA880] =	vst v4  }
0x9c: {  	v50 =	vadd.s32 $0xB, v2;
	v4 =	vld.idx.msk [tilespmem:v5+s12+$0x0], $0xffff  }
0x9d: {  	v52 =	vand.u32 $0xFFFFFF80, v50  }
0x9e: {  	v7 =	vadd.s32 v52, v3;
	v5 =	vand.u32 $0x7F, v50  }
0x9f: {  	v5 =	vor.u32 v5, v7;
	_ =	sdelay $0x1  }
0xa0: {  	v4 =	vadd.f32 v4, v51;
	_ =	sdelay $0x1  }
0xa1: {  	v54 =	vld [tilespmem:s29+$0xA980];
	[tilespmem:s29+$0xA900] =	vst v4  }
0xa2: {  	v53 =	vadd.s32 $0xC, v2;
	v4 =	vld.idx.msk [tilespmem:v5+s12+$0x0], $0xffff  }
0xa3: {  	v55 =	vand.u32 $0xFFFFFF80, v53  }
0xa4: {  	v7 =	vadd.s32 v55, v3;
	v5 =	vand.u32 $0x7F, v53  }
0xa5: {  	v5 =	vor.u32 v5, v7;
	_ =	sdelay $0x1  }
0xa6: {  	v4 =	vadd.f32 v4, v54;
	_ =	sdelay $0x1  }
0xa7: {  	v57 =	vld [tilespmem:s29+$0xAA00];
	[tilespmem:s29+$0xA980] =	vst v4  }
0xa8: {  	v56 =	vadd.s32 $0xD, v2;
	v4 =	vld.idx.msk [tilespmem:v5+s12+$0x0], $0xffff  }
0xa9: {  	v58 =	vand.u32 $0xFFFFFF80, v56  }
0xaa: {  	v7 =	vadd.s32 v58, v3;
	v5 =	vand.u32 $0x7F, v56  }
0xab: {  	v5 =	vor.u32 v5, v7;
	_ =	sdelay $0x1  }
0xac: {  	v4 =	vadd.f32 v4, v57;
	_ =	sdelay $0x1  }
0xad: {  	v60 =	vld [tilespmem:s29+$0xAA80];
	[tilespmem:s29+$0xAA00] =	vst v4  }
0xae: {  	v59 =	vadd.s32 $0xE, v2;
	v4 =	vld.idx.msk [tilespmem:v5+s12+$0x0], $0xffff  }
0xaf: {  	v61 =	vand.u32 $0xFFFFFF80, v59  }
0xb0: {  	v7 =	vadd.s32 v61, v3;
	v5 =	vand.u32 $0x7F, v59  }
0xb1: {  	v5 =	vor.u32 v5, v7;
	_ =	sdelay $0x1  }
0xb2: {  	v4 =	vadd.f32 v4, v60;
	_ =	sdelay $0x1  }
0xb3: {  	v62 =	vld [tilespmem:s29+$0xAB00];
	[tilespmem:s29+$0xAA80] =	vst v4  }
0xb4: {  	v2 =	vadd.s32 $0xF, v2;
	v4 =	vld.idx.msk [tilespmem:v5+s12+$0x0], $0xffff  }
0xb5: {  	v63 =	vand.u32 $0xFFFFFF80, v2  }
0xb6: {  	v2 =	vand.u32 $0x7F, v2;
	v3 =	vadd.s32 v63, v3  }
0xb7: {  	v2 =	vor.u32 v2, v3;
	_ =	sdelay $0x1  }
0xb8: {  	v3 =	vadd.f32 v4, v62;
	_ =	sdelay $0x1  }
0xb9: {  	[tilespmem:s29+$0xAB00] =	vst v3;
	v3 =	vld [tilespmem:s29+$0xAB80]  }
0xba: {  	v2 =	vld.idx.msk [tilespmem:v2+s12+$0x0], $0xffff;
	_ =	sdelay $0x4  }
0xbb: {  	s30 =	simm.s32 $0x10;
	v2 =	vadd.f32 v2, v3  }
.LBB2_7:
0xbc: {  	_ = 	snop  }
0xbd: {  	s28 =	sadd.s32 $0x80, s28;
	s25 =	sadd.s32 $0x10, s25;
	s26 =	sadd.s32 $0x10, s26;
	[tilespmem:s29+$0xAB80] =	vst v2  }
0xbe: {  	p0 =	sne.s32 s30, $0xF0;
	s31 =	smov.u32 s30;
	s30 =	sadd.s32 $0x10, s30;
	v2 =	vld [tilespmem:s25+$0x0]  }
0xbf: {  	_ = 	snop  }
0xc0: {  	v3 =	vld [tilespmem:s26+$0x0];
	_ =	sdelay $0x2  }
0xc1: {  	v4 =	vor.u32 s31, v1;
	vm0 =	vgt.s32 v2, $0x30BF;
	v2 =	vadd.s32 $0x1FFD040, v2  }
0xc2: {  	v2 =	vsel vm0, v2, v4  }
0xc3: {  	v4 =	vand.u32 $0xFFFFFF80, v3;
	v17 =	vshll.u32 v2, $0x7;
	v2 =	vadd.s32 $0x1, v3  }
0xc4: {  	v5 =	vand.u32 $0x7F, v3;
	v4 =	vadd.s32 v4, v17;
	v6 =	vand.u32 $0xFFFFFF80, v2  }
0xc5: {  	v18 =	vadd.s32 $0x2, v3;
	v4 =	vor.u32 v5, v4;
	v5 =	vadd.s32 v6, v17  }
0xc6: {  	v19 =	vadd.s32 $0x3, v3;
	v20 =	vadd.s32 $0x4, v3;
	v6 =	vand.u32 $0xFFFFFF80, v18  }
0xc7: {  	v7 =	vand.u32 $0xFFFFFF80, v20;
	v21 =	vadd.s32 v6, v17;
	v6 =	vand.u32 $0xFFFFFF80, v19  }
0xc8: {  	v24 =	vadd.s32 $0x5, v3;
	v23 =	vadd.s32 v7, v17;
	v22 =	vadd.s32 v6, v17  }
0xc9: {  	s29 =	sand.u32 $0x70, s31;
	s0 =	sand.u32 $0x400, s28;
	v25 =	vadd.s32 $0x6, v3;
	v26 =	vadd.s32 $0x7, v3;
	v6 =	vand.u32 $0xFFFFFF80, v24  }
0xca: {  	s29 =	sor.u32 s29, s0;
	v7 =	vand.u32 $0xFFFFFF80, v26;
	v27 =	vadd.s32 v6, v17;
	v6 =	vand.u32 $0xFFFFFF80, v25;
	v4 =	vld.idx.msk [tilespmem:v4+s12+$0x0], $0xffff  }
0xcb: {  	v16 =	vadd.s32 $0x8, v3;
	v29 =	vadd.s32 v7, v17;
	v28 =	vadd.s32 v6, v17;
	v9 =	vld [tilespmem:s29+$0x9800]  }
0xcc: {  	v14 =	vadd.s32 $0x9, v3;
	v11 =	vadd.s32 $0xA, v3;
	v6 =	vand.u32 $0xFFFFFF80, v16  }
0xcd: {  	v2 =	vand.u32 $0x7F, v2;
	v30 =	vadd.s32 v6, v17;
	v6 =	vand.u32 $0xFFFFFF80, v14  }
0xce: {  	v5 =	vor.u32 v2, v5;
	v2 =	vand.u32 $0xFFFFFF80, v11;
	v15 =	vadd.s32 v6, v17  }
0xcf: {  	v10 =	vadd.s32 $0xB, v3;
	v8 =	vadd.s32 $0xC, v3;
	v13 =	vadd.s32 v2, v17  }
0xd0: {  	v6 =	vand.u32 $0xFFFFFF80, v8;
	v2 =	vadd.f32 v4, v9;
	v4 =	vand.u32 $0xFFFFFF80, v10  }
0xd1: {  	v9 =	vadd.s32 v6, v17;
	v6 =	vadd.s32 $0xD, v3;
	v12 =	vadd.s32 v4, v17  }
0xd2: {  	v7 =	vand.u32 $0xFFFFFF80, v6;
	v4 =	vadd.s32 $0xE, v3;
	[tilespmem:s29+$0x9800] =	vst v2;
	v2 =	vadd.s32 $0xF, v3  }
0xd3: {  	v7 =	vadd.s32 v7, v17;
	v3 =	vand.u32 $0xFFFFFF80, v4;
	v31 =	vld.idx.msk [tilespmem:v5+s12+$0x0], $0xffff;
	v32 =	vand.u32 $0xFFFFFF80, v2  }
0xd4: {  	v5 =	vadd.s32 v3, v17;
	v33 =	vld [tilespmem:s29+$0x9880];
	v3 =	vadd.s32 v32, v17;
	_ =	sdelay $0x1  }
0xd5: {  	v17 =	vand.u32 $0x7F, v18  }
0xd6: {  	v17 =	vor.u32 v17, v21;
	_ =	sdelay $0x1  }
0xd7: {  	v18 =	vadd.f32 v31, v33;
	_ =	sdelay $0x1  }
0xd8: {  	[tilespmem:s29+$0x9880] =	vst v18  }
0xd9: {  	v17 =	vld.idx.msk [tilespmem:v17+s12+$0x0], $0xffff  }
0xda: {  	v18 =	vld [tilespmem:s29+$0x9900];
	_ =	sdelay $0x1  }
0xdb: {  	v19 =	vand.u32 $0x7F, v19  }
0xdc: {  	v19 =	vor.u32 v19, v22;
	_ =	sdelay $0x1  }
0xdd: {  	v17 =	vadd.f32 v17, v18;
	_ =	sdelay $0x1  }
0xde: {  	[tilespmem:s29+$0x9900] =	vst v17  }
0xdf: {  	v17 =	vld.idx.msk [tilespmem:v19+s12+$0x0], $0xffff  }
0xe0: {  	v18 =	vld [tilespmem:s29+$0x9980];
	_ =	sdelay $0x1  }
0xe1: {  	v19 =	vand.u32 $0x7F, v20  }
0xe2: {  	v19 =	vor.u32 v19, v23;
	_ =	sdelay $0x1  }
0xe3: {  	v17 =	vadd.f32 v17, v18;
	_ =	sdelay $0x1  }
0xe4: {  	[tilespmem:s29+$0x9980] =	vst v17  }
0xe5: {  	v17 =	vld.idx.msk [tilespmem:v19+s12+$0x0], $0xffff  }
0xe6: {  	v18 =	vld [tilespmem:s29+$0x9A00];
	_ =	sdelay $0x1  }
0xe7: {  	v19 =	vand.u32 $0x7F, v24  }
0xe8: {  	v19 =	vor.u32 v19, v27;
	_ =	sdelay $0x1  }
0xe9: {  	v17 =	vadd.f32 v17, v18;
	_ =	sdelay $0x1  }
0xea: {  	[tilespmem:s29+$0x9A00] =	vst v17  }
0xeb: {  	v17 =	vld.idx.msk [tilespmem:v19+s12+$0x0], $0xffff  }
0xec: {  	v18 =	vld [tilespmem:s29+$0x9A80];
	_ =	sdelay $0x1  }
0xed: {  	v19 =	vand.u32 $0x7F, v25  }
0xee: {  	v19 =	vor.u32 v19, v28;
	_ =	sdelay $0x1  }
0xef: {  	v17 =	vadd.f32 v17, v18;
	_ =	sdelay $0x1  }
0xf0: {  	[tilespmem:s29+$0x9A80] =	vst v17  }
0xf1: {  	v17 =	vld.idx.msk [tilespmem:v19+s12+$0x0], $0xffff  }
0xf2: {  	v18 =	vld [tilespmem:s29+$0x9B00];
	_ =	sdelay $0x1  }
0xf3: {  	v19 =	vand.u32 $0x7F, v26  }
0xf4: {  	v19 =	vor.u32 v19, v29;
	_ =	sdelay $0x1  }
0xf5: {  	v17 =	vadd.f32 v17, v18;
	_ =	sdelay $0x1  }
0xf6: {  	s0 =	sor.u32 s28, s31;
	[tilespmem:s29+$0x9B00] =	vst v17  }
0xf7: {  	s0 =	sor.u32 $0x380, s0;
	v17 =	vld.idx.msk [tilespmem:v19+s12+$0x0], $0xffff  }
0xf8: {  	v18 =	vld [tilespmem:s0+$0x9800];
	_ =	sdelay $0x1  }
0xf9: {  	v16 =	vand.u32 $0x7F, v16  }
0xfa: {  	v16 =	vor.u32 v16, v30;
	_ =	sdelay $0x1  }
0xfb: {  	v17 =	vadd.f32 v17, v18;
	_ =	sdelay $0x1  }
0xfc: {  	[tilespmem:s0+$0x9800] =	vst v17  }
0xfd: {  	v16 =	vld.idx.msk [tilespmem:v16+s12+$0x0], $0xffff  }
0xfe: {  	v17 =	vld [tilespmem:s29+$0xA800];
	_ =	sdelay $0x1  }
0xff: {  	v14 =	vand.u32 $0x7F, v14  }
0x100: {  	v14 =	vor.u32 v14, v15;
	_ =	sdelay $0x1  }
0x101: {  	v15 =	vadd.f32 v16, v17;
	_ =	sdelay $0x1  }
0x102: {  	[tilespmem:s29+$0xA800] =	vst v15  }
0x103: {  	v14 =	vld.idx.msk [tilespmem:v14+s12+$0x0], $0xffff  }
0x104: {  	v15 =	vld [tilespmem:s29+$0xA880];
	_ =	sdelay $0x1  }
0x105: {  	v11 =	vand.u32 $0x7F, v11  }
0x106: {  	v11 =	vor.u32 v11, v13;
	_ =	sdelay $0x1  }
0x107: {  	v13 =	vadd.f32 v14, v15;
	_ =	sdelay $0x1  }
0x108: {  	[tilespmem:s29+$0xA880] =	vst v13  }
0x109: {  	v11 =	vld.idx.msk [tilespmem:v11+s12+$0x0], $0xffff  }
0x10a: {  	v13 =	vld [tilespmem:s29+$0xA900];
	_ =	sdelay $0x1  }
0x10b: {  	v10 =	vand.u32 $0x7F, v10  }
0x10c: {  	v10 =	vor.u32 v10, v12;
	_ =	sdelay $0x1  }
0x10d: {  	v11 =	vadd.f32 v11, v13;
	_ =	sdelay $0x1  }
0x10e: {  	[tilespmem:s29+$0xA900] =	vst v11  }
0x10f: {  	v10 =	vld.idx.msk [tilespmem:v10+s12+$0x0], $0xffff  }
0x110: {  	v11 =	vld [tilespmem:s29+$0xA980];
	_ =	sdelay $0x1  }
0x111: {  	v8 =	vand.u32 $0x7F, v8  }
0x112: {  	v8 =	vor.u32 v8, v9;
	_ =	sdelay $0x1  }
0x113: {  	v9 =	vadd.f32 v10, v11;
	_ =	sdelay $0x1  }
0x114: {  	[tilespmem:s29+$0xA980] =	vst v9  }
0x115: {  	v8 =	vld.idx.msk [tilespmem:v8+s12+$0x0], $0xffff  }
0x116: {  	v9 =	vld [tilespmem:s29+$0xAA00];
	_ =	sdelay $0x1  }
0x117: {  	v6 =	vand.u32 $0x7F, v6  }
0x118: {  	v6 =	vor.u32 v6, v7;
	_ =	sdelay $0x1  }
0x119: {  	v7 =	vadd.f32 v8, v9;
	_ =	sdelay $0x1  }
0x11a: {  	[tilespmem:s29+$0xAA00] =	vst v7  }
0x11b: {  	v6 =	vld.idx.msk [tilespmem:v6+s12+$0x0], $0xffff  }
0x11c: {  	v7 =	vld [tilespmem:s29+$0xAA80];
	_ =	sdelay $0x1  }
0x11d: {  	v4 =	vand.u32 $0x7F, v4  }
0x11e: {  	v4 =	vor.u32 v4, v5;
	_ =	sdelay $0x1  }
0x11f: {  	v5 =	vadd.f32 v6, v7;
	_ =	sdelay $0x1  }
0x120: {  	[tilespmem:s29+$0xAA80] =	vst v5  }
0x121: {  	v4 =	vld.idx.msk [tilespmem:v4+s12+$0x0], $0xffff  }
0x122: {  	v5 =	vld [tilespmem:s29+$0xAB00];
	_ =	sdelay $0x1  }
0x123: {  	v2 =	vand.u32 $0x7F, v2  }
0x124: {  	v2 =	vor.u32 v2, v3;
	_ =	sdelay $0x1  }
0x125: {  	v3 =	vadd.f32 v4, v5;
	_ =	sdelay $0x1  }
0x126: {  	[tilespmem:s29+$0xAB00] =	vst v3  }
0x127: {  	v2 =	vld.idx.msk [tilespmem:v2+s12+$0x0], $0xffff  }
0x128: {  	v3 =	vld [tilespmem:s29+$0xAB80]  }
.Ltmp2:
0x129: {  	(pc) =	sbr.rel @p0 .LBB2_7-.Ltmp2, $2  }
0x12a: {  	_ =	sdelay $0x2  }
0x12b: {  	v2 =	vadd.f32 v2, v3  }
0x12c: {  	_ = 	snop  }
0x12d: {  	[tilespmem:s29+$0xAB80] =	vst v2;
	s29 =	simm.s32 $0x800  }
0x12e: {  	[tilespmem:s29], [sflag:$0x1] =	stream.indirect.gather [hbm4b:s24+s8], $0x80, s16, s8, $0xb8;
	[tilespmem:$0xB800] =	vst v63  }
0x12f: {  	_ = 	snop  }
0x130: {  	[tilespmem:s14], [sflag:$0x1] =	stream.indirect.gather [hbm4b:s24+s8], $0x80, s17, s8, $0xb8;
	[tilespmem:$0xB800] =	vst v63  }
0x131: {  	_ =	swait.ge [sflag:s15], $0x4000  }
0x132: {  	[sflag:s15] =	ssyncset.done $0x0  }
0x133: {  	[sflag:s15] =	ssyncadd.s32 $0xFFFFC000  }
0x134: {  	_ =	swait.ge [sflag:s15], $0x4000  }
0x135: {  	[sflag:s15] =	ssyncset.done $0x0  }
0x136: {  	s24 =	simm.s32 $0x300;
	[sflag:s15] =	ssyncadd.s32 $0xFFFFC000  }
0x137: {  	v3 =	vld [tilespmem:s24+$0x0]  }
0x138: {  	s25 =	simm.s32 $0x700  }
0x139: {  	v2 =	vld [tilespmem:s25+$0x0];
	_ =	sdelay $0x1  }
0x13a: {  	s26 =	simm.s32 $0x0  }
0x13b: {  	v4 =	vor.u32 s26, v1;
	vm0 =	vgt.s32 v3, $0x30BF;
	v3 =	vadd.s32 $0x1FFD040, v3  }
0x13c: {  	v3 =	vsel vm0, v3, v4  }
0x13d: {  	v21 =	vand.u32 $0xFFFFFF80, v2;
	v3 =	vshll.u32 v3, $0x7  }
0x13e: {  	v5 =	vand.u32 $0x7F, v2;
	v4 =	vadd.s32 v21, v3  }
0x13f: {  	v4 =	vor.u32 v5, v4;
	_ =	sdelay $0x1  }
0x140: {  	s0 =	sand.u32 $0x70, s26;
	s28 =	sand.u32 $0xC00, s29  }
0x141: {  	s28 =	sor.u32 s0, s28  }
0x142: {  	v6 =	vld [tilespmem:s28+$0x9800]  }
0x143: {  	v22 =	vadd.s32 $0x1, v2;
	v4 =	vld.idx.msk [tilespmem:v4+s12+$0x0], $0xffff  }
0x144: {  	v7 =	vand.u32 $0xFFFFFF80, v22  }
0x145: {  	v7 =	vadd.s32 v7, v3;
	v5 =	vand.u32 $0x7F, v22  }
0x146: {  	v5 =	vor.u32 v5, v7;
	_ =	sdelay $0x1  }
0x147: {  	v4 =	vadd.f32 v4, v6;
	_ =	sdelay $0x1  }
0x148: {  	v24 =	vld [tilespmem:s28+$0x9880];
	[tilespmem:s28+$0x9800] =	vst v4  }
0x149: {  	v23 =	vadd.s32 $0x2, v2;
	v4 =	vld.idx.msk [tilespmem:v5+s12+$0x0], $0xffff  }
0x14a: {  	v25 =	vand.u32 $0xFFFFFF80, v23  }
0x14b: {  	v7 =	vadd.s32 v25, v3;
	v5 =	vand.u32 $0x7F, v23  }
0x14c: {  	v5 =	vor.u32 v5, v7;
	_ =	sdelay $0x1  }
0x14d: {  	v4 =	vadd.f32 v4, v24;
	_ =	sdelay $0x1  }
0x14e: {  	v27 =	vld [tilespmem:s28+$0x9900];
	[tilespmem:s28+$0x9880] =	vst v4  }
0x14f: {  	v26 =	vadd.s32 $0x3, v2;
	v4 =	vld.idx.msk [tilespmem:v5+s12+$0x0], $0xffff  }
0x150: {  	v28 =	vand.u32 $0xFFFFFF80, v26  }
0x151: {  	v7 =	vadd.s32 v28, v3;
	v5 =	vand.u32 $0x7F, v26  }
0x152: {  	v5 =	vor.u32 v5, v7;
	_ =	sdelay $0x1  }
0x153: {  	v4 =	vadd.f32 v4, v27;
	_ =	sdelay $0x1  }
0x154: {  	v30 =	vld [tilespmem:s28+$0x9980];
	[tilespmem:s28+$0x9900] =	vst v4  }
0x155: {  	v29 =	vadd.s32 $0x4, v2;
	v4 =	vld.idx.msk [tilespmem:v5+s12+$0x0], $0xffff  }
0x156: {  	v31 =	vand.u32 $0xFFFFFF80, v29  }
0x157: {  	v7 =	vadd.s32 v31, v3;
	v5 =	vand.u32 $0x7F, v29  }
0x158: {  	v5 =	vor.u32 v5, v7;
	_ =	sdelay $0x1  }
0x159: {  	v4 =	vadd.f32 v4, v30;
	_ =	sdelay $0x1  }
0x15a: {  	v33 =	vld [tilespmem:s28+$0x9A00];
	[tilespmem:s28+$0x9980] =	vst v4  }
0x15b: {  	v32 =	vadd.s32 $0x5, v2;
	v4 =	vld.idx.msk [tilespmem:v5+s12+$0x0], $0xffff  }
0x15c: {  	v34 =	vand.u32 $0xFFFFFF80, v32  }
0x15d: {  	v7 =	vadd.s32 v34, v3;
	v5 =	vand.u32 $0x7F, v32  }
0x15e: {  	v5 =	vor.u32 v5, v7;
	_ =	sdelay $0x1  }
0x15f: {  	v4 =	vadd.f32 v4, v33;
	_ =	sdelay $0x1  }
0x160: {  	v36 =	vld [tilespmem:s28+$0x9A80];
	[tilespmem:s28+$0x9A00] =	vst v4  }
0x161: {  	v35 =	vadd.s32 $0x6, v2;
	v4 =	vld.idx.msk [tilespmem:v5+s12+$0x0], $0xffff  }
0x162: {  	v37 =	vand.u32 $0xFFFFFF80, v35  }
0x163: {  	v7 =	vadd.s32 v37, v3;
	v5 =	vand.u32 $0x7F, v35  }
0x164: {  	v5 =	vor.u32 v5, v7;
	_ =	sdelay $0x1  }
0x165: {  	v4 =	vadd.f32 v4, v36;
	_ =	sdelay $0x1  }
0x166: {  	v39 =	vld [tilespmem:s28+$0x9B00];
	[tilespmem:s28+$0x9A80] =	vst v4  }
0x167: {  	v38 =	vadd.s32 $0x7, v2;
	v4 =	vld.idx.msk [tilespmem:v5+s12+$0x0], $0xffff  }
0x168: {  	v40 =	vand.u32 $0xFFFFFF80, v38  }
0x169: {  	v7 =	vadd.s32 v40, v3;
	v5 =	vand.u32 $0x7F, v38  }
0x16a: {  	v5 =	vor.u32 v5, v7;
	_ =	sdelay $0x1  }
0x16b: {  	v4 =	vadd.f32 v4, v39;
	_ =	sdelay $0x1  }
0x16c: {  	s31 =	sor.u32 s29, s26;
	[tilespmem:s28+$0x9B00] =	vst v4  }
0x16d: {  	s0 =	sor.u32 $0x380, s31;
	v4 =	vld.idx.msk [tilespmem:v5+s12+$0x0], $0xffff  }
0x16e: {  	v41 =	vadd.s32 $0x8, v2;
	v42 =	vld [tilespmem:s0+$0x9800]  }
0x16f: {  	v43 =	vand.u32 $0xFFFFFF80, v41  }
0x170: {  	v7 =	vadd.s32 v43, v3;
	v5 =	vand.u32 $0x7F, v41  }
0x171: {  	v5 =	vor.u32 v5, v7;
	_ =	sdelay $0x1  }
0x172: {  	v4 =	vadd.f32 v4, v42;
	_ =	sdelay $0x1  }
0x173: {  	[tilespmem:s0+$0x9800] =	vst v4  }
0x174: {  	v4 =	vld.idx.msk [tilespmem:v5+s12+$0x0], $0xffff  }
0x175: {  	v44 =	vadd.s32 $0x9, v2;
	v45 =	vld [tilespmem:s28+$0xA800]  }
0x176: {  	v46 =	vand.u32 $0xFFFFFF80, v44  }
0x177: {  	v7 =	vadd.s32 v46, v3;
	v5 =	vand.u32 $0x7F, v44  }
0x178: {  	v5 =	vor.u32 v5, v7;
	_ =	sdelay $0x1  }
0x179: {  	v4 =	vadd.f32 v4, v45;
	_ =	sdelay $0x1  }
0x17a: {  	v48 =	vld [tilespmem:s28+$0xA880];
	[tilespmem:s28+$0xA800] =	vst v4  }
0x17b: {  	v47 =	vadd.s32 $0xA, v2;
	v4 =	vld.idx.msk [tilespmem:v5+s12+$0x0], $0xffff  }
0x17c: {  	v49 =	vand.u32 $0xFFFFFF80, v47  }
0x17d: {  	v7 =	vadd.s32 v49, v3;
	v5 =	vand.u32 $0x7F, v47  }
0x17e: {  	v5 =	vor.u32 v5, v7;
	_ =	sdelay $0x1  }
0x17f: {  	v4 =	vadd.f32 v4, v48;
	_ =	sdelay $0x1  }
0x180: {  	v51 =	vld [tilespmem:s28+$0xA900];
	[tilespmem:s28+$0xA880] =	vst v4  }
0x181: {  	v50 =	vadd.s32 $0xB, v2;
	v4 =	vld.idx.msk [tilespmem:v5+s12+$0x0], $0xffff  }
0x182: {  	v52 =	vand.u32 $0xFFFFFF80, v50  }
0x183: {  	v7 =	vadd.s32 v52, v3;
	v5 =	vand.u32 $0x7F, v50  }
0x184: {  	v5 =	vor.u32 v5, v7;
	_ =	sdelay $0x1  }
0x185: {  	v4 =	vadd.f32 v4, v51;
	_ =	sdelay $0x1  }
0x186: {  	v54 =	vld [tilespmem:s28+$0xA980];
	[tilespmem:s28+$0xA900] =	vst v4  }
0x187: {  	v53 =	vadd.s32 $0xC, v2;
	v4 =	vld.idx.msk [tilespmem:v5+s12+$0x0], $0xffff  }
0x188: {  	v55 =	vand.u32 $0xFFFFFF80, v53  }
0x189: {  	v7 =	vadd.s32 v55, v3;
	v5 =	vand.u32 $0x7F, v53  }
0x18a: {  	v5 =	vor.u32 v5, v7;
	_ =	sdelay $0x1  }
0x18b: {  	v4 =	vadd.f32 v4, v54;
	_ =	sdelay $0x1  }
0x18c: {  	v57 =	vld [tilespmem:s28+$0xAA00];
	[tilespmem:s28+$0xA980] =	vst v4  }
0x18d: {  	v56 =	vadd.s32 $0xD, v2;
	v4 =	vld.idx.msk [tilespmem:v5+s12+$0x0], $0xffff  }
0x18e: {  	v58 =	vand.u32 $0xFFFFFF80, v56  }
0x18f: {  	v7 =	vadd.s32 v58, v3;
	v5 =	vand.u32 $0x7F, v56  }
0x190: {  	v5 =	vor.u32 v5, v7;
	_ =	sdelay $0x1  }
0x191: {  	v4 =	vadd.f32 v4, v57;
	_ =	sdelay $0x1  }
0x192: {  	v60 =	vld [tilespmem:s28+$0xAA80];
	[tilespmem:s28+$0xAA00] =	vst v4  }
0x193: {  	v59 =	vadd.s32 $0xE, v2;
	v4 =	vld.idx.msk [tilespmem:v5+s12+$0x0], $0xffff  }
0x194: {  	v61 =	vand.u32 $0xFFFFFF80, v59  }
0x195: {  	v7 =	vadd.s32 v61, v3;
	v5 =	vand.u32 $0x7F, v59  }
0x196: {  	v5 =	vor.u32 v5, v7;
	_ =	sdelay $0x1  }
0x197: {  	v4 =	vadd.f32 v4, v60;
	_ =	sdelay $0x1  }
0x198: {  	v62 =	vld [tilespmem:s28+$0xAB00];
	[tilespmem:s28+$0xAA80] =	vst v4  }
0x199: {  	v2 =	vadd.s32 $0xF, v2;
	v4 =	vld.idx.msk [tilespmem:v5+s12+$0x0], $0xffff  }
0x19a: {  	v63 =	vand.u32 $0xFFFFFF80, v2  }
0x19b: {  	v2 =	vand.u32 $0x7F, v2;
	v3 =	vadd.s32 v63, v3  }
0x19c: {  	v2 =	vor.u32 v2, v3;
	_ =	sdelay $0x1  }
0x19d: {  	v3 =	vadd.f32 v4, v62;
	_ =	sdelay $0x1  }
0x19e: {  	[tilespmem:s28+$0xAB00] =	vst v3;
	v3 =	vld [tilespmem:s28+$0xAB80]  }
0x19f: {  	v2 =	vld.idx.msk [tilespmem:v2+s12+$0x0], $0xffff;
	_ =	sdelay $0x4  }
0x1a0: {  	s29 =	simm.s32 $0x880;
	v2 =	vadd.f32 v2, v3  }
.LBB2_9:
0x1a1: {  	_ = 	snop  }
0x1a2: {  	s26 =	sadd.s32 $0x10, s26;
	s24 =	sadd.s32 $0x10, s24;
	s25 =	sadd.s32 $0x10, s25;
	[tilespmem:s28+$0xAB80] =	vst v2  }
0x1a3: {  	p0 =	sne.s32 s29, $0xF80;
	s30 =	smov.u32 s29;
	s29 =	sadd.s32 $0x80, s29;
	v2 =	vld [tilespmem:s24+$0x0]  }
0x1a4: {  	_ = 	snop  }
0x1a5: {  	v3 =	vld [tilespmem:s25+$0x0];
	_ =	sdelay $0x2  }
0x1a6: {  	v4 =	vor.u32 s26, v1;
	vm0 =	vgt.s32 v2, $0x30BF;
	v2 =	vadd.s32 $0x1FFD040, v2  }
0x1a7: {  	v2 =	vsel vm0, v2, v4  }
0x1a8: {  	v4 =	vand.u32 $0xFFFFFF80, v3;
	v17 =	vshll.u32 v2, $0x7;
	v2 =	vadd.s32 $0x1, v3  }
0x1a9: {  	v5 =	vand.u32 $0x7F, v3;
	v4 =	vadd.s32 v4, v17;
	v6 =	vand.u32 $0xFFFFFF80, v2  }
0x1aa: {  	v18 =	vadd.s32 $0x2, v3;
	v4 =	vor.u32 v5, v4;
	v5 =	vadd.s32 v6, v17  }
0x1ab: {  	v19 =	vadd.s32 $0x3, v3;
	v20 =	vadd.s32 $0x4, v3;
	v6 =	vand.u32 $0xFFFFFF80, v18  }
0x1ac: {  	v7 =	vand.u32 $0xFFFFFF80, v20;
	v21 =	vadd.s32 v6, v17;
	v6 =	vand.u32 $0xFFFFFF80, v19  }
0x1ad: {  	v24 =	vadd.s32 $0x5, v3;
	v23 =	vadd.s32 v7, v17;
	v22 =	vadd.s32 v6, v17  }
0x1ae: {  	s0 =	sand.u32 $0x70, s26;
	s28 =	sand.u32 $0xC00, s30;
	v25 =	vadd.s32 $0x6, v3;
	v26 =	vadd.s32 $0x7, v3;
	v6 =	vand.u32 $0xFFFFFF80, v24  }
0x1af: {  	s28 =	sor.u32 s0, s28;
	v7 =	vand.u32 $0xFFFFFF80, v26;
	v27 =	vadd.s32 v6, v17;
	v6 =	vand.u32 $0xFFFFFF80, v25;
	v4 =	vld.idx.msk [tilespmem:v4+s12+$0x0], $0xffff  }
0x1b0: {  	v16 =	vadd.s32 $0x8, v3;
	v29 =	vadd.s32 v7, v17;
	v28 =	vadd.s32 v6, v17;
	v9 =	vld [tilespmem:s28+$0x9800]  }
0x1b1: {  	v14 =	vadd.s32 $0x9, v3;
	v11 =	vadd.s32 $0xA, v3;
	v6 =	vand.u32 $0xFFFFFF80, v16  }
0x1b2: {  	v2 =	vand.u32 $0x7F, v2;
	v30 =	vadd.s32 v6, v17;
	v6 =	vand.u32 $0xFFFFFF80, v14  }
0x1b3: {  	v5 =	vor.u32 v2, v5;
	v2 =	vand.u32 $0xFFFFFF80, v11;
	v15 =	vadd.s32 v6, v17  }
0x1b4: {  	v10 =	vadd.s32 $0xB, v3;
	v8 =	vadd.s32 $0xC, v3;
	v13 =	vadd.s32 v2, v17  }
0x1b5: {  	v6 =	vand.u32 $0xFFFFFF80, v8;
	v2 =	vadd.f32 v4, v9;
	v4 =	vand.u32 $0xFFFFFF80, v10  }
0x1b6: {  	v9 =	vadd.s32 v6, v17;
	v6 =	vadd.s32 $0xD, v3;
	v12 =	vadd.s32 v4, v17  }
0x1b7: {  	v7 =	vand.u32 $0xFFFFFF80, v6;
	v4 =	vadd.s32 $0xE, v3;
	[tilespmem:s28+$0x9800] =	vst v2;
	v2 =	vadd.s32 $0xF, v3  }
0x1b8: {  	v7 =	vadd.s32 v7, v17;
	v3 =	vand.u32 $0xFFFFFF80, v4;
	v31 =	vld.idx.msk [tilespmem:v5+s12+$0x0], $0xffff;
	v32 =	vand.u32 $0xFFFFFF80, v2  }
0x1b9: {  	v5 =	vadd.s32 v3, v17;
	v33 =	vld [tilespmem:s28+$0x9880];
	v3 =	vadd.s32 v32, v17;
	_ =	sdelay $0x1  }
0x1ba: {  	v17 =	vand.u32 $0x7F, v18  }
0x1bb: {  	v17 =	vor.u32 v17, v21;
	_ =	sdelay $0x1  }
0x1bc: {  	v18 =	vadd.f32 v31, v33;
	_ =	sdelay $0x1  }
0x1bd: {  	[tilespmem:s28+$0x9880] =	vst v18  }
0x1be: {  	v17 =	vld.idx.msk [tilespmem:v17+s12+$0x0], $0xffff  }
0x1bf: {  	v18 =	vld [tilespmem:s28+$0x9900];
	_ =	sdelay $0x1  }
0x1c0: {  	v19 =	vand.u32 $0x7F, v19  }
0x1c1: {  	v19 =	vor.u32 v19, v22;
	_ =	sdelay $0x1  }
0x1c2: {  	v17 =	vadd.f32 v17, v18;
	_ =	sdelay $0x1  }
0x1c3: {  	[tilespmem:s28+$0x9900] =	vst v17  }
0x1c4: {  	v17 =	vld.idx.msk [tilespmem:v19+s12+$0x0], $0xffff  }
0x1c5: {  	v18 =	vld [tilespmem:s28+$0x9980];
	_ =	sdelay $0x1  }
0x1c6: {  	v19 =	vand.u32 $0x7F, v20  }
0x1c7: {  	v19 =	vor.u32 v19, v23;
	_ =	sdelay $0x1  }
0x1c8: {  	v17 =	vadd.f32 v17, v18;
	_ =	sdelay $0x1  }
0x1c9: {  	[tilespmem:s28+$0x9980] =	vst v17  }
0x1ca: {  	v17 =	vld.idx.msk [tilespmem:v19+s12+$0x0], $0xffff  }
0x1cb: {  	v18 =	vld [tilespmem:s28+$0x9A00];
	_ =	sdelay $0x1  }
0x1cc: {  	v19 =	vand.u32 $0x7F, v24  }
0x1cd: {  	v19 =	vor.u32 v19, v27;
	_ =	sdelay $0x1  }
0x1ce: {  	v17 =	vadd.f32 v17, v18;
	_ =	sdelay $0x1  }
0x1cf: {  	[tilespmem:s28+$0x9A00] =	vst v17  }
0x1d0: {  	v17 =	vld.idx.msk [tilespmem:v19+s12+$0x0], $0xffff  }
0x1d1: {  	v18 =	vld [tilespmem:s28+$0x9A80];
	_ =	sdelay $0x1  }
0x1d2: {  	v19 =	vand.u32 $0x7F, v25  }
0x1d3: {  	v19 =	vor.u32 v19, v28;
	_ =	sdelay $0x1  }
0x1d4: {  	v17 =	vadd.f32 v17, v18;
	_ =	sdelay $0x1  }
0x1d5: {  	[tilespmem:s28+$0x9A80] =	vst v17  }
0x1d6: {  	v17 =	vld.idx.msk [tilespmem:v19+s12+$0x0], $0xffff  }
0x1d7: {  	v18 =	vld [tilespmem:s28+$0x9B00];
	_ =	sdelay $0x1  }
0x1d8: {  	v19 =	vand.u32 $0x7F, v26  }
0x1d9: {  	v19 =	vor.u32 v19, v29;
	_ =	sdelay $0x1  }
0x1da: {  	v17 =	vadd.f32 v17, v18;
	_ =	sdelay $0x1  }
0x1db: {  	s0 =	sor.u32 s30, s26;
	[tilespmem:s28+$0x9B00] =	vst v17  }
0x1dc: {  	s0 =	sor.u32 $0x380, s0;
	v17 =	vld.idx.msk [tilespmem:v19+s12+$0x0], $0xffff  }
0x1dd: {  	v18 =	vld [tilespmem:s0+$0x9800];
	_ =	sdelay $0x1  }
0x1de: {  	v16 =	vand.u32 $0x7F, v16  }
0x1df: {  	v16 =	vor.u32 v16, v30;
	_ =	sdelay $0x1  }
0x1e0: {  	v17 =	vadd.f32 v17, v18;
	_ =	sdelay $0x1  }
0x1e1: {  	[tilespmem:s0+$0x9800] =	vst v17  }
0x1e2: {  	v16 =	vld.idx.msk [tilespmem:v16+s12+$0x0], $0xffff  }
0x1e3: {  	v17 =	vld [tilespmem:s28+$0xA800];
	_ =	sdelay $0x1  }
0x1e4: {  	v14 =	vand.u32 $0x7F, v14  }
0x1e5: {  	v14 =	vor.u32 v14, v15;
	_ =	sdelay $0x1  }
0x1e6: {  	v15 =	vadd.f32 v16, v17;
	_ =	sdelay $0x1  }
0x1e7: {  	[tilespmem:s28+$0xA800] =	vst v15  }
0x1e8: {  	v14 =	vld.idx.msk [tilespmem:v14+s12+$0x0], $0xffff  }
0x1e9: {  	v15 =	vld [tilespmem:s28+$0xA880];
	_ =	sdelay $0x1  }
0x1ea: {  	v11 =	vand.u32 $0x7F, v11  }
0x1eb: {  	v11 =	vor.u32 v11, v13;
	_ =	sdelay $0x1  }
0x1ec: {  	v13 =	vadd.f32 v14, v15;
	_ =	sdelay $0x1  }
0x1ed: {  	[tilespmem:s28+$0xA880] =	vst v13  }
0x1ee: {  	v11 =	vld.idx.msk [tilespmem:v11+s12+$0x0], $0xffff  }
0x1ef: {  	v13 =	vld [tilespmem:s28+$0xA900];
	_ =	sdelay $0x1  }
0x1f0: {  	v10 =	vand.u32 $0x7F, v10  }
0x1f1: {  	v10 =	vor.u32 v10, v12;
	_ =	sdelay $0x1  }
0x1f2: {  	v11 =	vadd.f32 v11, v13;
	_ =	sdelay $0x1  }
0x1f3: {  	[tilespmem:s28+$0xA900] =	vst v11  }
0x1f4: {  	v10 =	vld.idx.msk [tilespmem:v10+s12+$0x0], $0xffff  }
0x1f5: {  	v11 =	vld [tilespmem:s28+$0xA980];
	_ =	sdelay $0x1  }
0x1f6: {  	v8 =	vand.u32 $0x7F, v8  }
0x1f7: {  	v8 =	vor.u32 v8, v9;
	_ =	sdelay $0x1  }
0x1f8: {  	v9 =	vadd.f32 v10, v11;
	_ =	sdelay $0x1  }
0x1f9: {  	[tilespmem:s28+$0xA980] =	vst v9  }
0x1fa: {  	v8 =	vld.idx.msk [tilespmem:v8+s12+$0x0], $0xffff  }
0x1fb: {  	v9 =	vld [tilespmem:s28+$0xAA00];
	_ =	sdelay $0x1  }
0x1fc: {  	v6 =	vand.u32 $0x7F, v6  }
0x1fd: {  	v6 =	vor.u32 v6, v7;
	_ =	sdelay $0x1  }
0x1fe: {  	v7 =	vadd.f32 v8, v9;
	_ =	sdelay $0x1  }
0x1ff: {  	[tilespmem:s28+$0xAA00] =	vst v7  }
0x200: {  	v6 =	vld.idx.msk [tilespmem:v6+s12+$0x0], $0xffff  }
0x201: {  	v7 =	vld [tilespmem:s28+$0xAA80];
	_ =	sdelay $0x1  }
0x202: {  	v4 =	vand.u32 $0x7F, v4  }
0x203: {  	v4 =	vor.u32 v4, v5;
	_ =	sdelay $0x1  }
0x204: {  	v5 =	vadd.f32 v6, v7;
	_ =	sdelay $0x1  }
0x205: {  	[tilespmem:s28+$0xAA80] =	vst v5  }
0x206: {  	v4 =	vld.idx.msk [tilespmem:v4+s12+$0x0], $0xffff  }
0x207: {  	v5 =	vld [tilespmem:s28+$0xAB00];
	_ =	sdelay $0x1  }
0x208: {  	v2 =	vand.u32 $0x7F, v2  }
0x209: {  	v2 =	vor.u32 v2, v3;
	_ =	sdelay $0x1  }
0x20a: {  	v3 =	vadd.f32 v4, v5;
	_ =	sdelay $0x1  }
0x20b: {  	[tilespmem:s28+$0xAB00] =	vst v3  }
0x20c: {  	v2 =	vld.idx.msk [tilespmem:v2+s12+$0x0], $0xffff  }
0x20d: {  	v3 =	vld [tilespmem:s28+$0xAB80]  }
.Ltmp3:
0x20e: {  	(pc) =	sbr.rel @p0 .LBB2_9-.Ltmp3, $2  }
0x20f: {  	_ =	sdelay $0x2  }
0x210: {  	v2 =	vadd.f32 v2, v3  }
0x211: {  	s23 =	sadd.s32 $0x1, s23  }
0x212: {  	p0 =	sne.s32 s23, $0x1A  }
.Ltmp4:
0x213: {  	_ = 	snop;
	(pc) =	sbr.rel @p0 .LBB2_4-.Ltmp4, $2  }
0x214: {  	_ =	sdelay $0x2  }
0x215: {  	[tilespmem:s28+$0xAB80] =	vst v2  }
0x216: {  	s23 =	simm.s32 $0x0  }
0x217: {  	s0 =	sand.u32 $0x70, s23;
	s22 =	sand.u32 $0xC00, s23  }
0x218: {  	s22 =	sor.u32 s0, s22  }
0x219: {  	v2 =	vld [tilespmem:s22+$0x9900]  }
0x21a: {  	v3 =	vld [tilespmem:s22+$0x9A80]  }
0x21b: {  	v4 =	vld [tilespmem:s22+$0x9B00]  }
0x21c: {  	v7 =	vld [tilespmem:s22+$0x9800]  }
0x21d: {  	v5 =	vld [tilespmem:s22+$0x9880]  }
0x21e: {  	v6 =	vld [tilespmem:s22+$0x9980];
	v2 =	vmul.f32 $3.846153990e-02, v2  }
0x21f: {  	v8 =	vld [tilespmem:s22+$0x9A00];
	v3 =	vmul.f32 $3.846153990e-02, v3  }
0x220: {  	v4 =	vmul.f32 $3.846153990e-02, v4;
	[tilespmem:s22+$0x9900] =	vst v2  }
0x221: {  	v63 =	vmul.f32 $3.846153990e-02, v7;
	[tilespmem:s22+$0x9A80] =	vst v3  }
0x222: {  	v2 =	vmul.f32 $3.846153990e-02, v5;
	[tilespmem:s22+$0x9B00] =	vst v4  }
0x223: {  	v3 =	vmul.f32 $3.846153990e-02, v6;
	[tilespmem:s22+$0x9800] =	vst v63  }
0x224: {  	[tilespmem:s22+$0x9880] =	vst v2;
	v2 =	vmul.f32 $3.846153990e-02, v8  }
0x225: {  	s31 =	sor.u32 s23, s23;
	[tilespmem:s22+$0x9980] =	vst v3  }
0x226: {  	s0 =	sor.u32 $0x380, s31;
	[tilespmem:s22+$0x9A00] =	vst v2  }
0x227: {  	v2 =	vld [tilespmem:s0+$0x9800];
	_ =	sdelay $0x4  }
0x228: {  	v2 =	vmul.f32 $3.846153990e-02, v2;
	_ =	sdelay $0x1  }
0x229: {  	s24 =	simm.s32 $0x10;
	[tilespmem:s0+$0x9800] =	vst v2  }
.LBB2_12:
0x22a: {  	p0 =	sne.s32 s24, $0x1F0  }
0x22b: {  	v2 =	vld [tilespmem:s22+$0xAB80];
	s23 =	sadd.s32 $0x80, s23;
	s25 =	smov.u32 s24;
	s24 =	sadd.s32 $0x10, s24  }
0x22c: {  	v3 =	vld [tilespmem:s22+$0xA900]  }
0x22d: {  	v4 =	vld [tilespmem:s22+$0xA800]  }
0x22e: {  	v5 =	vld [tilespmem:s22+$0xAA80]  }
0x22f: {  	v6 =	vld [tilespmem:s22+$0xAB00]  }
0x230: {  	v7 =	vld [tilespmem:s22+$0xA980];
	v2 =	vmul.f32 $3.846153990e-02, v2  }
0x231: {  	s0 =	sand.u32 $0x70, s25;
	s26 =	sand.u32 $0xC00, s23;
	v8 =	vld [tilespmem:s22+$0xAA00]  }
0x232: {  	s0 =	sor.u32 s0, s26;
	v3 =	vmul.f32 $3.846153990e-02, v3;
	v9 =	vld [tilespmem:s22+$0xA880];
	[tilespmem:s22+$0xAB80] =	vst v2  }
0x233: {  	v2 =	vld [tilespmem:s0+$0x9B00];
	v5 =	vmul.f32 $3.846153990e-02, v5  }
0x234: {  	v4 =	vmul.f32 $3.846153990e-02, v4;
	v10 =	vld [tilespmem:s0+$0x9900];
	[tilespmem:s22+$0xA900] =	vst v3  }
0x235: {  	v3 =	vld [tilespmem:s0+$0x9A80];
	[tilespmem:s22+$0xAA80] =	vst v5;
	v5 =	vmul.f32 $3.846153990e-02, v6  }
0x236: {  	v6 =	vld [tilespmem:s0+$0x9980];
	[tilespmem:s22+$0xA800] =	vst v4;
	v4 =	vmul.f32 $3.846153990e-02, v7  }
0x237: {  	v8 =	vmul.f32 $3.846153990e-02, v8;
	v7 =	vld [tilespmem:s0+$0x9880];
	v9 =	vmul.f32 $3.846153990e-02, v9;
	[tilespmem:s22+$0xAB00] =	vst v5  }
0x238: {  	v5 =	vld [tilespmem:s0+$0x9A00];
	v2 =	vmul.f32 $3.846153990e-02, v2;
	[tilespmem:s22+$0xA980] =	vst v4  }
0x239: {  	v4 =	vld [tilespmem:s0+$0x9800];
	v10 =	vmul.f32 $3.846153990e-02, v10;
	[tilespmem:s22+$0xAA00] =	vst v8  }
0x23a: {  	v3 =	vmul.f32 $3.846153990e-02, v3;
	[tilespmem:s22+$0xA880] =	vst v9;
	s22 =	smov.u32 s0  }
0x23b: {  	[tilespmem:s22+$0x9900] =	vst v10  }
0x23c: {  	v7 =	vmul.f32 $3.846153990e-02, v7;
	[tilespmem:s22+$0x9A80] =	vst v3  }
0x23d: {  	v3 =	vmul.f32 $3.846153990e-02, v6;
	v5 =	vmul.f32 $3.846153990e-02, v5;
	[tilespmem:s22+$0x9B00] =	vst v2  }
0x23e: {  	v2 =	vmul.f32 $3.846153990e-02, v4;
	[tilespmem:s22+$0x9880] =	vst v7  }
0x23f: {  	[tilespmem:s22+$0x9980] =	vst v3  }
0x240: {  	s0 =	sor.u32 s23, s25;
	[tilespmem:s22+$0x9800] =	vst v2  }
0x241: {  	s0 =	sor.u32 $0x380, s0;
	[tilespmem:s22+$0x9A00] =	vst v5  }
0x242: {  	v2 =	vld [tilespmem:s0+$0x9800];
	_ =	sdelay $0x2  }
.Ltmp5:
0x243: {  	(pc) =	sbr.rel @p0 .LBB2_12-.Ltmp5, $3  }
0x244: {  	_ = 	snop  }
0x245: {  	v2 =	vmul.f32 $3.846153990e-02, v2;
	_ =	sdelay $0x1  }
0x246: {  	[tilespmem:s0+$0x9800] =	vst v2  }
0x247: {  	v2 =	vld [tilespmem:s22+$0xAB80]  }
0x248: {  	v3 =	vld [tilespmem:s22+$0xA900]  }
0x249: {  	v4 =	vld [tilespmem:s22+$0xA800]  }
0x24a: {  	v5 =	vld [tilespmem:s22+$0xAA80]  }
0x24b: {  	v8 =	vld [tilespmem:s22+$0xAA00]  }
0x24c: {  	v6 =	vld [tilespmem:s22+$0xAB00];
	v2 =	vmul.f32 $3.846153990e-02, v2  }
0x24d: {  	v7 =	vld [tilespmem:s22+$0xA980];
	v3 =	vmul.f32 $3.846153990e-02, v3  }
0x24e: {  	v9 =	vld [tilespmem:s22+$0xA880];
	v4 =	vmul.f32 $3.846153990e-02, v4;
	[tilespmem:s22+$0xAB80] =	vst v2  }
0x24f: {  	v2 =	vmul.f32 $3.846153990e-02, v5;
	[tilespmem:s22+$0xA900] =	vst v3  }
0x250: {  	v63 =	vmul.f32 $3.846153990e-02, v8;
	[tilespmem:s22+$0xA800] =	vst v4  }
0x251: {  	[tilespmem:s22+$0xAA80] =	vst v2;
	v2 =	vmul.f32 $3.846153990e-02, v6  }
0x252: {  	v3 =	vmul.f32 $3.846153990e-02, v7;
	[tilespmem:s22+$0xAA00] =	vst v63  }
0x253: {  	s21 =	sadd.s32 $0x1, s21;
	[tilespmem:s22+$0xAB00] =	vst v2;
	v2 =	vmul.f32 $3.846153990e-02, v9  }
0x254: {  	p0 =	sne.s32 s21, s7;
	[tilespmem:s22+$0xA980] =	vst v3  }
.Ltmp6:
0x255: {  	[tilespmem:s22+$0xA880] =	vst v2;
	(pc) =	sbr.rel @p0 .LBB2_1-.Ltmp6, $4  }
0x256: {  	[hbm4b:s6+s18] =	stream.strided.scatter [tilespmem:s20], [sflag:$0x2], $0x2000, s19, s18, $0x38;
	[tilespmem:$0xB800] =	vst v63  }
0x257: {  	_ =	swait.ge [sflag:s10], $0x2000  }
0x258: {  	[sflag:s10] =	ssyncset.done $0x0  }
0x259: {  	[sflag:s10] =	ssyncadd.s32 $0xFFFFE000  }
0x25a: {  	_ =	sfence.sel $0x180000  }
0x25b: {  	[bflag:$0x0] =	sbarrier.arrive $0xFFFF  }
0x25c: {  	_ =	strace $0x9000004A  }
0x25d: {  	[bflag:$0x2] =	sbarrier.arrive $0xFFFF  }
0x25e: {  	p0 =	sne.s32 s2, $0x0;
	s0 =	rddreg [dreg:$0x3]  }
0x25f: {  	s0 =	sadd.s32 @!p0 $0x100000, s0  }
0x260: {  	[sflag:s0] =	ssyncadd.tile.s32 @!p0 $0x1;
	_ =	shalt  }
.Lfunc_end2:
_tile_overlayer_lowered:
.L_overlay_start_2:
0x261: {  	(tag) =	ssettag $0x2  }
0x262: {  	s0 =	rddreg [dreg:$0x0];
	s2 =	stileid.u32  }
0x263: {  	s1 =	rddreg [dreg:$0x1];
	p0 =	sne.s32 s2, $0x0  }
0x264: {  	s3 =	rddreg [dreg:$0x2];
	[bflag:$0x3] =	sbarrier.arrive $0xFFFF;
	s2 =	simm.s32 @!p0 $0x1C02  }
0x265: {  	[timem:s3], [sflag:s2] =	dma.local @!p0 [hbm:s0], s1  }
0x266: {  	s0 =	simm.s32 @!p0 $0x2  }
0x267: {  	_ =	swait.ge @!p0 [sflag:s0], s1  }
0x268: {  	s1 =	ssub.s32 @!p0 $0x0, s1;
	[sflag:s0] =	ssyncset.done @!p0 $0x0  }
0x269: {  	[sflag:s0] =	ssyncadd.s32 @!p0 s1  }
0x26a: {  	[bflag:$0x3] =	sbarrier.arrive $0xFFFF  }
0x26b: {  	_ =	shalt  }

</sc_bundles>
